<compile_context>
chip_gen: v7x
topology: tpu7x:2x2x1
jax: 0.10.2.dev20260603
libtpu: 0.0.44.dev20260713+nightly
codegen_flags: <defaults>
</compile_context>

<pallas_src>
import functools

import jax
import jax.numpy as jnp
from jax import lax
from jax.experimental import pallas as pl
from jax.experimental.pallas import tpu as pltpu
from jax.experimental.pallas import tpu_sc as plsc

N_NODES = 10000
N_EDGES = 320000
NP = 10240
NC = 2
NS = 16
NW = NC * NS
CHUNK = 128
RPW = 80
EP = NW * RPW * CHUNK
BR = 1024

_mesh = plsc.VectorSubcoreMesh(core_axis_name="c", subcore_axis_name="s")
_sc_params = pltpu.CompilerParams(needs_layout_passes=False,
                                  use_tc_tiling_on_sc=False)



@functools.partial(
    pl.kernel,
    out_type=jax.ShapeDtypeStruct((NW * NP,), jnp.float32),
    mesh=_mesh,
    compiler_params=_sc_params,
    scratch_types=[
        pltpu.VMEM((RPW, CHUNK), jnp.int32),
        pltpu.VMEM((NP,), jnp.float32),
    ],
)
def _deg_kernel(dst2d, out, dstv, degl):
    c = lax.axis_index("c")
    s = lax.axis_index("s")
    wid = s * NC + c
    zeros16 = jnp.zeros((16,), jnp.float32)
    ones16 = jnp.ones((16,), jnp.float32)

    def zero_body(i, carry):
        degl[pl.ds(i * 16, 16)] = zeros16
        return carry
    lax.fori_loop(0, NP // 16, zero_body, 0)

    pltpu.sync_copy(dst2d.at[pl.ds(wid * RPW, RPW)], dstv)

    def hist_body(j, carry):
        for l in range(CHUNK // 16):
            idx = dstv[j, pl.ds(l * 16, 16)]
            plsc.addupdate_scatter(degl, [idx], ones16)
        return carry
    lax.fori_loop(0, RPW, hist_body, 0)

    pltpu.sync_copy(degl, out.at[pl.ds(wid * NP, NP)])



RPC = EP // CHUNK // NS


def _make_agg_kernel(d):
    @functools.partial(
        pl.kernel,
        out_type=jax.ShapeDtypeStruct((NC, NP, d), jnp.float32),
        mesh=_mesh,
        compiler_params=_sc_params,
        scratch_types=[
            pltpu.VMEM((RPC, CHUNK), jnp.int32),
            pltpu.VMEM((RPC, CHUNK), jnp.int32),
            pltpu.VMEM((CHUNK, d), jnp.float32),
            pltpu.VMEM((CHUNK, d), jnp.float32),
            pltpu.VMEM_SHARED((NP, d), jnp.float32),
            pltpu.VMEM_SHARED((NP, d), jnp.float32),
            pltpu.SemaphoreType.DMA,
            pltpu.SemaphoreType.DMA,
        ],
    )
    def agg(g_hbm, src2d, dst2d, out, srcv, dstv, buf0, buf1, gshr,
            shared, sem0, sem1):
        c = lax.axis_index("c")
        s = lax.axis_index("s")
        rpt = NP // NS
        zeros16 = jnp.zeros((16,), jnp.float32)

        def zero_body(i, carry):
            for l in range(d // 16):
                buf0[i, pl.ds(l * 16, 16)] = zeros16
            return carry
        lax.fori_loop(0, CHUNK, zero_body, 0)

        pltpu.sync_copy(g_hbm.at[c, pl.ds(s * rpt, rpt)],
                        gshr.at[pl.ds(s * rpt, rpt)])
        for k in range(rpt // CHUNK):
            pltpu.sync_copy(buf0, shared.at[pl.ds(s * rpt + k * CHUNK, CHUNK)])
        plsc.subcore_barrier()

        pltpu.sync_copy(src2d.at[pl.ds(s * RPC, RPC)], srcv)
        pltpu.sync_copy(dst2d.at[pl.ds(s * RPC, RPC)], dstv)

        pltpu.async_copy(gshr.at[srcv.at[0]], buf0, sem0)

        def chunk_body(i, carry):
            base = i * 2
            cp1 = pltpu.async_copy(gshr.at[srcv.at[base + 1]], buf1, sem1)
            pltpu.make_async_copy(gshr.at[srcv.at[base]], buf0, sem0).wait()
            pltpu.sync_copy(buf0, shared.at[dstv.at[base]], add=True)

            @pl.when(base + 2 < RPC)
            def _():
                pltpu.async_copy(gshr.at[srcv.at[base + 2]], buf0, sem0)
            cp1.wait()
            pltpu.sync_copy(buf1, shared.at[dstv.at[base + 1]], add=True)
            return carry
        lax.fori_loop(0, RPC // 2, chunk_body, 0)

        plsc.subcore_barrier()
        for k in range(NP // NS // CHUNK):
            r0 = s * (NP // NS) + k * CHUNK
            pltpu.sync_copy(shared.at[pl.ds(r0, CHUNK)], out.at[c, pl.ds(r0, CHUNK)])

    return agg


_aggh32 = _make_agg_kernel(32)



def _dinv_block(p_block):
    return lax.rsqrt(jnp.sum(p_block, axis=0) + 1.0)[:, None]


def _tc_pre(x, w, degp, dout):
    def body(x_ref, w_ref, p_ref, h_ref, g_ref):
        dinv = _dinv_block(p_ref[...])
        h = jnp.dot(x_ref[...], w_ref[...], preferred_element_type=jnp.float32)
        h_ref[...] = h
        g = h * dinv
        g_ref[0] = g[:, :dout // 2]
        g_ref[1] = g[:, dout // 2:]
    din = x.shape[1]
    return pl.pallas_call(
        body,
        grid=(NP // BR,),
        in_specs=[
            pl.BlockSpec((BR, din), lambda i: (i, 0)),
            pl.BlockSpec((din, dout), lambda i: (0, 0)),
            pl.BlockSpec((NW, BR), lambda i: (0, i)),
        ],
        out_specs=[pl.BlockSpec((BR, dout), lambda i: (i, 0)),
                   pl.BlockSpec((NC, BR, dout // 2), lambda i: (0, i, 0))],
        out_shape=[jax.ShapeDtypeStruct((NP, dout), jnp.float32),
                   jax.ShapeDtypeStruct((NC, NP, dout // 2), jnp.float32)],
    )(x, w, degp)


def _tc_mid(h, a, degp, b, w, dout):
    dp = h.shape[1]
    dh = dp // 2
    n_g = dout // 64
    def body(h_ref, a_ref, p_ref, b_ref, w_ref, hn_ref, *g_refs):
        dinv = _dinv_block(p_ref[...])
        agg = jnp.concatenate([a_ref[0], a_ref[1]], axis=1)
        xn = jnp.maximum(
            dinv * (agg + dinv * h_ref[...]) + b_ref[...], 0.0)
        hn = jnp.dot(xn, w_ref[...], preferred_element_type=jnp.float32)
        hn_ref[...] = hn
        gn = hn * dinv
        for q in range(n_g):
            g_refs[q][0] = gn[:, q * 64:q * 64 + 32]
            g_refs[q][1] = gn[:, q * 64 + 32:q * 64 + 64]
    return pl.pallas_call(
        body,
        grid=(NP // BR,),
        in_specs=[
            pl.BlockSpec((BR, dp), lambda i: (i, 0)),
            pl.BlockSpec((NC, BR, dh), lambda i: (0, i, 0)),
            pl.BlockSpec((NW, BR), lambda i: (0, i)),
            pl.BlockSpec((1, dp), lambda i: (0, 0)),
            pl.BlockSpec((dp, dout), lambda i: (0, 0)),
        ],
        out_specs=[pl.BlockSpec((BR, dout), lambda i: (i, 0))]
        + [pl.BlockSpec((NC, BR, 32), lambda i: (0, i, 0))] * n_g,
        out_shape=[jax.ShapeDtypeStruct((NP, dout), jnp.float32)]
        + [jax.ShapeDtypeStruct((NC, NP, 32), jnp.float32)] * n_g,
    )(h, a, degp, b, w)


def _tc_post(h, a, degp, b):
    dp = h.shape[1]
    dh = dp // 2
    def body(h_ref, a0_ref, a1_ref, p_ref, b_ref, o_ref):
        dinv = _dinv_block(p_ref[...])
        agg = jnp.concatenate(
            [a0_ref[0], a0_ref[1], a1_ref[0], a1_ref[1]], axis=1)
        o_ref[...] = jnp.maximum(
            dinv * (agg + dinv * h_ref[...]) + b_ref[...], 0.0)
    return pl.pallas_call(
        body,
        grid=(NP // BR,),
        in_specs=[
            pl.BlockSpec((BR, dp), lambda i: (i, 0)),
            pl.BlockSpec((NC, BR, 32), lambda i: (0, i, 0)),
            pl.BlockSpec((NC, BR, 32), lambda i: (0, i, 0)),
            pl.BlockSpec((NW, BR), lambda i: (0, i)),
            pl.BlockSpec((1, dp), lambda i: (0, 0)),
        ],
        out_specs=pl.BlockSpec((BR, dp), lambda i: (i, 0)),
        out_shape=jax.ShapeDtypeStruct((N_NODES, dp), jnp.float32),
    )(h, a[0], a[1], degp, b)



def kernel(x, edge_index, W1, b1, W3, b3, W2, b2):
    src = edge_index[0].astype(jnp.int32)
    dst = edge_index[1].astype(jnp.int32)
    pad_e = EP - N_EDGES
    src2d = jnp.concatenate(
        [src, jnp.zeros((pad_e,), jnp.int32)]).reshape(EP // CHUNK, CHUNK)
    dst2d = jnp.concatenate(
        [dst, jnp.full((pad_e,), N_NODES, jnp.int32)]).reshape(EP // CHUNK, CHUNK)
    degp = _deg_kernel(dst2d).reshape(NW, NP)

    h1, g1 = _tc_pre(x, W1, degp, 64)
    a1 = _aggh32(g1, src2d, dst2d)
    h2, g2 = _tc_mid(h1, a1, degp, b1.reshape(1, -1), W3, 64)
    a2 = _aggh32(g2, src2d, dst2d)
    h3, g3q0, g3q1 = _tc_mid(h2, a2, degp, b3.reshape(1, -1), W2, 128)
    a3q0 = _aggh32(g3q0, src2d, dst2d)
    a3q1 = _aggh32(g3q1, src2d, dst2d)
    return _tc_post(h3, (a3q0, a3q1), degp, b2.reshape(1, -1))

# --- scband reference (transcript-rebuilt; emitter-appended) ---
"""Pipeline reference for scband-gnnactor-critic-model-pool-61503931678798 (READ-ONLY COPY).

The authoritative reference and input builder live on the scoring server;
editing this copy changes nothing except your own understanding.
"""

import jax, jax.numpy as jnp
import numpy as np

N_NODES = 10000
IN_DIM = 128
HID_DIM = 64
OUT_DIM = 128
N_EDGES = 320000


def gcn_conv(x, src, dst, W, b, num_nodes):
    # GCNConv with self-loops and symmetric normalization (PyG semantics)
    loop = jnp.arange(num_nodes, dtype=src.dtype)
    src_sl = jnp.concatenate([src, loop])
    dst_sl = jnp.concatenate([dst, loop])
    deg = jnp.zeros((num_nodes,), dtype=x.dtype).at[dst_sl].add(1.0)
    dinv = jnp.where(deg > 0, deg ** -0.5, 0.0)
    norm = dinv[src_sl] * dinv[dst_sl]
    h = x @ W
    msg = jnp.take(h, src_sl, axis=0) * norm[:, None]
    out = jnp.zeros((num_nodes, W.shape[1]), dtype=x.dtype).at[dst_sl].add(msg)
    return out + b


def setup_inputs(seed: int = 0) -> dict:
    key = jax.random.key(seed)
    k_x, k_e, k1, k2, k3, kb1, kb2, kb3 = jax.random.split(key, 8)
    x = jax.random.normal(k_x, (N_NODES, IN_DIM), dtype=jnp.float32)
    edge_index = jax.random.randint(k_e, (2, N_EDGES), 0, N_NODES, dtype=jnp.int64) if jax.config.jax_enable_x64 else jax.random.randint(k_e, (2, N_EDGES), 0, N_NODES).astype(jnp.int32)
    W1 = jax.random.normal(k1, (IN_DIM, HID_DIM), dtype=jnp.float32) * (1.0 / np.sqrt(IN_DIM))
    b1 = jnp.zeros((HID_DIM,), dtype=jnp.float32)
    W3 = jax.random.normal(k2, (HID_DIM, HID_DIM), dtype=jnp.float32) * (1.0 / np.sqrt(HID_DIM))
    b3 = jnp.zeros((HID_DIM,), dtype=jnp.float32)
    W2 = jax.random.normal(k3, (HID_DIM, OUT_DIM), dtype=jnp.float32) * (1.0 / np.sqrt(HID_DIM))
    b2 = jnp.zeros((OUT_DIM,), dtype=jnp.float32)
    return {"x": x, "edge_index": edge_index, "W1": W1, "b1": b1, "W3": W3, "b3": b3, "W2": W2, "b2": b2}


def reference(x, edge_index, W1, b1, W3, b3, W2, b2):
    # GNNLayer.forward: conv1 -> relu -> conv3 -> relu -> conv2 -> relu
    src = edge_index[0]
    dst = edge_index[1]
    n = x.shape[0]
    h = gcn_conv(x, src, dst, W1, b1, n)
    h = jax.nn.relu(h)
    h = gcn_conv(h, src, dst, W3, b3, n)
    h = jax.nn.relu(h)
    h = gcn_conv(h, src, dst, W2, b2, n)
    h = jax.nn.relu(h)
    return h

if __name__ == "__main__":
    import jax
    _d = setup_inputs()
    print(jax.jit(kernel)(*tuple(_d.values())))

</pallas_src>

<mosaic_0001>
#map = affine_map<(d0, d1) -> (0, 0, 0)>
#map1 = affine_map<(d0, d1) -> (0, 0)>
module attributes {stable_mosaic.version = 14 : i64} {
  func.func @agg(%arg0: i32, %arg1: i32, %arg2: memref<2x10240x32xf32, #tpu.memory_space<hbm>>, %arg3: memref<2560x128xi32, #tpu.memory_space<hbm>>, %arg4: memref<2560x128xi32, #tpu.memory_space<hbm>>, %arg5: memref<2x10240x32xf32, #tpu.memory_space<hbm>>, %arg6: memref<160x128xi32, #tpu.memory_space<vmem>>, %arg7: memref<160x128xi32, #tpu.memory_space<vmem>>, %arg8: memref<128x32xf32, #tpu.memory_space<vmem>>, %arg9: memref<128x32xf32, #tpu.memory_space<vmem>>, %arg10: memref<10240x32xf32, #tpu.memory_space<vmem_shared>>, %arg11: memref<10240x32xf32, #tpu.memory_space<vmem_shared>>, %arg12: memref<!tpu.dma_semaphore, #tpu.memory_space<semaphore_mem>>, %arg13: memref<!tpu.dma_semaphore, #tpu.memory_space<semaphore_mem>>) attributes {dimension_semantics = [#tpu.dimension_semantics<core_parallel>, #tpu.dimension_semantics<subcore_parallel>], iteration_bounds = array<i64: 2, 16>, scalar_prefetch = 0 : i64, scratch_operands = 8 : i64, tpu.core_type = #tpu.core_type<sc_vector_subcore>, window_params = [{transform_indices = #map}, {transform_indices = #map1}, {transform_indices = #map1}, {transform_indices = #map}]} {
    %broadcast_in_dim3A = arith.constant 0.000000e+00 : f32
    %broadcast_in_dim3A_0 = vector.broadcast %broadcast_in_dim3A : f32 to vector<16xf32>
    %scan3A = arith.constant 0 : i32
    %scan3A_1 = arith.constant 0 : i32
    %scan3A_2 = arith.constant 128 : i32
    %scan3A_3 = arith.addi %scan3A_1, %scan3A_2 : i32
    %scan3A_4 = arith.constant 1 : i32
    scf.for %scan3A_65 = %scan3A_1 to %scan3A_3 step %scan3A_4  : i32 {
      %swap3A = arith.index_cast %scan3A_65 : i32 to index
      %swap3A_66 = arith.constant 0 : index
      %swap3A_67 = tpu.vector_load %arg8[%swap3A, %swap3A_66] {strides = array<i32>} : memref<128x32xf32, #tpu.memory_space<vmem>>, vector<16xf32>,
      tpu.vector_store %arg8[%swap3A, %swap3A_66], %broadcast_in_dim3A_0 {strides = array<i32>} : memref<128x32xf32, #tpu.memory_space<vmem>>, vector<16xf32>,
      %swap3A_68 = arith.index_cast %scan3A_65 : i32 to index
      %swap3A_69 = arith.constant 16 : index
      %swap3A_70 = tpu.vector_load %arg8[%swap3A_68, %swap3A_69] {strides = array<i32>} : memref<128x32xf32, #tpu.memory_space<vmem>>, vector<16xf32>,
      tpu.vector_store %arg8[%swap3A_68, %swap3A_69], %broadcast_in_dim3A_0 {strides = array<i32>} : memref<128x32xf32, #tpu.memory_space<vmem>>, vector<16xf32>,
    }
    %scan3A_5 = arith.constant 128 : i32
    %mul3A = arith.constant 640 : i32
    %mul3A_6 = arith.muli %arg1, %mul3A : i32
    %mul3A_7 = arith.constant 640 : i32
    %mul3A_8 = arith.muli %arg1, %mul3A_7 : i32
    "tpu.region"() ({
      %run_scoped3A = tpu.sem_alloc : memref<!tpu.dma_semaphore, #tpu.memory_space<semaphore_mem>>
      %dma_start3A_65 = arith.constant 0 : i32
      %dma_start3A_66 = tpu.memref_slice %arg10[%mul3A_8, %dma_start3A_65] : memref<10240x32xf32, #tpu.memory_space<vmem_shared>> -> memref<640x32xf32, #tpu.memory_space<vmem_shared>>
      %dma_start3A_67 = arith.constant 0 : i32
      %dma_start3A_68 = tpu.memref_slice %arg2[%arg0, %mul3A_6, %dma_start3A_67] : memref<2x10240x32xf32, #tpu.memory_space<hbm>> -> memref<1x640x32xf32, #tpu.memory_space<hbm>>
      %dma_start3A_69 = tpu.memref_squeeze %dma_start3A_68 : memref<1x640x32xf32, #tpu.memory_space<hbm>> -> memref<640x32xf32, #tpu.memory_space<hbm>>
      tpu.enqueue_dma source(%dma_start3A_69 : memref<640x32xf32, #tpu.memory_space<hbm>>) target(%dma_start3A_66 : memref<640x32xf32, #tpu.memory_space<vmem_shared>>) target_semaphore(%run_scoped3A : memref<!tpu.dma_semaphore, #tpu.memory_space<semaphore_mem>>)
      %dma_wait3A = arith.constant 0 : i32
      %dma_wait3A_70 = tpu.memref_slice %arg10[%mul3A_8, %dma_wait3A] : memref<10240x32xf32, #tpu.memory_space<vmem_shared>> -> memref<640x32xf32, #tpu.memory_space<vmem_shared>>
      %dma_wait3A_71 = arith.constant 0 : i32
      %dma_wait3A_72 = tpu.memref_slice %arg2[%arg0, %mul3A_6, %dma_wait3A_71] : memref<2x10240x32xf32, #tpu.memory_space<hbm>> -> memref<1x640x32xf32, #tpu.memory_space<hbm>>
      %dma_wait3A_73 = tpu.memref_squeeze %dma_wait3A_72 : memref<1x640x32xf32, #tpu.memory_space<hbm>> -> memref<640x32xf32, #tpu.memory_space<hbm>>
      tpu.wait_dma2 semaphore(%run_scoped3A : memref<!tpu.dma_semaphore, #tpu.memory_space<semaphore_mem>>) src(%dma_wait3A_73 : memref<640x32xf32, #tpu.memory_space<hbm>>) dst(%dma_wait3A_70 : memref<640x32xf32, #tpu.memory_space<vmem_shared>>)
      tpu.yield
    }) : () -> ()
    %mul3A_9 = arith.constant 640 : i32
    %mul3A_10 = arith.muli %arg1, %mul3A_9 : i32
    %add3A = arith.constant 0 : i32
    %add3A_11 = arith.addi %mul3A_10, %add3A : i32
    "tpu.region"() ({
      %run_scoped3A = tpu.sem_alloc : memref<!tpu.dma_semaphore, #tpu.memory_space<semaphore_mem>>
      %dma_start3A_65 = arith.constant 0 : i32
      %dma_start3A_66 = tpu.memref_slice %arg11[%add3A_11, %dma_start3A_65] : memref<10240x32xf32, #tpu.memory_space<vmem_shared>> -> memref<128x32xf32, #tpu.memory_space<vmem_shared>>
      %dma_start3A_67 = arith.constant 0 : i32
      %dma_start3A_68 = tpu.memref_slice %arg11[%add3A_11, %dma_start3A_67] : memref<10240x32xf32, #tpu.memory_space<vmem_shared>> -> memref<128x32xf32, #tpu.memory_space<vmem_shared>>
      tpu.enqueue_dma source(%arg8 : memref<128x32xf32, #tpu.memory_space<vmem>>) target(%dma_start3A_68 : memref<128x32xf32, #tpu.memory_space<vmem_shared>>) target_semaphore(%run_scoped3A : memref<!tpu.dma_semaphore, #tpu.memory_space<semaphore_mem>>)
      %dma_wait3A = arith.constant 0 : i32
      %dma_wait3A_69 = tpu.memref_slice %arg11[%add3A_11, %dma_wait3A] : memref<10240x32xf32, #tpu.memory_space<vmem_shared>> -> memref<128x32xf32, #tpu.memory_space<vmem_shared>>
      %dma_wait3A_70 = arith.constant 0 : i32
      %dma_wait3A_71 = tpu.memref_slice %arg11[%add3A_11, %dma_wait3A_70] : memref<10240x32xf32, #tpu.memory_space<vmem_shared>> -> memref<128x32xf32, #tpu.memory_space<vmem_shared>>
      tpu.wait_dma2 semaphore(%run_scoped3A : memref<!tpu.dma_semaphore, #tpu.memory_space<semaphore_mem>>) src(%arg8 : memref<128x32xf32, #tpu.memory_space<vmem>>) dst(%dma_wait3A_71 : memref<128x32xf32, #tpu.memory_space<vmem_shared>>)
      tpu.yield
    }) : () -> ()
    %mul3A_12 = arith.constant 640 : i32
    %mul3A_13 = arith.muli %arg1, %mul3A_12 : i32
    %add3A_14 = arith.constant 128 : i32
    %add3A_15 = arith.addi %mul3A_13, %add3A_14 : i32
    "tpu.region"() ({
      %run_scoped3A = tpu.sem_alloc : memref<!tpu.dma_semaphore, #tpu.memory_space<semaphore_mem>>
      %dma_start3A_65 = arith.constant 0 : i32
      %dma_start3A_66 = tpu.memref_slice %arg11[%add3A_15, %dma_start3A_65] : memref<10240x32xf32, #tpu.memory_space<vmem_shared>> -> memref<128x32xf32, #tpu.memory_space<vmem_shared>>
      %dma_start3A_67 = arith.constant 0 : i32
      %dma_start3A_68 = tpu.memref_slice %arg11[%add3A_15, %dma_start3A_67] : memref<10240x32xf32, #tpu.memory_space<vmem_shared>> -> memref<128x32xf32, #tpu.memory_space<vmem_shared>>
      tpu.enqueue_dma source(%arg8 : memref<128x32xf32, #tpu.memory_space<vmem>>) target(%dma_start3A_68 : memref<128x32xf32, #tpu.memory_space<vmem_shared>>) target_semaphore(%run_scoped3A : memref<!tpu.dma_semaphore, #tpu.memory_space<semaphore_mem>>)
      %dma_wait3A = arith.constant 0 : i32
      %dma_wait3A_69 = tpu.memref_slice %arg11[%add3A_15, %dma_wait3A] : memref<10240x32xf32, #tpu.memory_space<vmem_shared>> -> memref<128x32xf32, #tpu.memory_space<vmem_shared>>
      %dma_wait3A_70 = arith.constant 0 : i32
      %dma_wait3A_71 = tpu.memref_slice %arg11[%add3A_15, %dma_wait3A_70] : memref<10240x32xf32, #tpu.memory_space<vmem_shared>> -> memref<128x32xf32, #tpu.memory_space<vmem_shared>>
      tpu.wait_dma2 semaphore(%run_scoped3A : memref<!tpu.dma_semaphore, #tpu.memory_space<semaphore_mem>>) src(%arg8 : memref<128x32xf32, #tpu.memory_space<vmem>>) dst(%dma_wait3A_71 : memref<128x32xf32, #tpu.memory_space<vmem_shared>>)
      tpu.yield
    }) : () -> ()
    %mul3A_16 = arith.constant 640 : i32
    %mul3A_17 = arith.muli %arg1, %mul3A_16 : i32
    %add3A_18 = arith.constant 256 : i32
    %add3A_19 = arith.addi %mul3A_17, %add3A_18 : i32
    "tpu.region"() ({
      %run_scoped3A = tpu.sem_alloc : memref<!tpu.dma_semaphore, #tpu.memory_space<semaphore_mem>>
      %dma_start3A_65 = arith.constant 0 : i32
      %dma_start3A_66 = tpu.memref_slice %arg11[%add3A_19, %dma_start3A_65] : memref<10240x32xf32, #tpu.memory_space<vmem_shared>> -> memref<128x32xf32, #tpu.memory_space<vmem_shared>>
      %dma_start3A_67 = arith.constant 0 : i32
      %dma_start3A_68 = tpu.memref_slice %arg11[%add3A_19, %dma_start3A_67] : memref<10240x32xf32, #tpu.memory_space<vmem_shared>> -> memref<128x32xf32, #tpu.memory_space<vmem_shared>>
      tpu.enqueue_dma source(%arg8 : memref<128x32xf32, #tpu.memory_space<vmem>>) target(%dma_start3A_68 : memref<128x32xf32, #tpu.memory_space<vmem_shared>>) target_semaphore(%run_scoped3A : memref<!tpu.dma_semaphore, #tpu.memory_space<semaphore_mem>>)
      %dma_wait3A = arith.constant 0 : i32
      %dma_wait3A_69 = tpu.memref_slice %arg11[%add3A_19, %dma_wait3A] : memref<10240x32xf32, #tpu.memory_space<vmem_shared>> -> memref<128x32xf32, #tpu.memory_space<vmem_shared>>
      %dma_wait3A_70 = arith.constant 0 : i32
      %dma_wait3A_71 = tpu.memref_slice %arg11[%add3A_19, %dma_wait3A_70] : memref<10240x32xf32, #tpu.memory_space<vmem_shared>> -> memref<128x32xf32, #tpu.memory_space<vmem_shared>>
      tpu.wait_dma2 semaphore(%run_scoped3A : memref<!tpu.dma_semaphore, #tpu.memory_space<semaphore_mem>>) src(%arg8 : memref<128x32xf32, #tpu.memory_space<vmem>>) dst(%dma_wait3A_71 : memref<128x32xf32, #tpu.memory_space<vmem_shared>>)
      tpu.yield
    }) : () -> ()
    %mul3A_20 = arith.constant 640 : i32
    %mul3A_21 = arith.muli %arg1, %mul3A_20 : i32
    %add3A_22 = arith.constant 384 : i32
    %add3A_23 = arith.addi %mul3A_21, %add3A_22 : i32
    "tpu.region"() ({
      %run_scoped3A = tpu.sem_alloc : memref<!tpu.dma_semaphore, #tpu.memory_space<semaphore_mem>>
      %dma_start3A_65 = arith.constant 0 : i32
      %dma_start3A_66 = tpu.memref_slice %arg11[%add3A_23, %dma_start3A_65] : memref<10240x32xf32, #tpu.memory_space<vmem_shared>> -> memref<128x32xf32, #tpu.memory_space<vmem_shared>>
      %dma_start3A_67 = arith.constant 0 : i32
      %dma_start3A_68 = tpu.memref_slice %arg11[%add3A_23, %dma_start3A_67] : memref<10240x32xf32, #tpu.memory_space<vmem_shared>> -> memref<128x32xf32, #tpu.memory_space<vmem_shared>>
      tpu.enqueue_dma source(%arg8 : memref<128x32xf32, #tpu.memory_space<vmem>>) target(%dma_start3A_68 : memref<128x32xf32, #tpu.memory_space<vmem_shared>>) target_semaphore(%run_scoped3A : memref<!tpu.dma_semaphore, #tpu.memory_space<semaphore_mem>>)
      %dma_wait3A = arith.constant 0 : i32
      %dma_wait3A_69 = tpu.memref_slice %arg11[%add3A_23, %dma_wait3A] : memref<10240x32xf32, #tpu.memory_space<vmem_shared>> -> memref<128x32xf32, #tpu.memory_space<vmem_shared>>
      %dma_wait3A_70 = arith.constant 0 : i32
      %dma_wait3A_71 = tpu.memref_slice %arg11[%add3A_23, %dma_wait3A_70] : memref<10240x32xf32, #tpu.memory_space<vmem_shared>> -> memref<128x32xf32, #tpu.memory_space<vmem_shared>>
      tpu.wait_dma2 semaphore(%run_scoped3A : memref<!tpu.dma_semaphore, #tpu.memory_space<semaphore_mem>>) src(%arg8 : memref<128x32xf32, #tpu.memory_space<vmem>>) dst(%dma_wait3A_71 : memref<128x32xf32, #tpu.memory_space<vmem_shared>>)
      tpu.yield
    }) : () -> ()
    %mul3A_24 = arith.constant 640 : i32
    %mul3A_25 = arith.muli %arg1, %mul3A_24 : i32
    %add3A_26 = arith.constant 512 : i32
    %add3A_27 = arith.addi %mul3A_25, %add3A_26 : i32
    "tpu.region"() ({
      %run_scoped3A = tpu.sem_alloc : memref<!tpu.dma_semaphore, #tpu.memory_space<semaphore_mem>>
      %dma_start3A_65 = arith.constant 0 : i32
      %dma_start3A_66 = tpu.memref_slice %arg11[%add3A_27, %dma_start3A_65] : memref<10240x32xf32, #tpu.memory_space<vmem_shared>> -> memref<128x32xf32, #tpu.memory_space<vmem_shared>>
      %dma_start3A_67 = arith.constant 0 : i32
      %dma_start3A_68 = tpu.memref_slice %arg11[%add3A_27, %dma_start3A_67] : memref<10240x32xf32, #tpu.memory_space<vmem_shared>> -> memref<128x32xf32, #tpu.memory_space<vmem_shared>>
      tpu.enqueue_dma source(%arg8 : memref<128x32xf32, #tpu.memory_space<vmem>>) target(%dma_start3A_68 : memref<128x32xf32, #tpu.memory_space<vmem_shared>>) target_semaphore(%run_scoped3A : memref<!tpu.dma_semaphore, #tpu.memory_space<semaphore_mem>>)
      %dma_wait3A = arith.constant 0 : i32
      %dma_wait3A_69 = tpu.memref_slice %arg11[%add3A_27, %dma_wait3A] : memref<10240x32xf32, #tpu.memory_space<vmem_shared>> -> memref<128x32xf32, #tpu.memory_space<vmem_shared>>
      %dma_wait3A_70 = arith.constant 0 : i32
      %dma_wait3A_71 = tpu.memref_slice %arg11[%add3A_27, %dma_wait3A_70] : memref<10240x32xf32, #tpu.memory_space<vmem_shared>> -> memref<128x32xf32, #tpu.memory_space<vmem_shared>>
      tpu.wait_dma2 semaphore(%run_scoped3A : memref<!tpu.dma_semaphore, #tpu.memory_space<semaphore_mem>>) src(%arg8 : memref<128x32xf32, #tpu.memory_space<vmem>>) dst(%dma_wait3A_71 : memref<128x32xf32, #tpu.memory_space<vmem_shared>>)
      tpu.yield
    }) : () -> ()
    %barrier3A = arith.constant 0 : index
    tpu.barrier barrier_id(%barrier3A)
    %mul3A_28 = arith.constant 160 : i32
    %mul3A_29 = arith.muli %arg1, %mul3A_28 : i32
    "tpu.region"() ({
      %run_scoped3A = tpu.sem_alloc : memref<!tpu.dma_semaphore, #tpu.memory_space<semaphore_mem>>
      %dma_start3A_65 = arith.constant 0 : i32
      %dma_start3A_66 = tpu.memref_slice %arg3[%mul3A_29, %dma_start3A_65] : memref<2560x128xi32, #tpu.memory_space<hbm>> -> memref<160x128xi32, #tpu.memory_space<hbm>>
      %dma_start3A_67 = arith.constant 0 : i32
      %dma_start3A_68 = tpu.memref_slice %arg3[%mul3A_29, %dma_start3A_67] : memref<2560x128xi32, #tpu.memory_space<hbm>> -> memref<160x128xi32, #tpu.memory_space<hbm>>
      tpu.enqueue_dma source(%dma_start3A_68 : memref<160x128xi32, #tpu.memory_space<hbm>>) target(%arg6 : memref<160x128xi32, #tpu.memory_space<vmem>>) target_semaphore(%run_scoped3A : memref<!tpu.dma_semaphore, #tpu.memory_space<semaphore_mem>>)
      %dma_wait3A = arith.constant 0 : i32
      %dma_wait3A_69 = tpu.memref_slice %arg3[%mul3A_29, %dma_wait3A] : memref<2560x128xi32, #tpu.memory_space<hbm>> -> memref<160x128xi32, #tpu.memory_space<hbm>>
      %dma_wait3A_70 = arith.constant 0 : i32
      %dma_wait3A_71 = tpu.memref_slice %arg3[%mul3A_29, %dma_wait3A_70] : memref<2560x128xi32, #tpu.memory_space<hbm>> -> memref<160x128xi32, #tpu.memory_space<hbm>>
      tpu.wait_dma2 semaphore(%run_scoped3A : memref<!tpu.dma_semaphore, #tpu.memory_space<semaphore_mem>>) src(%dma_wait3A_71 : memref<160x128xi32, #tpu.memory_space<hbm>>) dst(%arg6 : memref<160x128xi32, #tpu.memory_space<vmem>>)
      tpu.yield
    }) : () -> ()
    %mul3A_30 = arith.constant 160 : i32
    %mul3A_31 = arith.muli %arg1, %mul3A_30 : i32
    "tpu.region"() ({
      %run_scoped3A = tpu.sem_alloc : memref<!tpu.dma_semaphore, #tpu.memory_space<semaphore_mem>>
      %dma_start3A_65 = arith.constant 0 : i32
      %dma_start3A_66 = tpu.memref_slice %arg4[%mul3A_31, %dma_start3A_65] : memref<2560x128xi32, #tpu.memory_space<hbm>> -> memref<160x128xi32, #tpu.memory_space<hbm>>
      %dma_start3A_67 = arith.constant 0 : i32
      %dma_start3A_68 = tpu.memref_slice %arg4[%mul3A_31, %dma_start3A_67] : memref<2560x128xi32, #tpu.memory_space<hbm>> -> memref<160x128xi32, #tpu.memory_space<hbm>>
      tpu.enqueue_dma source(%dma_start3A_68 : memref<160x128xi32, #tpu.memory_space<hbm>>) target(%arg7 : memref<160x128xi32, #tpu.memory_space<vmem>>) target_semaphore(%run_scoped3A : memref<!tpu.dma_semaphore, #tpu.memory_space<semaphore_mem>>)
      %dma_wait3A = arith.constant 0 : i32
      %dma_wait3A_69 = tpu.memref_slice %arg4[%mul3A_31, %dma_wait3A] : memref<2560x128xi32, #tpu.memory_space<hbm>> -> memref<160x128xi32, #tpu.memory_space<hbm>>
      %dma_wait3A_70 = arith.constant 0 : i32
      %dma_wait3A_71 = tpu.memref_slice %arg4[%mul3A_31, %dma_wait3A_70] : memref<2560x128xi32, #tpu.memory_space<hbm>> -> memref<160x128xi32, #tpu.memory_space<hbm>>
      tpu.wait_dma2 semaphore(%run_scoped3A : memref<!tpu.dma_semaphore, #tpu.memory_space<semaphore_mem>>) src(%dma_wait3A_71 : memref<160x128xi32, #tpu.memory_space<hbm>>) dst(%arg7 : memref<160x128xi32, #tpu.memory_space<vmem>>)
      tpu.yield
    }) : () -> ()
    %dma_start3A = arith.constant 0 : i32
    %dma_start3A_32 = arith.constant 0 : i32
    %dma_start3A_33 = tpu.memref_slice %arg6[%dma_start3A, %dma_start3A_32] : memref<160x128xi32, #tpu.memory_space<vmem>> -> memref<1x128xi32, #tpu.memory_space<vmem>>
    %dma_start3A_34 = tpu.memref_squeeze %dma_start3A_33 : memref<1x128xi32, #tpu.memory_space<vmem>> -> memref<128xi32, #tpu.memory_space<vmem>>
    %dma_start3A_35 = arith.constant 0 : i32
    %dma_start3A_36 = arith.constant 0 : i32
    %dma_start3A_37 = tpu.memref_slice %arg10[%dma_start3A_35, %dma_start3A_36] : memref<10240x32xf32, #tpu.memory_space<vmem_shared>> -> memref<10240x32xf32, #tpu.memory_space<vmem_shared>>
    tpu.enqueue_indirect_dma source(%dma_start3A_37 : memref<10240x32xf32, #tpu.memory_space<vmem_shared>>) target(%arg8 : memref<128x32xf32, #tpu.memory_space<vmem>>) offsets(%dma_start3A_34 : memref<128xi32, #tpu.memory_space<vmem>>) semaphore(%arg12 : memref<!tpu.dma_semaphore, #tpu.memory_space<semaphore_mem>>)
    %scan3A_38 = arith.constant 0 : i32
    %scan3A_39 = arith.constant 0 : i32
    %scan3A_40 = arith.constant 80 : i32
    %scan3A_41 = arith.addi %scan3A_39, %scan3A_40 : i32
    %scan3A_42 = arith.constant 1 : i32
    scf.for %scan3A_65 = %scan3A_39 to %scan3A_41 step %scan3A_42  : i32 {
      %mul3A_66 = arith.constant 2 : i32
      %mul3A_67 = arith.muli %scan3A_65, %mul3A_66 : i32
      %add3A_68 = arith.constant 1 : i32
      %add3A_69 = arith.addi %mul3A_67, %add3A_68 : i32
      %dma_start3A_70 = arith.constant 0 : i32
      %dma_start3A_71 = tpu.memref_slice %arg6[%add3A_69, %dma_start3A_70] : memref<160x128xi32, #tpu.memory_space<vmem>> -> memref<1x128xi32, #tpu.memory_space<vmem>>
      %dma_start3A_72 = tpu.memref_squeeze %dma_start3A_71 : memref<1x128xi32, #tpu.memory_space<vmem>> -> memref<128xi32, #tpu.memory_space<vmem>>
      %dma_start3A_73 = arith.constant 0 : i32
      %dma_start3A_74 = arith.constant 0 : i32
      %dma_start3A_75 = tpu.memref_slice %arg10[%dma_start3A_73, %dma_start3A_74] : memref<10240x32xf32, #tpu.memory_space<vmem_shared>> -> memref<10240x32xf32, #tpu.memory_space<vmem_shared>>
      tpu.enqueue_indirect_dma source(%dma_start3A_75 : memref<10240x32xf32, #tpu.memory_space<vmem_shared>>) target(%arg9 : memref<128x32xf32, #tpu.memory_space<vmem>>) offsets(%dma_start3A_72 : memref<128xi32, #tpu.memory_space<vmem>>) semaphore(%arg13 : memref<!tpu.dma_semaphore, #tpu.memory_space<semaphore_mem>>)
      %dma_wait3A = arith.constant 0 : i32
      %dma_wait3A_76 = tpu.memref_slice %arg6[%mul3A_67, %dma_wait3A] : memref<160x128xi32, #tpu.memory_space<vmem>> -> memref<1x128xi32, #tpu.memory_space<vmem>>
      %dma_wait3A_77 = tpu.memref_squeeze %dma_wait3A_76 : memref<1x128xi32, #tpu.memory_space<vmem>> -> memref<128xi32, #tpu.memory_space<vmem>>
      %dma_wait3A_78 = arith.constant 0 : i32
      %dma_wait3A_79 = arith.constant 0 : i32
      %dma_wait3A_80 = tpu.memref_slice %arg10[%dma_wait3A_78, %dma_wait3A_79] : memref<10240x32xf32, #tpu.memory_space<vmem_shared>> -> memref<10240x32xf32, #tpu.memory_space<vmem_shared>>
      tpu.wait_indirect_dma semaphore(%arg12 : memref<!tpu.dma_semaphore, #tpu.memory_space<semaphore_mem>>) src(%dma_wait3A_80 : memref<10240x32xf32, #tpu.memory_space<vmem_shared>>) dst(%arg8 : memref<128x32xf32, #tpu.memory_space<vmem>>)
      "tpu.region"() ({
        %run_scoped3A = tpu.sem_alloc : memref<!tpu.dma_semaphore, #tpu.memory_space<semaphore_mem>>
        %dma_start3A_93 = arith.constant 0 : i32
        %dma_start3A_94 = tpu.memref_slice %arg7[%mul3A_67, %dma_start3A_93] : memref<160x128xi32, #tpu.memory_space<vmem>> -> memref<1x128xi32, #tpu.memory_space<vmem>>
        %dma_start3A_95 = tpu.memref_squeeze %dma_start3A_94 : memref<1x128xi32, #tpu.memory_space<vmem>> -> memref<128xi32, #tpu.memory_space<vmem>>
        %dma_start3A_96 = arith.constant 0 : i32
        %dma_start3A_97 = arith.constant 0 : i32
        %dma_start3A_98 = tpu.memref_slice %arg11[%dma_start3A_96, %dma_start3A_97] : memref<10240x32xf32, #tpu.memory_space<vmem_shared>> -> memref<10240x32xf32, #tpu.memory_space<vmem_shared>>
        tpu.enqueue_indirect_dma source(%arg8 : memref<128x32xf32, #tpu.memory_space<vmem>>) target(%dma_start3A_98 : memref<10240x32xf32, #tpu.memory_space<vmem_shared>>) offsets(%dma_start3A_95 : memref<128xi32, #tpu.memory_space<vmem>>) semaphore(%run_scoped3A : memref<!tpu.dma_semaphore, #tpu.memory_space<semaphore_mem>>) {add = true}
        %dma_wait3A_99 = arith.constant 0 : i32
        %dma_wait3A_100 = tpu.memref_slice %arg7[%mul3A_67, %dma_wait3A_99] : memref<160x128xi32, #tpu.memory_space<vmem>> -> memref<1x128xi32, #tpu.memory_space<vmem>>
        %dma_wait3A_101 = tpu.memref_squeeze %dma_wait3A_100 : memref<1x128xi32, #tpu.memory_space<vmem>> -> memref<128xi32, #tpu.memory_space<vmem>>
        %dma_wait3A_102 = arith.constant 0 : i32
        %dma_wait3A_103 = arith.constant 0 : i32
        %dma_wait3A_104 = tpu.memref_slice %arg11[%dma_wait3A_102, %dma_wait3A_103] : memref<10240x32xf32, #tpu.memory_space<vmem_shared>> -> memref<10240x32xf32, #tpu.memory_space<vmem_shared>>
        tpu.wait_indirect_dma semaphore(%run_scoped3A : memref<!tpu.dma_semaphore, #tpu.memory_space<semaphore_mem>>) src(%arg8 : memref<128x32xf32, #tpu.memory_space<vmem>>) dst(%dma_wait3A_104 : memref<10240x32xf32, #tpu.memory_space<vmem_shared>>)
        tpu.yield
      }) : () -> ()
      %add3A_81 = arith.constant 2 : i32
      %add3A_82 = arith.addi %mul3A_67, %add3A_81 : i32
      %lt3A = arith.constant 160 : i32
      %lt3A_83 = arith.cmpi slt, %add3A_82, %lt3A : i32
      %convert_element_type3A = arith.extui %lt3A_83 : i1 to i32
      %cond3A = arith.constant 0 : i32
      %cond3A_84 = arith.cmpi ne, %convert_element_type3A, %cond3A : i32
      scf.if %cond3A_84 {
        %add3A_93 = arith.constant 2 : i32
        %add3A_94 = arith.addi %mul3A_67, %add3A_93 : i32
        %dma_start3A_95 = arith.constant 0 : i32
        %dma_start3A_96 = tpu.memref_slice %arg6[%add3A_94, %dma_start3A_95] : memref<160x128xi32, #tpu.memory_space<vmem>> -> memref<1x128xi32, #tpu.memory_space<vmem>>
        %dma_start3A_97 = tpu.memref_squeeze %dma_start3A_96 : memref<1x128xi32, #tpu.memory_space<vmem>> -> memref<128xi32, #tpu.memory_space<vmem>>
        %dma_start3A_98 = arith.constant 0 : i32
        %dma_start3A_99 = arith.constant 0 : i32
        %dma_start3A_100 = tpu.memref_slice %arg10[%dma_start3A_98, %dma_start3A_99] : memref<10240x32xf32, #tpu.memory_space<vmem_shared>> -> memref<10240x32xf32, #tpu.memory_space<vmem_shared>>
        tpu.enqueue_indirect_dma source(%dma_start3A_100 : memref<10240x32xf32, #tpu.memory_space<vmem_shared>>) target(%arg8 : memref<128x32xf32, #tpu.memory_space<vmem>>) offsets(%dma_start3A_97 : memref<128xi32, #tpu.memory_space<vmem>>) semaphore(%arg12 : memref<!tpu.dma_semaphore, #tpu.memory_space<semaphore_mem>>)
      } else {
      }
      %dma_wait3A_85 = arith.constant 0 : i32
      %dma_wait3A_86 = tpu.memref_slice %arg6[%add3A_69, %dma_wait3A_85] : memref<160x128xi32, #tpu.memory_space<vmem>> -> memref<1x128xi32, #tpu.memory_space<vmem>>
      %dma_wait3A_87 = tpu.memref_squeeze %dma_wait3A_86 : memref<1x128xi32, #tpu.memory_space<vmem>> -> memref<128xi32, #tpu.memory_space<vmem>>
      %dma_wait3A_88 = arith.constant 0 : i32
      %dma_wait3A_89 = arith.constant 0 : i32
      %dma_wait3A_90 = tpu.memref_slice %arg10[%dma_wait3A_88, %dma_wait3A_89] : memref<10240x32xf32, #tpu.memory_space<vmem_shared>> -> memref<10240x32xf32, #tpu.memory_space<vmem_shared>>
      tpu.wait_indirect_dma semaphore(%arg13 : memref<!tpu.dma_semaphore, #tpu.memory_space<semaphore_mem>>) src(%dma_wait3A_90 : memref<10240x32xf32, #tpu.memory_space<vmem_shared>>) dst(%arg9 : memref<128x32xf32, #tpu.memory_space<vmem>>)
      %add3A_91 = arith.constant 1 : i32
      %add3A_92 = arith.addi %mul3A_67, %add3A_91 : i32
      "tpu.region"() ({
        %run_scoped3A = tpu.sem_alloc : memref<!tpu.dma_semaphore, #tpu.memory_space<semaphore_mem>>
        %dma_start3A_93 = arith.constant 0 : i32
        %dma_start3A_94 = tpu.memref_slice %arg7[%add3A_92, %dma_start3A_93] : memref<160x128xi32, #tpu.memory_space<vmem>> -> memref<1x128xi32, #tpu.memory_space<vmem>>
        %dma_start3A_95 = tpu.memref_squeeze %dma_start3A_94 : memref<1x128xi32, #tpu.memory_space<vmem>> -> memref<128xi32, #tpu.memory_space<vmem>>
        %dma_start3A_96 = arith.constant 0 : i32
        %dma_start3A_97 = arith.constant 0 : i32
        %dma_start3A_98 = tpu.memref_slice %arg11[%dma_start3A_96, %dma_start3A_97] : memref<10240x32xf32, #tpu.memory_space<vmem_shared>> -> memref<10240x32xf32, #tpu.memory_space<vmem_shared>>
        tpu.enqueue_indirect_dma source(%arg9 : memref<128x32xf32, #tpu.memory_space<vmem>>) target(%dma_start3A_98 : memref<10240x32xf32, #tpu.memory_space<vmem_shared>>) offsets(%dma_start3A_95 : memref<128xi32, #tpu.memory_space<vmem>>) semaphore(%run_scoped3A : memref<!tpu.dma_semaphore, #tpu.memory_space<semaphore_mem>>) {add = true}
        %dma_wait3A_99 = arith.constant 0 : i32
        %dma_wait3A_100 = tpu.memref_slice %arg7[%add3A_92, %dma_wait3A_99] : memref<160x128xi32, #tpu.memory_space<vmem>> -> memref<1x128xi32, #tpu.memory_space<vmem>>
        %dma_wait3A_101 = tpu.memref_squeeze %dma_wait3A_100 : memref<1x128xi32, #tpu.memory_space<vmem>> -> memref<128xi32, #tpu.memory_space<vmem>>
        %dma_wait3A_102 = arith.constant 0 : i32
        %dma_wait3A_103 = arith.constant 0 : i32
        %dma_wait3A_104 = tpu.memref_slice %arg11[%dma_wait3A_102, %dma_wait3A_103] : memref<10240x32xf32, #tpu.memory_space<vmem_shared>> -> memref<10240x32xf32, #tpu.memory_space<vmem_shared>>
        tpu.wait_indirect_dma semaphore(%run_scoped3A : memref<!tpu.dma_semaphore, #tpu.memory_space<semaphore_mem>>) src(%arg9 : memref<128x32xf32, #tpu.memory_space<vmem>>) dst(%dma_wait3A_104 : memref<10240x32xf32, #tpu.memory_space<vmem_shared>>)
        tpu.yield
      }) : () -> ()
    }
    %scan3A_43 = arith.constant 80 : i32
    %barrier3A_44 = arith.constant 0 : index
    tpu.barrier barrier_id(%barrier3A_44)
    %mul3A_45 = arith.constant 640 : i32
    %mul3A_46 = arith.muli %arg1, %mul3A_45 : i32
    %add3A_47 = arith.constant 0 : i32
    %add3A_48 = arith.addi %mul3A_46, %add3A_47 : i32
    "tpu.region"() ({
      %run_scoped3A = tpu.sem_alloc : memref<!tpu.dma_semaphore, #tpu.memory_space<semaphore_mem>>
      %dma_start3A_65 = arith.constant 0 : i32
      %dma_start3A_66 = tpu.memref_slice %arg5[%arg0, %add3A_48, %dma_start3A_65] : memref<2x10240x32xf32, #tpu.memory_space<hbm>> -> memref<1x128x32xf32, #tpu.memory_space<hbm>>
      %dma_start3A_67 = tpu.memref_squeeze %dma_start3A_66 : memref<1x128x32xf32, #tpu.memory_space<hbm>> -> memref<128x32xf32, #tpu.memory_space<hbm>>
      %dma_start3A_68 = arith.constant 0 : i32
      %dma_start3A_69 = tpu.memref_slice %arg11[%add3A_48, %dma_start3A_68] : memref<10240x32xf32, #tpu.memory_space<vmem_shared>> -> memref<128x32xf32, #tpu.memory_space<vmem_shared>>
      tpu.enqueue_dma source(%dma_start3A_69 : memref<128x32xf32, #tpu.memory_space<vmem_shared>>) target(%dma_start3A_67 : memref<128x32xf32, #tpu.memory_space<hbm>>) target_semaphore(%run_scoped3A : memref<!tpu.dma_semaphore, #tpu.memory_space<semaphore_mem>>)
      %dma_wait3A = arith.constant 0 : i32
      %dma_wait3A_70 = tpu.memref_slice %arg5[%arg0, %add3A_48, %dma_wait3A] : memref<2x10240x32xf32, #tpu.memory_space<hbm>> -> memref<1x128x32xf32, #tpu.memory_space<hbm>>
      %dma_wait3A_71 = tpu.memref_squeeze %dma_wait3A_70 : memref<1x128x32xf32, #tpu.memory_space<hbm>> -> memref<128x32xf32, #tpu.memory_space<hbm>>
      %dma_wait3A_72 = arith.constant 0 : i32
      %dma_wait3A_73 = tpu.memref_slice %arg11[%add3A_48, %dma_wait3A_72] : memref<10240x32xf32, #tpu.memory_space<vmem_shared>> -> memref<128x32xf32, #tpu.memory_space<vmem_shared>>
      tpu.wait_dma2 semaphore(%run_scoped3A : memref<!tpu.dma_semaphore, #tpu.memory_space<semaphore_mem>>) src(%dma_wait3A_73 : memref<128x32xf32, #tpu.memory_space<vmem_shared>>) dst(%dma_wait3A_71 : memref<128x32xf32, #tpu.memory_space<hbm>>)
      tpu.yield
    }) : () -> ()
    %mul3A_49 = arith.constant 640 : i32
    %mul3A_50 = arith.muli %arg1, %mul3A_49 : i32
    %add3A_51 = arith.constant 128 : i32
    %add3A_52 = arith.addi %mul3A_50, %add3A_51 : i32
    "tpu.region"() ({
      %run_scoped3A = tpu.sem_alloc : memref<!tpu.dma_semaphore, #tpu.memory_space<semaphore_mem>>
      %dma_start3A_65 = arith.constant 0 : i32
      %dma_start3A_66 = tpu.memref_slice %arg5[%arg0, %add3A_52, %dma_start3A_65] : memref<2x10240x32xf32, #tpu.memory_space<hbm>> -> memref<1x128x32xf32, #tpu.memory_space<hbm>>
      %dma_start3A_67 = tpu.memref_squeeze %dma_start3A_66 : memref<1x128x32xf32, #tpu.memory_space<hbm>> -> memref<128x32xf32, #tpu.memory_space<hbm>>
      %dma_start3A_68 = arith.constant 0 : i32
      %dma_start3A_69 = tpu.memref_slice %arg11[%add3A_52, %dma_start3A_68] : memref<10240x32xf32, #tpu.memory_space<vmem_shared>> -> memref<128x32xf32, #tpu.memory_space<vmem_shared>>
      tpu.enqueue_dma source(%dma_start3A_69 : memref<128x32xf32, #tpu.memory_space<vmem_shared>>) target(%dma_start3A_67 : memref<128x32xf32, #tpu.memory_space<hbm>>) target_semaphore(%run_scoped3A : memref<!tpu.dma_semaphore, #tpu.memory_space<semaphore_mem>>)
      %dma_wait3A = arith.constant 0 : i32
      %dma_wait3A_70 = tpu.memref_slice %arg5[%arg0, %add3A_52, %dma_wait3A] : memref<2x10240x32xf32, #tpu.memory_space<hbm>> -> memref<1x128x32xf32, #tpu.memory_space<hbm>>
      %dma_wait3A_71 = tpu.memref_squeeze %dma_wait3A_70 : memref<1x128x32xf32, #tpu.memory_space<hbm>> -> memref<128x32xf32, #tpu.memory_space<hbm>>
      %dma_wait3A_72 = arith.constant 0 : i32
      %dma_wait3A_73 = tpu.memref_slice %arg11[%add3A_52, %dma_wait3A_72] : memref<10240x32xf32, #tpu.memory_space<vmem_shared>> -> memref<128x32xf32, #tpu.memory_space<vmem_shared>>
      tpu.wait_dma2 semaphore(%run_scoped3A : memref<!tpu.dma_semaphore, #tpu.memory_space<semaphore_mem>>) src(%dma_wait3A_73 : memref<128x32xf32, #tpu.memory_space<vmem_shared>>) dst(%dma_wait3A_71 : memref<128x32xf32, #tpu.memory_space<hbm>>)
      tpu.yield
    }) : () -> ()
    %mul3A_53 = arith.constant 640 : i32
    %mul3A_54 = arith.muli %arg1, %mul3A_53 : i32
    %add3A_55 = arith.constant 256 : i32
    %add3A_56 = arith.addi %mul3A_54, %add3A_55 : i32
    "tpu.region"() ({
      %run_scoped3A = tpu.sem_alloc : memref<!tpu.dma_semaphore, #tpu.memory_space<semaphore_mem>>
      %dma_start3A_65 = arith.constant 0 : i32
      %dma_start3A_66 = tpu.memref_slice %arg5[%arg0, %add3A_56, %dma_start3A_65] : memref<2x10240x32xf32, #tpu.memory_space<hbm>> -> memref<1x128x32xf32, #tpu.memory_space<hbm>>
      %dma_start3A_67 = tpu.memref_squeeze %dma_start3A_66 : memref<1x128x32xf32, #tpu.memory_space<hbm>> -> memref<128x32xf32, #tpu.memory_space<hbm>>
      %dma_start3A_68 = arith.constant 0 : i32
      %dma_start3A_69 = tpu.memref_slice %arg11[%add3A_56, %dma_start3A_68] : memref<10240x32xf32, #tpu.memory_space<vmem_shared>> -> memref<128x32xf32, #tpu.memory_space<vmem_shared>>
      tpu.enqueue_dma source(%dma_start3A_69 : memref<128x32xf32, #tpu.memory_space<vmem_shared>>) target(%dma_start3A_67 : memref<128x32xf32, #tpu.memory_space<hbm>>) target_semaphore(%run_scoped3A : memref<!tpu.dma_semaphore, #tpu.memory_space<semaphore_mem>>)
      %dma_wait3A = arith.constant 0 : i32
      %dma_wait3A_70 = tpu.memref_slice %arg5[%arg0, %add3A_56, %dma_wait3A] : memref<2x10240x32xf32, #tpu.memory_space<hbm>> -> memref<1x128x32xf32, #tpu.memory_space<hbm>>
      %dma_wait3A_71 = tpu.memref_squeeze %dma_wait3A_70 : memref<1x128x32xf32, #tpu.memory_space<hbm>> -> memref<128x32xf32, #tpu.memory_space<hbm>>
      %dma_wait3A_72 = arith.constant 0 : i32
      %dma_wait3A_73 = tpu.memref_slice %arg11[%add3A_56, %dma_wait3A_72] : memref<10240x32xf32, #tpu.memory_space<vmem_shared>> -> memref<128x32xf32, #tpu.memory_space<vmem_shared>>
      tpu.wait_dma2 semaphore(%run_scoped3A : memref<!tpu.dma_semaphore, #tpu.memory_space<semaphore_mem>>) src(%dma_wait3A_73 : memref<128x32xf32, #tpu.memory_space<vmem_shared>>) dst(%dma_wait3A_71 : memref<128x32xf32, #tpu.memory_space<hbm>>)
      tpu.yield
    }) : () -> ()
    %mul3A_57 = arith.constant 640 : i32
    %mul3A_58 = arith.muli %arg1, %mul3A_57 : i32
    %add3A_59 = arith.constant 384 : i32
    %add3A_60 = arith.addi %mul3A_58, %add3A_59 : i32
    "tpu.region"() ({
      %run_scoped3A = tpu.sem_alloc : memref<!tpu.dma_semaphore, #tpu.memory_space<semaphore_mem>>
      %dma_start3A_65 = arith.constant 0 : i32
      %dma_start3A_66 = tpu.memref_slice %arg5[%arg0, %add3A_60, %dma_start3A_65] : memref<2x10240x32xf32, #tpu.memory_space<hbm>> -> memref<1x128x32xf32, #tpu.memory_space<hbm>>
      %dma_start3A_67 = tpu.memref_squeeze %dma_start3A_66 : memref<1x128x32xf32, #tpu.memory_space<hbm>> -> memref<128x32xf32, #tpu.memory_space<hbm>>
      %dma_start3A_68 = arith.constant 0 : i32
      %dma_start3A_69 = tpu.memref_slice %arg11[%add3A_60, %dma_start3A_68] : memref<10240x32xf32, #tpu.memory_space<vmem_shared>> -> memref<128x32xf32, #tpu.memory_space<vmem_shared>>
      tpu.enqueue_dma source(%dma_start3A_69 : memref<128x32xf32, #tpu.memory_space<vmem_shared>>) target(%dma_start3A_67 : memref<128x32xf32, #tpu.memory_space<hbm>>) target_semaphore(%run_scoped3A : memref<!tpu.dma_semaphore, #tpu.memory_space<semaphore_mem>>)
      %dma_wait3A = arith.constant 0 : i32
      %dma_wait3A_70 = tpu.memref_slice %arg5[%arg0, %add3A_60, %dma_wait3A] : memref<2x10240x32xf32, #tpu.memory_space<hbm>> -> memref<1x128x32xf32, #tpu.memory_space<hbm>>
      %dma_wait3A_71 = tpu.memref_squeeze %dma_wait3A_70 : memref<1x128x32xf32, #tpu.memory_space<hbm>> -> memref<128x32xf32, #tpu.memory_space<hbm>>
      %dma_wait3A_72 = arith.constant 0 : i32
      %dma_wait3A_73 = tpu.memref_slice %arg11[%add3A_60, %dma_wait3A_72] : memref<10240x32xf32, #tpu.memory_space<vmem_shared>> -> memref<128x32xf32, #tpu.memory_space<vmem_shared>>
      tpu.wait_dma2 semaphore(%run_scoped3A : memref<!tpu.dma_semaphore, #tpu.memory_space<semaphore_mem>>) src(%dma_wait3A_73 : memref<128x32xf32, #tpu.memory_space<vmem_shared>>) dst(%dma_wait3A_71 : memref<128x32xf32, #tpu.memory_space<hbm>>)
      tpu.yield
    }) : () -> ()
    %mul3A_61 = arith.constant 640 : i32
    %mul3A_62 = arith.muli %arg1, %mul3A_61 : i32
    %add3A_63 = arith.constant 512 : i32
    %add3A_64 = arith.addi %mul3A_62, %add3A_63 : i32
    "tpu.region"() ({
      %run_scoped3A = tpu.sem_alloc : memref<!tpu.dma_semaphore, #tpu.memory_space<semaphore_mem>>
      %dma_start3A_65 = arith.constant 0 : i32
      %dma_start3A_66 = tpu.memref_slice %arg5[%arg0, %add3A_64, %dma_start3A_65] : memref<2x10240x32xf32, #tpu.memory_space<hbm>> -> memref<1x128x32xf32, #tpu.memory_space<hbm>>
      %dma_start3A_67 = tpu.memref_squeeze %dma_start3A_66 : memref<1x128x32xf32, #tpu.memory_space<hbm>> -> memref<128x32xf32, #tpu.memory_space<hbm>>
      %dma_start3A_68 = arith.constant 0 : i32
      %dma_start3A_69 = tpu.memref_slice %arg11[%add3A_64, %dma_start3A_68] : memref<10240x32xf32, #tpu.memory_space<vmem_shared>> -> memref<128x32xf32, #tpu.memory_space<vmem_shared>>
      tpu.enqueue_dma source(%dma_start3A_69 : memref<128x32xf32, #tpu.memory_space<vmem_shared>>) target(%dma_start3A_67 : memref<128x32xf32, #tpu.memory_space<hbm>>) target_semaphore(%run_scoped3A : memref<!tpu.dma_semaphore, #tpu.memory_space<semaphore_mem>>)
      %dma_wait3A = arith.constant 0 : i32
      %dma_wait3A_70 = tpu.memref_slice %arg5[%arg0, %add3A_64, %dma_wait3A] : memref<2x10240x32xf32, #tpu.memory_space<hbm>> -> memref<1x128x32xf32, #tpu.memory_space<hbm>>
      %dma_wait3A_71 = tpu.memref_squeeze %dma_wait3A_70 : memref<1x128x32xf32, #tpu.memory_space<hbm>> -> memref<128x32xf32, #tpu.memory_space<hbm>>
      %dma_wait3A_72 = arith.constant 0 : i32
      %dma_wait3A_73 = tpu.memref_slice %arg11[%add3A_64, %dma_wait3A_72] : memref<10240x32xf32, #tpu.memory_space<vmem_shared>> -> memref<128x32xf32, #tpu.memory_space<vmem_shared>>
      tpu.wait_dma2 semaphore(%run_scoped3A : memref<!tpu.dma_semaphore, #tpu.memory_space<semaphore_mem>>) src(%dma_wait3A_73 : memref<128x32xf32, #tpu.memory_space<vmem_shared>>) dst(%dma_wait3A_71 : memref<128x32xf32, #tpu.memory_space<hbm>>)
      tpu.yield
    }) : () -> ()
    return
  }
}

#map = affine_map<(d0, d1) -> (0, 0)>
#map1 = affine_map<(d0, d1) -> (0)>
module attributes {stable_mosaic.version = 14 : i64} {
  func.func @_deg_kernel(%arg0: i32, %arg1: i32, %arg2: memref<2560x128xi32, #tpu.memory_space<hbm>>, %arg3: memref<327680xf32, #tpu.memory_space<hbm>>, %arg4: memref<80x128xi32, #tpu.memory_space<vmem>>, %arg5: memref<10240xf32, #tpu.memory_space<vmem>>) attributes {dimension_semantics = [#tpu.dimension_semantics<core_parallel>, #tpu.dimension_semantics<subcore_parallel>], iteration_bounds = array<i64: 2, 16>, scalar_prefetch = 0 : i64, scratch_operands = 2 : i64, tpu.core_type = #tpu.core_type<sc_vector_subcore>, window_params = [{transform_indices = #map}, {transform_indices = #map1}]} {
    %mul3A = arith.constant 2 : i32
    %mul3A_0 = arith.muli %arg1, %mul3A : i32
    %add3A = arith.addi %mul3A_0, %arg0 : i32
    %broadcast_in_dim3A = arith.constant 0.000000e+00 : f32
    %broadcast_in_dim3A_1 = vector.broadcast %broadcast_in_dim3A : f32 to vector<16xf32>
    %broadcast_in_dim3A_2 = arith.constant 1.000000e+00 : f32
    %broadcast_in_dim3A_3 = vector.broadcast %broadcast_in_dim3A_2 : f32 to vector<16xf32>
    %scan3A = arith.constant 0 : i32
    %scan3A_4 = arith.constant 0 : i32
    %scan3A_5 = arith.constant 640 : i32
    %scan3A_6 = arith.addi %scan3A_4, %scan3A_5 : i32
    %scan3A_7 = arith.constant 1 : i32
    scf.for %scan3A_19 = %scan3A_4 to %scan3A_6 step %scan3A_7  : i32 {
      %mul3A_20 = arith.constant 16 : i32
      %mul3A_21 = arith.muli %scan3A_19, %mul3A_20 : i32
      %swap3A = arith.index_cast %mul3A_21 : i32 to index
      %swap3A_22 = tpu.vector_load %arg5[%swap3A] {strides = array<i32>} : memref<10240xf32, #tpu.memory_space<vmem>>, vector<16xf32>,
      tpu.vector_store %arg5[%swap3A], %broadcast_in_dim3A_1 {strides = array<i32>} : memref<10240xf32, #tpu.memory_space<vmem>>, vector<16xf32>,
    }
    %scan3A_8 = arith.constant 640 : i32
    %mul3A_9 = arith.constant 80 : i32
    %mul3A_10 = arith.muli %add3A, %mul3A_9 : i32
    "tpu.region"() ({
      %run_scoped3A = tpu.sem_alloc : memref<!tpu.dma_semaphore, #tpu.memory_space<semaphore_mem>>
      %dma_start3A = arith.constant 0 : i32
      %dma_start3A_19 = tpu.memref_slice %arg2[%mul3A_10, %dma_start3A] : memref<2560x128xi32, #tpu.memory_space<hbm>> -> memref<80x128xi32, #tpu.memory_space<hbm>>
      %dma_start3A_20 = arith.constant 0 : i32
      %dma_start3A_21 = tpu.memref_slice %arg2[%mul3A_10, %dma_start3A_20] : memref<2560x128xi32, #tpu.memory_space<hbm>> -> memref<80x128xi32, #tpu.memory_space<hbm>>
      tpu.enqueue_dma source(%dma_start3A_21 : memref<80x128xi32, #tpu.memory_space<hbm>>) target(%arg4 : memref<80x128xi32, #tpu.memory_space<vmem>>) target_semaphore(%run_scoped3A : memref<!tpu.dma_semaphore, #tpu.memory_space<semaphore_mem>>)
      %dma_wait3A = arith.constant 0 : i32
      %dma_wait3A_22 = tpu.memref_slice %arg2[%mul3A_10, %dma_wait3A] : memref<2560x128xi32, #tpu.memory_space<hbm>> -> memref<80x128xi32, #tpu.memory_space<hbm>>
      %dma_wait3A_23 = arith.constant 0 : i32
      %dma_wait3A_24 = tpu.memref_slice %arg2[%mul3A_10, %dma_wait3A_23] : memref<2560x128xi32, #tpu.memory_space<hbm>> -> memref<80x128xi32, #tpu.memory_space<hbm>>
      tpu.wait_dma2 semaphore(%run_scoped3A : memref<!tpu.dma_semaphore, #tpu.memory_space<semaphore_mem>>) src(%dma_wait3A_24 : memref<80x128xi32, #tpu.memory_space<hbm>>) dst(%arg4 : memref<80x128xi32, #tpu.memory_space<vmem>>)
      tpu.yield
    }) : () -> ()
    %scan3A_11 = arith.constant 0 : i32
    %scan3A_12 = arith.constant 0 : i32
    %scan3A_13 = arith.constant 80 : i32
    %scan3A_14 = arith.addi %scan3A_12, %scan3A_13 : i32
    %scan3A_15 = arith.constant 1 : i32
    scf.for %scan3A_19 = %scan3A_12 to %scan3A_14 step %scan3A_15  : i32 {
      %get3A = arith.index_cast %scan3A_19 : i32 to index
      %get3A_20 = arith.constant 0 : index
      %get3A_21 = tpu.vector_load %arg4[%get3A, %get3A_20] {strides = array<i32>} : memref<80x128xi32, #tpu.memory_space<vmem>>, vector<16xi32>,
      tpu.vector_store_idx %arg5[%get3A_21], %broadcast_in_dim3A_3 {add = true} : memref<10240xf32, #tpu.memory_space<vmem>>[vector<16xi32>], vector<16xf32>,
      %get3A_22 = arith.index_cast %scan3A_19 : i32 to index
      %get3A_23 = arith.constant 16 : index
      %get3A_24 = tpu.vector_load %arg4[%get3A_22, %get3A_23] {strides = array<i32>} : memref<80x128xi32, #tpu.memory_space<vmem>>, vector<16xi32>,
      tpu.vector_store_idx %arg5[%get3A_24], %broadcast_in_dim3A_3 {add = true} : memref<10240xf32, #tpu.memory_space<vmem>>[vector<16xi32>], vector<16xf32>,
      %get3A_25 = arith.index_cast %scan3A_19 : i32 to index
      %get3A_26 = arith.constant 32 : index
      %get3A_27 = tpu.vector_load %arg4[%get3A_25, %get3A_26] {strides = array<i32>} : memref<80x128xi32, #tpu.memory_space<vmem>>, vector<16xi32>,
      tpu.vector_store_idx %arg5[%get3A_27], %broadcast_in_dim3A_3 {add = true} : memref<10240xf32, #tpu.memory_space<vmem>>[vector<16xi32>], vector<16xf32>,
      %get3A_28 = arith.index_cast %scan3A_19 : i32 to index
      %get3A_29 = arith.constant 48 : index
      %get3A_30 = tpu.vector_load %arg4[%get3A_28, %get3A_29] {strides = array<i32>} : memref<80x128xi32, #tpu.memory_space<vmem>>, vector<16xi32>,
      tpu.vector_store_idx %arg5[%get3A_30], %broadcast_in_dim3A_3 {add = true} : memref<10240xf32, #tpu.memory_space<vmem>>[vector<16xi32>], vector<16xf32>,
      %get3A_31 = arith.index_cast %scan3A_19 : i32 to index
      %get3A_32 = arith.constant 64 : index
      %get3A_33 = tpu.vector_load %arg4[%get3A_31, %get3A_32] {strides = array<i32>} : memref<80x128xi32, #tpu.memory_space<vmem>>, vector<16xi32>,
      tpu.vector_store_idx %arg5[%get3A_33], %broadcast_in_dim3A_3 {add = true} : memref<10240xf32, #tpu.memory_space<vmem>>[vector<16xi32>], vector<16xf32>,
      %get3A_34 = arith.index_cast %scan3A_19 : i32 to index
      %get3A_35 = arith.constant 80 : index
      %get3A_36 = tpu.vector_load %arg4[%get3A_34, %get3A_35] {strides = array<i32>} : memref<80x128xi32, #tpu.memory_space<vmem>>, vector<16xi32>,
      tpu.vector_store_idx %arg5[%get3A_36], %broadcast_in_dim3A_3 {add = true} : memref<10240xf32, #tpu.memory_space<vmem>>[vector<16xi32>], vector<16xf32>,
      %get3A_37 = arith.index_cast %scan3A_19 : i32 to index
      %get3A_38 = arith.constant 96 : index
      %get3A_39 = tpu.vector_load %arg4[%get3A_37, %get3A_38] {strides = array<i32>} : memref<80x128xi32, #tpu.memory_space<vmem>>, vector<16xi32>,
      tpu.vector_store_idx %arg5[%get3A_39], %broadcast_in_dim3A_3 {add = true} : memref<10240xf32, #tpu.memory_space<vmem>>[vector<16xi32>], vector<16xf32>,
      %get3A_40 = arith.index_cast %scan3A_19 : i32 to index
      %get3A_41 = arith.constant 112 : index
      %get3A_42 = tpu.vector_load %arg4[%get3A_40, %get3A_41] {strides = array<i32>} : memref<80x128xi32, #tpu.memory_space<vmem>>, vector<16xi32>,
      tpu.vector_store_idx %arg5[%get3A_42], %broadcast_in_dim3A_3 {add = true} : memref<10240xf32, #tpu.memory_space<vmem>>[vector<16xi32>], vector<16xf32>,
    }
    %scan3A_16 = arith.constant 80 : i32
    %mul3A_17 = arith.constant 10240 : i32
    %mul3A_18 = arith.muli %add3A, %mul3A_17 : i32
    "tpu.region"() ({
      %run_scoped3A = tpu.sem_alloc : memref<!tpu.dma_semaphore, #tpu.memory_space<semaphore_mem>>
      %dma_start3A = tpu.memref_slice %arg3[%mul3A_18] : memref<327680xf32, #tpu.memory_space<hbm>> -> memref<10240xf32, #tpu.memory_space<hbm>>
      %dma_start3A_19 = tpu.memref_slice %arg3[%mul3A_18] : memref<327680xf32, #tpu.memory_space<hbm>> -> memref<10240xf32, #tpu.memory_space<hbm>>
      tpu.enqueue_dma source(%arg5 : memref<10240xf32, #tpu.memory_space<vmem>>) target(%dma_start3A_19 : memref<10240xf32, #tpu.memory_space<hbm>>) target_semaphore(%run_scoped3A : memref<!tpu.dma_semaphore, #tpu.memory_space<semaphore_mem>>)
      %dma_wait3A = tpu.memref_slice %arg3[%mul3A_18] : memref<327680xf32, #tpu.memory_space<hbm>> -> memref<10240xf32, #tpu.memory_space<hbm>>
      %dma_wait3A_20 = tpu.memref_slice %arg3[%mul3A_18] : memref<327680xf32, #tpu.memory_space<hbm>> -> memref<10240xf32, #tpu.memory_space<hbm>>
      tpu.wait_dma2 semaphore(%run_scoped3A : memref<!tpu.dma_semaphore, #tpu.memory_space<semaphore_mem>>) src(%arg5 : memref<10240xf32, #tpu.memory_space<vmem>>) dst(%dma_wait3A_20 : memref<10240xf32, #tpu.memory_space<hbm>>)
      tpu.yield
    }) : () -> ()
    return
  }
}

#map = affine_map<(d0, d1) -> (0, 0, 0)>
#map1 = affine_map<(d0, d1) -> (0, 0)>
module attributes {stable_mosaic.version = 14 : i64} {
  func.func @agg(%arg0: i32, %arg1: i32, %arg2: memref<2x10240x32xf32, #tpu.memory_space<hbm>>, %arg3: memref<2560x128xi32, #tpu.memory_space<hbm>>, %arg4: memref<2560x128xi32, #tpu.memory_space<hbm>>, %arg5: memref<2x10240x32xf32, #tpu.memory_space<hbm>>, %arg6: memref<160x128xi32, #tpu.memory_space<vmem>>, %arg7: memref<160x128xi32, #tpu.memory_space<vmem>>, %arg8: memref<128x32xf32, #tpu.memory_space<vmem>>, %arg9: memref<128x32xf32, #tpu.memory_space<vmem>>, %arg10: memref<10240x32xf32, #tpu.memory_space<vmem_shared>>, %arg11: memref<10240x32xf32, #tpu.memory_space<vmem_shared>>, %arg12: memref<!tpu.dma_semaphore, #tpu.memory_space<semaphore_mem>>, %arg13: memref<!tpu.dma_semaphore, #tpu.memory_space<semaphore_mem>>) attributes {dimension_semantics = [#tpu.dimension_semantics<core_parallel>, #tpu.dimension_semantics<subcore_parallel>], iteration_bounds = array<i64: 2, 16>, scalar_prefetch = 0 : i64, scratch_operands = 8 : i64, tpu.core_type = #tpu.core_type<sc_vector_subcore>, window_params = [{transform_indices = #map}, {transform_indices = #map1}, {transform_indices = #map1}, {transform_indices = #map}]} {
    %broadcast_in_dim3A = arith.constant 0.000000e+00 : f32
    %broadcast_in_dim3A_0 = vector.broadcast %broadcast_in_dim3A : f32 to vector<16xf32>
    %scan3A = arith.constant 0 : i32
    %scan3A_1 = arith.constant 0 : i32
    %scan3A_2 = arith.constant 128 : i32
    %scan3A_3 = arith.addi %scan3A_1, %scan3A_2 : i32
    %scan3A_4 = arith.constant 1 : i32
    scf.for %scan3A_65 = %scan3A_1 to %scan3A_3 step %scan3A_4  : i32 {
      %swap3A = arith.index_cast %scan3A_65 : i32 to index
      %swap3A_66 = arith.constant 0 : index
      %swap3A_67 = tpu.vector_load %arg8[%swap3A, %swap3A_66] {strides = array<i32>} : memref<128x32xf32, #tpu.memory_space<vmem>>, vector<16xf32>,
      tpu.vector_store %arg8[%swap3A, %swap3A_66], %broadcast_in_dim3A_0 {strides = array<i32>} : memref<128x32xf32, #tpu.memory_space<vmem>>, vector<16xf32>,
      %swap3A_68 = arith.index_cast %scan3A_65 : i32 to index
      %swap3A_69 = arith.constant 16 : index
      %swap3A_70 = tpu.vector_load %arg8[%swap3A_68, %swap3A_69] {strides = array<i32>} : memref<128x32xf32, #tpu.memory_space<vmem>>, vector<16xf32>,
      tpu.vector_store %arg8[%swap3A_68, %swap3A_69], %broadcast_in_dim3A_0 {strides = array<i32>} : memref<128x32xf32, #tpu.memory_space<vmem>>, vector<16xf32>,
    }
    %scan3A_5 = arith.constant 128 : i32
    %mul3A = arith.constant 640 : i32
    %mul3A_6 = arith.muli %arg1, %mul3A : i32
    %mul3A_7 = arith.constant 640 : i32
    %mul3A_8 = arith.muli %arg1, %mul3A_7 : i32
    "tpu.region"() ({
      %run_scoped3A = tpu.sem_alloc : memref<!tpu.dma_semaphore, #tpu.memory_space<semaphore_mem>>
      %dma_start3A_65 = arith.constant 0 : i32
      %dma_start3A_66 = tpu.memref_slice %arg10[%mul3A_8, %dma_start3A_65] : memref<10240x32xf32, #tpu.memory_space<vmem_shared>> -> memref<640x32xf32, #tpu.memory_space<vmem_shared>>
      %dma_start3A_67 = arith.constant 0 : i32
      %dma_start3A_68 = tpu.memref_slice %arg2[%arg0, %mul3A_6, %dma_start3A_67] : memref<2x10240x32xf32, #tpu.memory_space<hbm>> -> memref<1x640x32xf32, #tpu.memory_space<hbm>>
      %dma_start3A_69 = tpu.memref_squeeze %dma_start3A_68 : memref<1x640x32xf32, #tpu.memory_space<hbm>> -> memref<640x32xf32, #tpu.memory_space<hbm>>
      tpu.enqueue_dma source(%dma_start3A_69 : memref<640x32xf32, #tpu.memory_space<hbm>>) target(%dma_start3A_66 : memref<640x32xf32, #tpu.memory_space<vmem_shared>>) target_semaphore(%run_scoped3A : memref<!tpu.dma_semaphore, #tpu.memory_space<semaphore_mem>>)
      %dma_wait3A = arith.constant 0 : i32
      %dma_wait3A_70 = tpu.memref_slice %arg10[%mul3A_8, %dma_wait3A] : memref<10240x32xf32, #tpu.memory_space<vmem_shared>> -> memref<640x32xf32, #tpu.memory_space<vmem_shared>>
      %dma_wait3A_71 = arith.constant 0 : i32
      %dma_wait3A_72 = tpu.memref_slice %arg2[%arg0, %mul3A_6, %dma_wait3A_71] : memref<2x10240x32xf32, #tpu.memory_space<hbm>> -> memref<1x640x32xf32, #tpu.memory_space<hbm>>
      %dma_wait3A_73 = tpu.memref_squeeze %dma_wait3A_72 : memref<1x640x32xf32, #tpu.memory_space<hbm>> -> memref<640x32xf32, #tpu.memory_space<hbm>>
      tpu.wait_dma2 semaphore(%run_scoped3A : memref<!tpu.dma_semaphore, #tpu.memory_space<semaphore_mem>>) src(%dma_wait3A_73 : memref<640x32xf32, #tpu.memory_space<hbm>>) dst(%dma_wait3A_70 : memref<640x32xf32, #tpu.memory_space<vmem_shared>>)
      tpu.yield
    }) : () -> ()
    %mul3A_9 = arith.constant 640 : i32
    %mul3A_10 = arith.muli %arg1, %mul3A_9 : i32
    %add3A = arith.constant 0 : i32
    %add3A_11 = arith.addi %mul3A_10, %add3A : i32
    "tpu.region"() ({
      %run_scoped3A = tpu.sem_alloc : memref<!tpu.dma_semaphore, #tpu.memory_space<semaphore_mem>>
      %dma_start3A_65 = arith.constant 0 : i32
      %dma_start3A_66 = tpu.memref_slice %arg11[%add3A_11, %dma_start3A_65] : memref<10240x32xf32, #tpu.memory_space<vmem_shared>> -> memref<128x32xf32, #tpu.memory_space<vmem_shared>>
      %dma_start3A_67 = arith.constant 0 : i32
      %dma_start3A_68 = tpu.memref_slice %arg11[%add3A_11, %dma_start3A_67] : memref<10240x32xf32, #tpu.memory_space<vmem_shared>> -> memref<128x32xf32, #tpu.memory_space<vmem_shared>>
      tpu.enqueue_dma source(%arg8 : memref<128x32xf32, #tpu.memory_space<vmem>>) target(%dma_start3A_68 : memref<128x32xf32, #tpu.memory_space<vmem_shared>>) target_semaphore(%run_scoped3A : memref<!tpu.dma_semaphore, #tpu.memory_space<semaphore_mem>>)
      %dma_wait3A = arith.constant 0 : i32
      %dma_wait3A_69 = tpu.memref_slice %arg11[%add3A_11, %dma_wait3A] : memref<10240x32xf32, #tpu.memory_space<vmem_shared>> -> memref<128x32xf32, #tpu.memory_space<vmem_shared>>
      %dma_wait3A_70 = arith.constant 0 : i32
      %dma_wait3A_71 = tpu.memref_slice %arg11[%add3A_11, %dma_wait3A_70] : memref<10240x32xf32, #tpu.memory_space<vmem_shared>> -> memref<128x32xf32, #tpu.memory_space<vmem_shared>>
      tpu.wait_dma2 semaphore(%run_scoped3A : memref<!tpu.dma_semaphore, #tpu.memory_space<semaphore_mem>>) src(%arg8 : memref<128x32xf32, #tpu.memory_space<vmem>>) dst(%dma_wait3A_71 : memref<128x32xf32, #tpu.memory_space<vmem_shared>>)
      tpu.yield
    }) : () -> ()
    %mul3A_12 = arith.constant 640 : i32
    %mul3A_13 = arith.muli %arg1, %mul3A_12 : i32
    %add3A_14 = arith.constant 128 : i32
    %add3A_15 = arith.addi %mul3A_13, %add3A_14 : i32
    "tpu.region"() ({
      %run_scoped3A = tpu.sem_alloc : memref<!tpu.dma_semaphore, #tpu.memory_space<semaphore_mem>>
      %dma_start3A_65 = arith.constant 0 : i32
      %dma_start3A_66 = tpu.memref_slice %arg11[%add3A_15, %dma_start3A_65] : memref<10240x32xf32, #tpu.memory_space<vmem_shared>> -> memref<128x32xf32, #tpu.memory_space<vmem_shared>>
      %dma_start3A_67 = arith.constant 0 : i32
      %dma_start3A_68 = tpu.memref_slice %arg11[%add3A_15, %dma_start3A_67] : memref<10240x32xf32, #tpu.memory_space<vmem_shared>> -> memref<128x32xf32, #tpu.memory_space<vmem_shared>>
      tpu.enqueue_dma source(%arg8 : memref<128x32xf32, #tpu.memory_space<vmem>>) target(%dma_start3A_68 : memref<128x32xf32, #tpu.memory_space<vmem_shared>>) target_semaphore(%run_scoped3A : memref<!tpu.dma_semaphore, #tpu.memory_space<semaphore_mem>>)
      %dma_wait3A = arith.constant 0 : i32
      %dma_wait3A_69 = tpu.memref_slice %arg11[%add3A_15, %dma_wait3A] : memref<10240x32xf32, #tpu.memory_space<vmem_shared>> -> memref<128x32xf32, #tpu.memory_space<vmem_shared>>
      %dma_wait3A_70 = arith.constant 0 : i32
      %dma_wait3A_71 = tpu.memref_slice %arg11[%add3A_15, %dma_wait3A_70] : memref<10240x32xf32, #tpu.memory_space<vmem_shared>> -> memref<128x32xf32, #tpu.memory_space<vmem_shared>>
      tpu.wait_dma2 semaphore(%run_scoped3A : memref<!tpu.dma_semaphore, #tpu.memory_space<semaphore_mem>>) src(%arg8 : memref<128x32xf32, #tpu.memory_space<vmem>>) dst(%dma_wait3A_71 : memref<128x32xf32, #tpu.memory_space<vmem_shared>>)
      tpu.yield
    }) : () -> ()
    %mul3A_16 = arith.constant 640 : i32
    %mul3A_17 = arith.muli %arg1, %mul3A_16 : i32
    %add3A_18 = arith.constant 256 : i32
    %add3A_19 = arith.addi %mul3A_17, %add3A_18 : i32
    "tpu.region"() ({
      %run_scoped3A = tpu.sem_alloc : memref<!tpu.dma_semaphore, #tpu.memory_space<semaphore_mem>>
      %dma_start3A_65 = arith.constant 0 : i32
      %dma_start3A_66 = tpu.memref_slice %arg11[%add3A_19, %dma_start3A_65] : memref<10240x32xf32, #tpu.memory_space<vmem_shared>> -> memref<128x32xf32, #tpu.memory_space<vmem_shared>>
      %dma_start3A_67 = arith.constant 0 : i32
      %dma_start3A_68 = tpu.memref_slice %arg11[%add3A_19, %dma_start3A_67] : memref<10240x32xf32, #tpu.memory_space<vmem_shared>> -> memref<128x32xf32, #tpu.memory_space<vmem_shared>>
      tpu.enqueue_dma source(%arg8 : memref<128x32xf32, #tpu.memory_space<vmem>>) target(%dma_start3A_68 : memref<128x32xf32, #tpu.memory_space<vmem_shared>>) target_semaphore(%run_scoped3A : memref<!tpu.dma_semaphore, #tpu.memory_space<semaphore_mem>>)
      %dma_wait3A = arith.constant 0 : i32
      %dma_wait3A_69 = tpu.memref_slice %arg11[%add3A_19, %dma_wait3A] : memref<10240x32xf32, #tpu.memory_space<vmem_shared>> -> memref<128x32xf32, #tpu.memory_space<vmem_shared>>
      %dma_wait3A_70 = arith.constant 0 : i32
      %dma_wait3A_71 = tpu.memref_slice %arg11[%add3A_19, %dma_wait3A_70] : memref<10240x32xf32, #tpu.memory_space<vmem_shared>> -> memref<128x32xf32, #tpu.memory_space<vmem_shared>>
      tpu.wait_dma2 semaphore(%run_scoped3A : memref<!tpu.dma_semaphore, #tpu.memory_space<semaphore_mem>>) src(%arg8 : memref<128x32xf32, #tpu.memory_space<vmem>>) dst(%dma_wait3A_71 : memref<128x32xf32, #tpu.memory_space<vmem_shared>>)
      tpu.yield
    }) : () -> ()
    %mul3A_20 = arith.constant 640 : i32
    %mul3A_21 = arith.muli %arg1, %mul3A_20 : i32
    %add3A_22 = arith.constant 384 : i32
    %add3A_23 = arith.addi %mul3A_21, %add3A_22 : i32
    "tpu.region"() ({
      %run_scoped3A = tpu.sem_alloc : memref<!tpu.dma_semaphore, #tpu.memory_space<semaphore_mem>>
      %dma_start3A_65 = arith.constant 0 : i32
      %dma_start3A_66 = tpu.memref_slice %arg11[%add3A_23, %dma_start3A_65] : memref<10240x32xf32, #tpu.memory_space<vmem_shared>> -> memref<128x32xf32, #tpu.memory_space<vmem_shared>>
      %dma_start3A_67 = arith.constant 0 : i32
      %dma_start3A_68 = tpu.memref_slice %arg11[%add3A_23, %dma_start3A_67] : memref<10240x32xf32, #tpu.memory_space<vmem_shared>> -> memref<128x32xf32, #tpu.memory_space<vmem_shared>>
      tpu.enqueue_dma source(%arg8 : memref<128x32xf32, #tpu.memory_space<vmem>>) target(%dma_start3A_68 : memref<128x32xf32, #tpu.memory_space<vmem_shared>>) target_semaphore(%run_scoped3A : memref<!tpu.dma_semaphore, #tpu.memory_space<semaphore_mem>>)
      %dma_wait3A = arith.constant 0 : i32
      %dma_wait3A_69 = tpu.memref_slice %arg11[%add3A_23, %dma_wait3A] : memref<10240x32xf32, #tpu.memory_space<vmem_shared>> -> memref<128x32xf32, #tpu.memory_space<vmem_shared>>
      %dma_wait3A_70 = arith.constant 0 : i32
      %dma_wait3A_71 = tpu.memref_slice %arg11[%add3A_23, %dma_wait3A_70] : memref<10240x32xf32, #tpu.memory_space<vmem_shared>> -> memref<128x32xf32, #tpu.memory_space<vmem_shared>>
      tpu.wait_dma2 semaphore(%run_scoped3A : memref<!tpu.dma_semaphore, #tpu.memory_space<semaphore_mem>>) src(%arg8 : memref<128x32xf32, #tpu.memory_space<vmem>>) dst(%dma_wait3A_71 : memref<128x32xf32, #tpu.memory_space<vmem_shared>>)
      tpu.yield
    }) : () -> ()
    %mul3A_24 = arith.constant 640 : i32
    %mul3A_25 = arith.muli %arg1, %mul3A_24 : i32
    %add3A_26 = arith.constant 512 : i32
    %add3A_27 = arith.addi %mul3A_25, %add3A_26 : i32
    "tpu.region"() ({
      %run_scoped3A = tpu.sem_alloc : memref<!tpu.dma_semaphore, #tpu.memory_space<semaphore_mem>>
      %dma_start3A_65 = arith.constant 0 : i32
      %dma_start3A_66 = tpu.memref_slice %arg11[%add3A_27, %dma_start3A_65] : memref<10240x32xf32, #tpu.memory_space<vmem_shared>> -> memref<128x32xf32, #tpu.memory_space<vmem_shared>>
      %dma_start3A_67 = arith.constant 0 : i32
      %dma_start3A_68 = tpu.memref_slice %arg11[%add3A_27, %dma_start3A_67] : memref<10240x32xf32, #tpu.memory_space<vmem_shared>> -> memref<128x32xf32, #tpu.memory_space<vmem_shared>>
      tpu.enqueue_dma source(%arg8 : memref<128x32xf32, #tpu.memory_space<vmem>>) target(%dma_start3A_68 : memref<128x32xf32, #tpu.memory_space<vmem_shared>>) target_semaphore(%run_scoped3A : memref<!tpu.dma_semaphore, #tpu.memory_space<semaphore_mem>>)
      %dma_wait3A = arith.constant 0 : i32
      %dma_wait3A_69 = tpu.memref_slice %arg11[%add3A_27, %dma_wait3A] : memref<10240x32xf32, #tpu.memory_space<vmem_shared>> -> memref<128x32xf32, #tpu.memory_space<vmem_shared>>
      %dma_wait3A_70 = arith.constant 0 : i32
      %dma_wait3A_71 = tpu.memref_slice %arg11[%add3A_27, %dma_wait3A_70] : memref<10240x32xf32, #tpu.memory_space<vmem_shared>> -> memref<128x32xf32, #tpu.memory_space<vmem_shared>>
      tpu.wait_dma2 semaphore(%run_scoped3A : memref<!tpu.dma_semaphore, #tpu.memory_space<semaphore_mem>>) src(%arg8 : memref<128x32xf32, #tpu.memory_space<vmem>>) dst(%dma_wait3A_71 : memref<128x32xf32, #tpu.memory_space<vmem_shared>>)
      tpu.yield
    }) : () -> ()
    %barrier3A = arith.constant 0 : index
    tpu.barrier barrier_id(%barrier3A)
    %mul3A_28 = arith.constant 160 : i32
    %mul3A_29 = arith.muli %arg1, %mul3A_28 : i32
    "tpu.region"() ({
      %run_scoped3A = tpu.sem_alloc : memref<!tpu.dma_semaphore, #tpu.memory_space<semaphore_mem>>
      %dma_start3A_65 = arith.constant 0 : i32
      %dma_start3A_66 = tpu.memref_slice %arg3[%mul3A_29, %dma_start3A_65] : memref<2560x128xi32, #tpu.memory_space<hbm>> -> memref<160x128xi32, #tpu.memory_space<hbm>>
      %dma_start3A_67 = arith.constant 0 : i32
      %dma_start3A_68 = tpu.memref_slice %arg3[%mul3A_29, %dma_start3A_67] : memref<2560x128xi32, #tpu.memory_space<hbm>> -> memref<160x128xi32, #tpu.memory_space<hbm>>
      tpu.enqueue_dma source(%dma_start3A_68 : memref<160x128xi32, #tpu.memory_space<hbm>>) target(%arg6 : memref<160x128xi32, #tpu.memory_space<vmem>>) target_semaphore(%run_scoped3A : memref<!tpu.dma_semaphore, #tpu.memory_space<semaphore_mem>>)
      %dma_wait3A = arith.constant 0 : i32
      %dma_wait3A_69 = tpu.memref_slice %arg3[%mul3A_29, %dma_wait3A] : memref<2560x128xi32, #tpu.memory_space<hbm>> -> memref<160x128xi32, #tpu.memory_space<hbm>>
      %dma_wait3A_70 = arith.constant 0 : i32
      %dma_wait3A_71 = tpu.memref_slice %arg3[%mul3A_29, %dma_wait3A_70] : memref<2560x128xi32, #tpu.memory_space<hbm>> -> memref<160x128xi32, #tpu.memory_space<hbm>>
      tpu.wait_dma2 semaphore(%run_scoped3A : memref<!tpu.dma_semaphore, #tpu.memory_space<semaphore_mem>>) src(%dma_wait3A_71 : memref<160x128xi32, #tpu.memory_space<hbm>>) dst(%arg6 : memref<160x128xi32, #tpu.memory_space<vmem>>)
      tpu.yield
    }) : () -> ()
    %mul3A_30 = arith.constant 160 : i32
    %mul3A_31 = arith.muli %arg1, %mul3A_30 : i32
    "tpu.region"() ({
      %run_scoped3A = tpu.sem_alloc : memref<!tpu.dma_semaphore, #tpu.memory_space<semaphore_mem>>
      %dma_start3A_65 = arith.constant 0 : i32
      %dma_start3A_66 = tpu.memref_slice %arg4[%mul3A_31, %dma_start3A_65] : memref<2560x128xi32, #tpu.memory_space<hbm>> -> memref<160x128xi32, #tpu.memory_space<hbm>>
      %dma_start3A_67 = arith.constant 0 : i32
      %dma_start3A_68 = tpu.memref_slice %arg4[%mul3A_31, %dma_start3A_67] : memref<2560x128xi32, #tpu.memory_space<hbm>> -> memref<160x128xi32, #tpu.memory_space<hbm>>
      tpu.enqueue_dma source(%dma_start3A_68 : memref<160x128xi32, #tpu.memory_space<hbm>>) target(%arg7 : memref<160x128xi32, #tpu.memory_space<vmem>>) target_semaphore(%run_scoped3A : memref<!tpu.dma_semaphore, #tpu.memory_space<semaphore_mem>>)
      %dma_wait3A = arith.constant 0 : i32
      %dma_wait3A_69 = tpu.memref_slice %arg4[%mul3A_31, %dma_wait3A] : memref<2560x128xi32, #tpu.memory_space<hbm>> -> memref<160x128xi32, #tpu.memory_space<hbm>>
      %dma_wait3A_70 = arith.constant 0 : i32
      %dma_wait3A_71 = tpu.memref_slice %arg4[%mul3A_31, %dma_wait3A_70] : memref<2560x128xi32, #tpu.memory_space<hbm>> -> memref<160x128xi32, #tpu.memory_space<hbm>>
      tpu.wait_dma2 semaphore(%run_scoped3A : memref<!tpu.dma_semaphore, #tpu.memory_space<semaphore_mem>>) src(%dma_wait3A_71 : memref<160x128xi32, #tpu.memory_space<hbm>>) dst(%arg7 : memref<160x128xi32, #tpu.memory_space<vmem>>)
      tpu.yield
    }) : () -> ()
    %dma_start3A = arith.constant 0 : i32
    %dma_start3A_32 = arith.constant 0 : i32
    %dma_start3A_33 = tpu.memref_slice %arg6[%dma_start3A, %dma_start3A_32] : memref<160x128xi32, #tpu.memory_space<vmem>> -> memref<1x128xi32, #tpu.memory_space<vmem>>
    %dma_start3A_34 = tpu.memref_squeeze %dma_start3A_33 : memref<1x128xi32, #tpu.memory_space<vmem>> -> memref<128xi32, #tpu.memory_space<vmem>>
    %dma_start3A_35 = arith.constant 0 : i32
    %dma_start3A_36 = arith.constant 0 : i32
    %dma_start3A_37 = tpu.memref_slice %arg10[%dma_start3A_35, %dma_start3A_36] : memref<10240x32xf32, #tpu.memory_space<vmem_shared>> -> memref<10240x32xf32, #tpu.memory_space<vmem_shared>>
    tpu.enqueue_indirect_dma source(%dma_start3A_37 : memref<10240x32xf32, #tpu.memory_space<vmem_shared>>) target(%arg8 : memref<128x32xf32, #tpu.memory_space<vmem>>) offsets(%dma_start3A_34 : memref<128xi32, #tpu.memory_space<vmem>>) semaphore(%arg12 : memref<!tpu.dma_semaphore, #tpu.memory_space<semaphore_mem>>)
    %scan3A_38 = arith.constant 0 : i32
    %scan3A_39 = arith.constant 0 : i32
    %scan3A_40 = arith.constant 80 : i32
    %scan3A_41 = arith.addi %scan3A_39, %scan3A_40 : i32
    %scan3A_42 = arith.constant 1 : i32
    scf.for %scan3A_65 = %scan3A_39 to %scan3A_41 step %scan3A_42  : i32 {
      %mul3A_66 = arith.constant 2 : i32
      %mul3A_67 = arith.muli %scan3A_65, %mul3A_66 : i32
      %add3A_68 = arith.constant 1 : i32
      %add3A_69 = arith.addi %mul3A_67, %add3A_68 : i32
      %dma_start3A_70 = arith.constant 0 : i32
      %dma_start3A_71 = tpu.memref_slice %arg6[%add3A_69, %dma_start3A_70] : memref<160x128xi32, #tpu.memory_space<vmem>> -> memref<1x128xi32, #tpu.memory_space<vmem>>
      %dma_start3A_72 = tpu.memref_squeeze %dma_start3A_71 : memref<1x128xi32, #tpu.memory_space<vmem>> -> memref<128xi32, #tpu.memory_space<vmem>>
      %dma_start3A_73 = arith.constant 0 : i32
      %dma_start3A_74 = arith.constant 0 : i32
      %dma_start3A_75 = tpu.memref_slice %arg10[%dma_start3A_73, %dma_start3A_74] : memref<10240x32xf32, #tpu.memory_space<vmem_shared>> -> memref<10240x32xf32, #tpu.memory_space<vmem_shared>>
      tpu.enqueue_indirect_dma source(%dma_start3A_75 : memref<10240x32xf32, #tpu.memory_space<vmem_shared>>) target(%arg9 : memref<128x32xf32, #tpu.memory_space<vmem>>) offsets(%dma_start3A_72 : memref<128xi32, #tpu.memory_space<vmem>>) semaphore(%arg13 : memref<!tpu.dma_semaphore, #tpu.memory_space<semaphore_mem>>)
      %dma_wait3A = arith.constant 0 : i32
      %dma_wait3A_76 = tpu.memref_slice %arg6[%mul3A_67, %dma_wait3A] : memref<160x128xi32, #tpu.memory_space<vmem>> -> memref<1x128xi32, #tpu.memory_space<vmem>>
      %dma_wait3A_77 = tpu.memref_squeeze %dma_wait3A_76 : memref<1x128xi32, #tpu.memory_space<vmem>> -> memref<128xi32, #tpu.memory_space<vmem>>
      %dma_wait3A_78 = arith.constant 0 : i32
      %dma_wait3A_79 = arith.constant 0 : i32
      %dma_wait3A_80 = tpu.memref_slice %arg10[%dma_wait3A_78, %dma_wait3A_79] : memref<10240x32xf32, #tpu.memory_space<vmem_shared>> -> memref<10240x32xf32, #tpu.memory_space<vmem_shared>>
      tpu.wait_indirect_dma semaphore(%arg12 : memref<!tpu.dma_semaphore, #tpu.memory_space<semaphore_mem>>) src(%dma_wait3A_80 : memref<10240x32xf32, #tpu.memory_space<vmem_shared>>) dst(%arg8 : memref<128x32xf32, #tpu.memory_space<vmem>>)
      "tpu.region"() ({
        %run_scoped3A = tpu.sem_alloc : memref<!tpu.dma_semaphore, #tpu.memory_space<semaphore_mem>>
        %dma_start3A_93 = arith.constant 0 : i32
        %dma_start3A_94 = tpu.memref_slice %arg7[%mul3A_67, %dma_start3A_93] : memref<160x128xi32, #tpu.memory_space<vmem>> -> memref<1x128xi32, #tpu.memory_space<vmem>>
        %dma_start3A_95 = tpu.memref_squeeze %dma_start3A_94 : memref<1x128xi32, #tpu.memory_space<vmem>> -> memref<128xi32, #tpu.memory_space<vmem>>
        %dma_start3A_96 = arith.constant 0 : i32
        %dma_start3A_97 = arith.constant 0 : i32
        %dma_start3A_98 = tpu.memref_slice %arg11[%dma_start3A_96, %dma_start3A_97] : memref<10240x32xf32, #tpu.memory_space<vmem_shared>> -> memref<10240x32xf32, #tpu.memory_space<vmem_shared>>
        tpu.enqueue_indirect_dma source(%arg8 : memref<128x32xf32, #tpu.memory_space<vmem>>) target(%dma_start3A_98 : memref<10240x32xf32, #tpu.memory_space<vmem_shared>>) offsets(%dma_start3A_95 : memref<128xi32, #tpu.memory_space<vmem>>) semaphore(%run_scoped3A : memref<!tpu.dma_semaphore, #tpu.memory_space<semaphore_mem>>) {add = true}
        %dma_wait3A_99 = arith.constant 0 : i32
        %dma_wait3A_100 = tpu.memref_slice %arg7[%mul3A_67, %dma_wait3A_99] : memref<160x128xi32, #tpu.memory_space<vmem>> -> memref<1x128xi32, #tpu.memory_space<vmem>>
        %dma_wait3A_101 = tpu.memref_squeeze %dma_wait3A_100 : memref<1x128xi32, #tpu.memory_space<vmem>> -> memref<128xi32, #tpu.memory_space<vmem>>
        %dma_wait3A_102 = arith.constant 0 : i32
        %dma_wait3A_103 = arith.constant 0 : i32
        %dma_wait3A_104 = tpu.memref_slice %arg11[%dma_wait3A_102, %dma_wait3A_103] : memref<10240x32xf32, #tpu.memory_space<vmem_shared>> -> memref<10240x32xf32, #tpu.memory_space<vmem_shared>>
        tpu.wait_indirect_dma semaphore(%run_scoped3A : memref<!tpu.dma_semaphore, #tpu.memory_space<semaphore_mem>>) src(%arg8 : memref<128x32xf32, #tpu.memory_space<vmem>>) dst(%dma_wait3A_104 : memref<10240x32xf32, #tpu.memory_space<vmem_shared>>)
        tpu.yield
      }) : () -> ()
      %add3A_81 = arith.constant 2 : i32
      %add3A_82 = arith.addi %mul3A_67, %add3A_81 : i32
      %lt3A = arith.constant 160 : i32
      %lt3A_83 = arith.cmpi slt, %add3A_82, %lt3A : i32
      %convert_element_type3A = arith.extui %lt3A_83 : i1 to i32
      %cond3A = arith.constant 0 : i32
      %cond3A_84 = arith.cmpi ne, %convert_element_type3A, %cond3A : i32
      scf.if %cond3A_84 {
        %add3A_93 = arith.constant 2 : i32
        %add3A_94 = arith.addi %mul3A_67, %add3A_93 : i32
        %dma_start3A_95 = arith.constant 0 : i32
        %dma_start3A_96 = tpu.memref_slice %arg6[%add3A_94, %dma_start3A_95] : memref<160x128xi32, #tpu.memory_space<vmem>> -> memref<1x128xi32, #tpu.memory_space<vmem>>
        %dma_start3A_97 = tpu.memref_squeeze %dma_start3A_96 : memref<1x128xi32, #tpu.memory_space<vmem>> -> memref<128xi32, #tpu.memory_space<vmem>>
        %dma_start3A_98 = arith.constant 0 : i32
        %dma_start3A_99 = arith.constant 0 : i32
        %dma_start3A_100 = tpu.memref_slice %arg10[%dma_start3A_98, %dma_start3A_99] : memref<10240x32xf32, #tpu.memory_space<vmem_shared>> -> memref<10240x32xf32, #tpu.memory_space<vmem_shared>>
        tpu.enqueue_indirect_dma source(%dma_start3A_100 : memref<10240x32xf32, #tpu.memory_space<vmem_shared>>) target(%arg8 : memref<128x32xf32, #tpu.memory_space<vmem>>) offsets(%dma_start3A_97 : memref<128xi32, #tpu.memory_space<vmem>>) semaphore(%arg12 : memref<!tpu.dma_semaphore, #tpu.memory_space<semaphore_mem>>)
      } else {
      }
      %dma_wait3A_85 = arith.constant 0 : i32
      %dma_wait3A_86 = tpu.memref_slice %arg6[%add3A_69, %dma_wait3A_85] : memref<160x128xi32, #tpu.memory_space<vmem>> -> memref<1x128xi32, #tpu.memory_space<vmem>>
      %dma_wait3A_87 = tpu.memref_squeeze %dma_wait3A_86 : memref<1x128xi32, #tpu.memory_space<vmem>> -> memref<128xi32, #tpu.memory_space<vmem>>
      %dma_wait3A_88 = arith.constant 0 : i32
      %dma_wait3A_89 = arith.constant 0 : i32
      %dma_wait3A_90 = tpu.memref_slice %arg10[%dma_wait3A_88, %dma_wait3A_89] : memref<10240x32xf32, #tpu.memory_space<vmem_shared>> -> memref<10240x32xf32, #tpu.memory_space<vmem_shared>>
      tpu.wait_indirect_dma semaphore(%arg13 : memref<!tpu.dma_semaphore, #tpu.memory_space<semaphore_mem>>) src(%dma_wait3A_90 : memref<10240x32xf32, #tpu.memory_space<vmem_shared>>) dst(%arg9 : memref<128x32xf32, #tpu.memory_space<vmem>>)
      %add3A_91 = arith.constant 1 : i32
      %add3A_92 = arith.addi %mul3A_67, %add3A_91 : i32
      "tpu.region"() ({
        %run_scoped3A = tpu.sem_alloc : memref<!tpu.dma_semaphore, #tpu.memory_space<semaphore_mem>>
        %dma_start3A_93 = arith.constant 0 : i32
        %dma_start3A_94 = tpu.memref_slice %arg7[%add3A_92, %dma_start3A_93] : memref<160x128xi32, #tpu.memory_space<vmem>> -> memref<1x128xi32, #tpu.memory_space<vmem>>
        %dma_start3A_95 = tpu.memref_squeeze %dma_start3A_94 : memref<1x128xi32, #tpu.memory_space<vmem>> -> memref<128xi32, #tpu.memory_space<vmem>>
        %dma_start3A_96 = arith.constant 0 : i32
        %dma_start3A_97 = arith.constant 0 : i32
        %dma_start3A_98 = tpu.memref_slice %arg11[%dma_start3A_96, %dma_start3A_97] : memref<10240x32xf32, #tpu.memory_space<vmem_shared>> -> memref<10240x32xf32, #tpu.memory_space<vmem_shared>>
        tpu.enqueue_indirect_dma source(%arg9 : memref<128x32xf32, #tpu.memory_space<vmem>>) target(%dma_start3A_98 : memref<10240x32xf32, #tpu.memory_space<vmem_shared>>) offsets(%dma_start3A_95 : memref<128xi32, #tpu.memory_space<vmem>>) semaphore(%run_scoped3A : memref<!tpu.dma_semaphore, #tpu.memory_space<semaphore_mem>>) {add = true}
        %dma_wait3A_99 = arith.constant 0 : i32
        %dma_wait3A_100 = tpu.memref_slice %arg7[%add3A_92, %dma_wait3A_99] : memref<160x128xi32, #tpu.memory_space<vmem>> -> memref<1x128xi32, #tpu.memory_space<vmem>>
        %dma_wait3A_101 = tpu.memref_squeeze %dma_wait3A_100 : memref<1x128xi32, #tpu.memory_space<vmem>> -> memref<128xi32, #tpu.memory_space<vmem>>
        %dma_wait3A_102 = arith.constant 0 : i32
        %dma_wait3A_103 = arith.constant 0 : i32
        %dma_wait3A_104 = tpu.memref_slice %arg11[%dma_wait3A_102, %dma_wait3A_103] : memref<10240x32xf32, #tpu.memory_space<vmem_shared>> -> memref<10240x32xf32, #tpu.memory_space<vmem_shared>>
        tpu.wait_indirect_dma semaphore(%run_scoped3A : memref<!tpu.dma_semaphore, #tpu.memory_space<semaphore_mem>>) src(%arg9 : memref<128x32xf32, #tpu.memory_space<vmem>>) dst(%dma_wait3A_104 : memref<10240x32xf32, #tpu.memory_space<vmem_shared>>)
        tpu.yield
      }) : () -> ()
    }
    %scan3A_43 = arith.constant 80 : i32
    %barrier3A_44 = arith.constant 0 : index
    tpu.barrier barrier_id(%barrier3A_44)
    %mul3A_45 = arith.constant 640 : i32
    %mul3A_46 = arith.muli %arg1, %mul3A_45 : i32
    %add3A_47 = arith.constant 0 : i32
    %add3A_48 = arith.addi %mul3A_46, %add3A_47 : i32
    "tpu.region"() ({
      %run_scoped3A = tpu.sem_alloc : memref<!tpu.dma_semaphore, #tpu.memory_space<semaphore_mem>>
      %dma_start3A_65 = arith.constant 0 : i32
      %dma_start3A_66 = tpu.memref_slice %arg5[%arg0, %add3A_48, %dma_start3A_65] : memref<2x10240x32xf32, #tpu.memory_space<hbm>> -> memref<1x128x32xf32, #tpu.memory_space<hbm>>
      %dma_start3A_67 = tpu.memref_squeeze %dma_start3A_66 : memref<1x128x32xf32, #tpu.memory_space<hbm>> -> memref<128x32xf32, #tpu.memory_space<hbm>>
      %dma_start3A_68 = arith.constant 0 : i32
      %dma_start3A_69 = tpu.memref_slice %arg11[%add3A_48, %dma_start3A_68] : memref<10240x32xf32, #tpu.memory_space<vmem_shared>> -> memref<128x32xf32, #tpu.memory_space<vmem_shared>>
      tpu.enqueue_dma source(%dma_start3A_69 : memref<128x32xf32, #tpu.memory_space<vmem_shared>>) target(%dma_start3A_67 : memref<128x32xf32, #tpu.memory_space<hbm>>) target_semaphore(%run_scoped3A : memref<!tpu.dma_semaphore, #tpu.memory_space<semaphore_mem>>)
      %dma_wait3A = arith.constant 0 : i32
      %dma_wait3A_70 = tpu.memref_slice %arg5[%arg0, %add3A_48, %dma_wait3A] : memref<2x10240x32xf32, #tpu.memory_space<hbm>> -> memref<1x128x32xf32, #tpu.memory_space<hbm>>
      %dma_wait3A_71 = tpu.memref_squeeze %dma_wait3A_70 : memref<1x128x32xf32, #tpu.memory_space<hbm>> -> memref<128x32xf32, #tpu.memory_space<hbm>>
      %dma_wait3A_72 = arith.constant 0 : i32
      %dma_wait3A_73 = tpu.memref_slice %arg11[%add3A_48, %dma_wait3A_72] : memref<10240x32xf32, #tpu.memory_space<vmem_shared>> -> memref<128x32xf32, #tpu.memory_space<vmem_shared>>
      tpu.wait_dma2 semaphore(%run_scoped3A : memref<!tpu.dma_semaphore, #tpu.memory_space<semaphore_mem>>) src(%dma_wait3A_73 : memref<128x32xf32, #tpu.memory_space<vmem_shared>>) dst(%dma_wait3A_71 : memref<128x32xf32, #tpu.memory_space<hbm>>)
      tpu.yield
    }) : () -> ()
    %mul3A_49 = arith.constant 640 : i32
    %mul3A_50 = arith.muli %arg1, %mul3A_49 : i32
    %add3A_51 = arith.constant 128 : i32
    %add3A_52 = arith.addi %mul3A_50, %add3A_51 : i32
    "tpu.region"() ({
      %run_scoped3A = tpu.sem_alloc : memref<!tpu.dma_semaphore, #tpu.memory_space<semaphore_mem>>
      %dma_start3A_65 = arith.constant 0 : i32
      %dma_start3A_66 = tpu.memref_slice %arg5[%arg0, %add3A_52, %dma_start3A_65] : memref<2x10240x32xf32, #tpu.memory_space<hbm>> -> memref<1x128x32xf32, #tpu.memory_space<hbm>>
      %dma_start3A_67 = tpu.memref_squeeze %dma_start3A_66 : memref<1x128x32xf32, #tpu.memory_space<hbm>> -> memref<128x32xf32, #tpu.memory_space<hbm>>
      %dma_start3A_68 = arith.constant 0 : i32
      %dma_start3A_69 = tpu.memref_slice %arg11[%add3A_52, %dma_start3A_68] : memref<10240x32xf32, #tpu.memory_space<vmem_shared>> -> memref<128x32xf32, #tpu.memory_space<vmem_shared>>
      tpu.enqueue_dma source(%dma_start3A_69 : memref<128x32xf32, #tpu.memory_space<vmem_shared>>) target(%dma_start3A_67 : memref<128x32xf32, #tpu.memory_space<hbm>>) target_semaphore(%run_scoped3A : memref<!tpu.dma_semaphore, #tpu.memory_space<semaphore_mem>>)
      %dma_wait3A = arith.constant 0 : i32
      %dma_wait3A_70 = tpu.memref_slice %arg5[%arg0, %add3A_52, %dma_wait3A] : memref<2x10240x32xf32, #tpu.memory_space<hbm>> -> memref<1x128x32xf32, #tpu.memory_space<hbm>>
      %dma_wait3A_71 = tpu.memref_squeeze %dma_wait3A_70 : memref<1x128x32xf32, #tpu.memory_space<hbm>> -> memref<128x32xf32, #tpu.memory_space<hbm>>
      %dma_wait3A_72 = arith.constant 0 : i32
      %dma_wait3A_73 = tpu.memref_slice %arg11[%add3A_52, %dma_wait3A_72] : memref<10240x32xf32, #tpu.memory_space<vmem_shared>> -> memref<128x32xf32, #tpu.memory_space<vmem_shared>>
      tpu.wait_dma2 semaphore(%run_scoped3A : memref<!tpu.dma_semaphore, #tpu.memory_space<semaphore_mem>>) src(%dma_wait3A_73 : memref<128x32xf32, #tpu.memory_space<vmem_shared>>) dst(%dma_wait3A_71 : memref<128x32xf32, #tpu.memory_space<hbm>>)
      tpu.yield
    }) : () -> ()
    %mul3A_53 = arith.constant 640 : i32
    %mul3A_54 = arith.muli %arg1, %mul3A_53 : i32
    %add3A_55 = arith.constant 256 : i32
    %add3A_56 = arith.addi %mul3A_54, %add3A_55 : i32
    "tpu.region"() ({
      %run_scoped3A = tpu.sem_alloc : memref<!tpu.dma_semaphore, #tpu.memory_space<semaphore_mem>>
      %dma_start3A_65 = arith.constant 0 : i32
      %dma_start3A_66 = tpu.memref_slice %arg5[%arg0, %add3A_56, %dma_start3A_65] : memref<2x10240x32xf32, #tpu.memory_space<hbm>> -> memref<1x128x32xf32, #tpu.memory_space<hbm>>
      %dma_start3A_67 = tpu.memref_squeeze %dma_start3A_66 : memref<1x128x32xf32, #tpu.memory_space<hbm>> -> memref<128x32xf32, #tpu.memory_space<hbm>>
      %dma_start3A_68 = arith.constant 0 : i32
      %dma_start3A_69 = tpu.memref_slice %arg11[%add3A_56, %dma_start3A_68] : memref<10240x32xf32, #tpu.memory_space<vmem_shared>> -> memref<128x32xf32, #tpu.memory_space<vmem_shared>>
      tpu.enqueue_dma source(%dma_start3A_69 : memref<128x32xf32, #tpu.memory_space<vmem_shared>>) target(%dma_start3A_67 : memref<128x32xf32, #tpu.memory_space<hbm>>) target_semaphore(%run_scoped3A : memref<!tpu.dma_semaphore, #tpu.memory_space<semaphore_mem>>)
      %dma_wait3A = arith.constant 0 : i32
      %dma_wait3A_70 = tpu.memref_slice %arg5[%arg0, %add3A_56, %dma_wait3A] : memref<2x10240x32xf32, #tpu.memory_space<hbm>> -> memref<1x128x32xf32, #tpu.memory_space<hbm>>
      %dma_wait3A_71 = tpu.memref_squeeze %dma_wait3A_70 : memref<1x128x32xf32, #tpu.memory_space<hbm>> -> memref<128x32xf32, #tpu.memory_space<hbm>>
      %dma_wait3A_72 = arith.constant 0 : i32
      %dma_wait3A_73 = tpu.memref_slice %arg11[%add3A_56, %dma_wait3A_72] : memref<10240x32xf32, #tpu.memory_space<vmem_shared>> -> memref<128x32xf32, #tpu.memory_space<vmem_shared>>
      tpu.wait_dma2 semaphore(%run_scoped3A : memref<!tpu.dma_semaphore, #tpu.memory_space<semaphore_mem>>) src(%dma_wait3A_73 : memref<128x32xf32, #tpu.memory_space<vmem_shared>>) dst(%dma_wait3A_71 : memref<128x32xf32, #tpu.memory_space<hbm>>)
      tpu.yield
    }) : () -> ()
    %mul3A_57 = arith.constant 640 : i32
    %mul3A_58 = arith.muli %arg1, %mul3A_57 : i32
    %add3A_59 = arith.constant 384 : i32
    %add3A_60 = arith.addi %mul3A_58, %add3A_59 : i32
    "tpu.region"() ({
      %run_scoped3A = tpu.sem_alloc : memref<!tpu.dma_semaphore, #tpu.memory_space<semaphore_mem>>
      %dma_start3A_65 = arith.constant 0 : i32
      %dma_start3A_66 = tpu.memref_slice %arg5[%arg0, %add3A_60, %dma_start3A_65] : memref<2x10240x32xf32, #tpu.memory_space<hbm>> -> memref<1x128x32xf32, #tpu.memory_space<hbm>>
      %dma_start3A_67 = tpu.memref_squeeze %dma_start3A_66 : memref<1x128x32xf32, #tpu.memory_space<hbm>> -> memref<128x32xf32, #tpu.memory_space<hbm>>
      %dma_start3A_68 = arith.constant 0 : i32
      %dma_start3A_69 = tpu.memref_slice %arg11[%add3A_60, %dma_start3A_68] : memref<10240x32xf32, #tpu.memory_space<vmem_shared>> -> memref<128x32xf32, #tpu.memory_space<vmem_shared>>
      tpu.enqueue_dma source(%dma_start3A_69 : memref<128x32xf32, #tpu.memory_space<vmem_shared>>) target(%dma_start3A_67 : memref<128x32xf32, #tpu.memory_space<hbm>>) target_semaphore(%run_scoped3A : memref<!tpu.dma_semaphore, #tpu.memory_space<semaphore_mem>>)
      %dma_wait3A = arith.constant 0 : i32
      %dma_wait3A_70 = tpu.memref_slice %arg5[%arg0, %add3A_60, %dma_wait3A] : memref<2x10240x32xf32, #tpu.memory_space<hbm>> -> memref<1x128x32xf32, #tpu.memory_space<hbm>>
      %dma_wait3A_71 = tpu.memref_squeeze %dma_wait3A_70 : memref<1x128x32xf32, #tpu.memory_space<hbm>> -> memref<128x32xf32, #tpu.memory_space<hbm>>
      %dma_wait3A_72 = arith.constant 0 : i32
      %dma_wait3A_73 = tpu.memref_slice %arg11[%add3A_60, %dma_wait3A_72] : memref<10240x32xf32, #tpu.memory_space<vmem_shared>> -> memref<128x32xf32, #tpu.memory_space<vmem_shared>>
      tpu.wait_dma2 semaphore(%run_scoped3A : memref<!tpu.dma_semaphore, #tpu.memory_space<semaphore_mem>>) src(%dma_wait3A_73 : memref<128x32xf32, #tpu.memory_space<vmem_shared>>) dst(%dma_wait3A_71 : memref<128x32xf32, #tpu.memory_space<hbm>>)
      tpu.yield
    }) : () -> ()
    %mul3A_61 = arith.constant 640 : i32
    %mul3A_62 = arith.muli %arg1, %mul3A_61 : i32
    %add3A_63 = arith.constant 512 : i32
    %add3A_64 = arith.addi %mul3A_62, %add3A_63 : i32
    "tpu.region"() ({
      %run_scoped3A = tpu.sem_alloc : memref<!tpu.dma_semaphore, #tpu.memory_space<semaphore_mem>>
      %dma_start3A_65 = arith.constant 0 : i32
      %dma_start3A_66 = tpu.memref_slice %arg5[%arg0, %add3A_64, %dma_start3A_65] : memref<2x10240x32xf32, #tpu.memory_space<hbm>> -> memref<1x128x32xf32, #tpu.memory_space<hbm>>
      %dma_start3A_67 = tpu.memref_squeeze %dma_start3A_66 : memref<1x128x32xf32, #tpu.memory_space<hbm>> -> memref<128x32xf32, #tpu.memory_space<hbm>>
      %dma_start3A_68 = arith.constant 0 : i32
      %dma_start3A_69 = tpu.memref_slice %arg11[%add3A_64, %dma_start3A_68] : memref<10240x32xf32, #tpu.memory_space<vmem_shared>> -> memref<128x32xf32, #tpu.memory_space<vmem_shared>>
      tpu.enqueue_dma source(%dma_start3A_69 : memref<128x32xf32, #tpu.memory_space<vmem_shared>>) target(%dma_start3A_67 : memref<128x32xf32, #tpu.memory_space<hbm>>) target_semaphore(%run_scoped3A : memref<!tpu.dma_semaphore, #tpu.memory_space<semaphore_mem>>)
      %dma_wait3A = arith.constant 0 : i32
      %dma_wait3A_70 = tpu.memref_slice %arg5[%arg0, %add3A_64, %dma_wait3A] : memref<2x10240x32xf32, #tpu.memory_space<hbm>> -> memref<1x128x32xf32, #tpu.memory_space<hbm>>
      %dma_wait3A_71 = tpu.memref_squeeze %dma_wait3A_70 : memref<1x128x32xf32, #tpu.memory_space<hbm>> -> memref<128x32xf32, #tpu.memory_space<hbm>>
      %dma_wait3A_72 = arith.constant 0 : i32
      %dma_wait3A_73 = tpu.memref_slice %arg11[%add3A_64, %dma_wait3A_72] : memref<10240x32xf32, #tpu.memory_space<vmem_shared>> -> memref<128x32xf32, #tpu.memory_space<vmem_shared>>
      tpu.wait_dma2 semaphore(%run_scoped3A : memref<!tpu.dma_semaphore, #tpu.memory_space<semaphore_mem>>) src(%dma_wait3A_73 : memref<128x32xf32, #tpu.memory_space<vmem_shared>>) dst(%dma_wait3A_71 : memref<128x32xf32, #tpu.memory_space<hbm>>)
      tpu.yield
    }) : () -> ()
    return
  }
}

#map = affine_map<(d0, d1) -> (0, 0, 0)>
#map1 = affine_map<(d0, d1) -> (0, 0)>
module attributes {stable_mosaic.version = 14 : i64} {
  func.func @agg(%arg0: i32, %arg1: i32, %arg2: memref<2x10240x32xf32, #tpu.memory_space<hbm>>, %arg3: memref<2560x128xi32, #tpu.memory_space<hbm>>, %arg4: memref<2560x128xi32, #tpu.memory_space<hbm>>, %arg5: memref<2x10240x32xf32, #tpu.memory_space<hbm>>, %arg6: memref<160x128xi32, #tpu.memory_space<vmem>>, %arg7: memref<160x128xi32, #tpu.memory_space<vmem>>, %arg8: memref<128x32xf32, #tpu.memory_space<vmem>>, %arg9: memref<128x32xf32, #tpu.memory_space<vmem>>, %arg10: memref<10240x32xf32, #tpu.memory_space<vmem_shared>>, %arg11: memref<10240x32xf32, #tpu.memory_space<vmem_shared>>, %arg12: memref<!tpu.dma_semaphore, #tpu.memory_space<semaphore_mem>>, %arg13: memref<!tpu.dma_semaphore, #tpu.memory_space<semaphore_mem>>) attributes {dimension_semantics = [#tpu.dimension_semantics<core_parallel>, #tpu.dimension_semantics<subcore_parallel>], iteration_bounds = array<i64: 2, 16>, scalar_prefetch = 0 : i64, scratch_operands = 8 : i64, tpu.core_type = #tpu.core_type<sc_vector_subcore>, window_params = [{transform_indices = #map}, {transform_indices = #map1}, {transform_indices = #map1}, {transform_indices = #map}]} {
    %broadcast_in_dim3A = arith.constant 0.000000e+00 : f32
    %broadcast_in_dim3A_0 = vector.broadcast %broadcast_in_dim3A : f32 to vector<16xf32>
    %scan3A = arith.constant 0 : i32
    %scan3A_1 = arith.constant 0 : i32
    %scan3A_2 = arith.constant 128 : i32
    %scan3A_3 = arith.addi %scan3A_1, %scan3A_2 : i32
    %scan3A_4 = arith.constant 1 : i32
    scf.for %scan3A_65 = %scan3A_1 to %scan3A_3 step %scan3A_4  : i32 {
      %swap3A = arith.index_cast %scan3A_65 : i32 to index
      %swap3A_66 = arith.constant 0 : index
      %swap3A_67 = tpu.vector_load %arg8[%swap3A, %swap3A_66] {strides = array<i32>} : memref<128x32xf32, #tpu.memory_space<vmem>>, vector<16xf32>,
      tpu.vector_store %arg8[%swap3A, %swap3A_66], %broadcast_in_dim3A_0 {strides = array<i32>} : memref<128x32xf32, #tpu.memory_space<vmem>>, vector<16xf32>,
      %swap3A_68 = arith.index_cast %scan3A_65 : i32 to index
      %swap3A_69 = arith.constant 16 : index
      %swap3A_70 = tpu.vector_load %arg8[%swap3A_68, %swap3A_69] {strides = array<i32>} : memref<128x32xf32, #tpu.memory_space<vmem>>, vector<16xf32>,
      tpu.vector_store %arg8[%swap3A_68, %swap3A_69], %broadcast_in_dim3A_0 {strides = array<i32>} : memref<128x32xf32, #tpu.memory_space<vmem>>, vector<16xf32>,
    }
    %scan3A_5 = arith.constant 128 : i32
    %mul3A = arith.constant 640 : i32
    %mul3A_6 = arith.muli %arg1, %mul3A : i32
    %mul3A_7 = arith.constant 640 : i32
    %mul3A_8 = arith.muli %arg1, %mul3A_7 : i32
    "tpu.region"() ({
      %run_scoped3A = tpu.sem_alloc : memref<!tpu.dma_semaphore, #tpu.memory_space<semaphore_mem>>
      %dma_start3A_65 = arith.constant 0 : i32
      %dma_start3A_66 = tpu.memref_slice %arg10[%mul3A_8, %dma_start3A_65] : memref<10240x32xf32, #tpu.memory_space<vmem_shared>> -> memref<640x32xf32, #tpu.memory_space<vmem_shared>>
      %dma_start3A_67 = arith.constant 0 : i32
      %dma_start3A_68 = tpu.memref_slice %arg2[%arg0, %mul3A_6, %dma_start3A_67] : memref<2x10240x32xf32, #tpu.memory_space<hbm>> -> memref<1x640x32xf32, #tpu.memory_space<hbm>>
      %dma_start3A_69 = tpu.memref_squeeze %dma_start3A_68 : memref<1x640x32xf32, #tpu.memory_space<hbm>> -> memref<640x32xf32, #tpu.memory_space<hbm>>
      tpu.enqueue_dma source(%dma_start3A_69 : memref<640x32xf32, #tpu.memory_space<hbm>>) target(%dma_start3A_66 : memref<640x32xf32, #tpu.memory_space<vmem_shared>>) target_semaphore(%run_scoped3A : memref<!tpu.dma_semaphore, #tpu.memory_space<semaphore_mem>>)
      %dma_wait3A = arith.constant 0 : i32
      %dma_wait3A_70 = tpu.memref_slice %arg10[%mul3A_8, %dma_wait3A] : memref<10240x32xf32, #tpu.memory_space<vmem_shared>> -> memref<640x32xf32, #tpu.memory_space<vmem_shared>>
      %dma_wait3A_71 = arith.constant 0 : i32
      %dma_wait3A_72 = tpu.memref_slice %arg2[%arg0, %mul3A_6, %dma_wait3A_71] : memref<2x10240x32xf32, #tpu.memory_space<hbm>> -> memref<1x640x32xf32, #tpu.memory_space<hbm>>
      %dma_wait3A_73 = tpu.memref_squeeze %dma_wait3A_72 : memref<1x640x32xf32, #tpu.memory_space<hbm>> -> memref<640x32xf32, #tpu.memory_space<hbm>>
      tpu.wait_dma2 semaphore(%run_scoped3A : memref<!tpu.dma_semaphore, #tpu.memory_space<semaphore_mem>>) src(%dma_wait3A_73 : memref<640x32xf32, #tpu.memory_space<hbm>>) dst(%dma_wait3A_70 : memref<640x32xf32, #tpu.memory_space<vmem_shared>>)
      tpu.yield
    }) : () -> ()
    %mul3A_9 = arith.constant 640 : i32
    %mul3A_10 = arith.muli %arg1, %mul3A_9 : i32
    %add3A = arith.constant 0 : i32
    %add3A_11 = arith.addi %mul3A_10, %add3A : i32
    "tpu.region"() ({
      %run_scoped3A = tpu.sem_alloc : memref<!tpu.dma_semaphore, #tpu.memory_space<semaphore_mem>>
      %dma_start3A_65 = arith.constant 0 : i32
      %dma_start3A_66 = tpu.memref_slice %arg11[%add3A_11, %dma_start3A_65] : memref<10240x32xf32, #tpu.memory_space<vmem_shared>> -> memref<128x32xf32, #tpu.memory_space<vmem_shared>>
      %dma_start3A_67 = arith.constant 0 : i32
      %dma_start3A_68 = tpu.memref_slice %arg11[%add3A_11, %dma_start3A_67] : memref<10240x32xf32, #tpu.memory_space<vmem_shared>> -> memref<128x32xf32, #tpu.memory_space<vmem_shared>>
      tpu.enqueue_dma source(%arg8 : memref<128x32xf32, #tpu.memory_space<vmem>>) target(%dma_start3A_68 : memref<128x32xf32, #tpu.memory_space<vmem_shared>>) target_semaphore(%run_scoped3A : memref<!tpu.dma_semaphore, #tpu.memory_space<semaphore_mem>>)
      %dma_wait3A = arith.constant 0 : i32
      %dma_wait3A_69 = tpu.memref_slice %arg11[%add3A_11, %dma_wait3A] : memref<10240x32xf32, #tpu.memory_space<vmem_shared>> -> memref<128x32xf32, #tpu.memory_space<vmem_shared>>
      %dma_wait3A_70 = arith.constant 0 : i32
      %dma_wait3A_71 = tpu.memref_slice %arg11[%add3A_11, %dma_wait3A_70] : memref<10240x32xf32, #tpu.memory_space<vmem_shared>> -> memref<128x32xf32, #tpu.memory_space<vmem_shared>>
      tpu.wait_dma2 semaphore(%run_scoped3A : memref<!tpu.dma_semaphore, #tpu.memory_space<semaphore_mem>>) src(%arg8 : memref<128x32xf32, #tpu.memory_space<vmem>>) dst(%dma_wait3A_71 : memref<128x32xf32, #tpu.memory_space<vmem_shared>>)
      tpu.yield
    }) : () -> ()
    %mul3A_12 = arith.constant 640 : i32
    %mul3A_13 = arith.muli %arg1, %mul3A_12 : i32
    %add3A_14 = arith.constant 128 : i32
    %add3A_15 = arith.addi %mul3A_13, %add3A_14 : i32
    "tpu.region"() ({
      %run_scoped3A = tpu.sem_alloc : memref<!tpu.dma_semaphore, #tpu.memory_space<semaphore_mem>>
      %dma_start3A_65 = arith.constant 0 : i32
      %dma_start3A_66 = tpu.memref_slice %arg11[%add3A_15, %dma_start3A_65] : memref<10240x32xf32, #tpu.memory_space<vmem_shared>> -> memref<128x32xf32, #tpu.memory_space<vmem_shared>>
      %dma_start3A_67 = arith.constant 0 : i32
      %dma_start3A_68 = tpu.memref_slice %arg11[%add3A_15, %dma_start3A_67] : memref<10240x32xf32, #tpu.memory_space<vmem_shared>> -> memref<128x32xf32, #tpu.memory_space<vmem_shared>>
      tpu.enqueue_dma source(%arg8 : memref<128x32xf32, #tpu.memory_space<vmem>>) target(%dma_start3A_68 : memref<128x32xf32, #tpu.memory_space<vmem_shared>>) target_semaphore(%run_scoped3A : memref<!tpu.dma_semaphore, #tpu.memory_space<semaphore_mem>>)
      %dma_wait3A = arith.constant 0 : i32
      %dma_wait3A_69 = tpu.memref_slice %arg11[%add3A_15, %dma_wait3A] : memref<10240x32xf32, #tpu.memory_space<vmem_shared>> -> memref<128x32xf32, #tpu.memory_space<vmem_shared>>
      %dma_wait3A_70 = arith.constant 0 : i32
      %dma_wait3A_71 = tpu.memref_slice %arg11[%add3A_15, %dma_wait3A_70] : memref<10240x32xf32, #tpu.memory_space<vmem_shared>> -> memref<128x32xf32, #tpu.memory_space<vmem_shared>>
      tpu.wait_dma2 semaphore(%run_scoped3A : memref<!tpu.dma_semaphore, #tpu.memory_space<semaphore_mem>>) src(%arg8 : memref<128x32xf32, #tpu.memory_space<vmem>>) dst(%dma_wait3A_71 : memref<128x32xf32, #tpu.memory_space<vmem_shared>>)
      tpu.yield
    }) : () -> ()
    %mul3A_16 = arith.constant 640 : i32
    %mul3A_17 = arith.muli %arg1, %mul3A_16 : i32
    %add3A_18 = arith.constant 256 : i32
    %add3A_19 = arith.addi %mul3A_17, %add3A_18 : i32
    "tpu.region"() ({
      %run_scoped3A = tpu.sem_alloc : memref<!tpu.dma_semaphore, #tpu.memory_space<semaphore_mem>>
      %dma_start3A_65 = arith.constant 0 : i32
      %dma_start3A_66 = tpu.memref_slice %arg11[%add3A_19, %dma_start3A_65] : memref<10240x32xf32, #tpu.memory_space<vmem_shared>> -> memref<128x32xf32, #tpu.memory_space<vmem_shared>>
      %dma_start3A_67 = arith.constant 0 : i32
      %dma_start3A_68 = tpu.memref_slice %arg11[%add3A_19, %dma_start3A_67] : memref<10240x32xf32, #tpu.memory_space<vmem_shared>> -> memref<128x32xf32, #tpu.memory_space<vmem_shared>>
      tpu.enqueue_dma source(%arg8 : memref<128x32xf32, #tpu.memory_space<vmem>>) target(%dma_start3A_68 : memref<128x32xf32, #tpu.memory_space<vmem_shared>>) target_semaphore(%run_scoped3A : memref<!tpu.dma_semaphore, #tpu.memory_space<semaphore_mem>>)
      %dma_wait3A = arith.constant 0 : i32
      %dma_wait3A_69 = tpu.memref_slice %arg11[%add3A_19, %dma_wait3A] : memref<10240x32xf32, #tpu.memory_space<vmem_shared>> -> memref<128x32xf32, #tpu.memory_space<vmem_shared>>
      %dma_wait3A_70 = arith.constant 0 : i32
      %dma_wait3A_71 = tpu.memref_slice %arg11[%add3A_19, %dma_wait3A_70] : memref<10240x32xf32, #tpu.memory_space<vmem_shared>> -> memref<128x32xf32, #tpu.memory_space<vmem_shared>>
      tpu.wait_dma2 semaphore(%run_scoped3A : memref<!tpu.dma_semaphore, #tpu.memory_space<semaphore_mem>>) src(%arg8 : memref<128x32xf32, #tpu.memory_space<vmem>>) dst(%dma_wait3A_71 : memref<128x32xf32, #tpu.memory_space<vmem_shared>>)
      tpu.yield
    }) : () -> ()
    %mul3A_20 = arith.constant 640 : i32
    %mul3A_21 = arith.muli %arg1, %mul3A_20 : i32
    %add3A_22 = arith.constant 384 : i32
    %add3A_23 = arith.addi %mul3A_21, %add3A_22 : i32
    "tpu.region"() ({
      %run_scoped3A = tpu.sem_alloc : memref<!tpu.dma_semaphore, #tpu.memory_space<semaphore_mem>>
      %dma_start3A_65 = arith.constant 0 : i32
      %dma_start3A_66 = tpu.memref_slice %arg11[%add3A_23, %dma_start3A_65] : memref<10240x32xf32, #tpu.memory_space<vmem_shared>> -> memref<128x32xf32, #tpu.memory_space<vmem_shared>>
      %dma_start3A_67 = arith.constant 0 : i32
      %dma_start3A_68 = tpu.memref_slice %arg11[%add3A_23, %dma_start3A_67] : memref<10240x32xf32, #tpu.memory_space<vmem_shared>> -> memref<128x32xf32, #tpu.memory_space<vmem_shared>>
      tpu.enqueue_dma source(%arg8 : memref<128x32xf32, #tpu.memory_space<vmem>>) target(%dma_start3A_68 : memref<128x32xf32, #tpu.memory_space<vmem_shared>>) target_semaphore(%run_scoped3A : memref<!tpu.dma_semaphore, #tpu.memory_space<semaphore_mem>>)
      %dma_wait3A = arith.constant 0 : i32
      %dma_wait3A_69 = tpu.memref_slice %arg11[%add3A_23, %dma_wait3A] : memref<10240x32xf32, #tpu.memory_space<vmem_shared>> -> memref<128x32xf32, #tpu.memory_space<vmem_shared>>
      %dma_wait3A_70 = arith.constant 0 : i32
      %dma_wait3A_71 = tpu.memref_slice %arg11[%add3A_23, %dma_wait3A_70] : memref<10240x32xf32, #tpu.memory_space<vmem_shared>> -> memref<128x32xf32, #tpu.memory_space<vmem_shared>>
      tpu.wait_dma2 semaphore(%run_scoped3A : memref<!tpu.dma_semaphore, #tpu.memory_space<semaphore_mem>>) src(%arg8 : memref<128x32xf32, #tpu.memory_space<vmem>>) dst(%dma_wait3A_71 : memref<128x32xf32, #tpu.memory_space<vmem_shared>>)
      tpu.yield
    }) : () -> ()
    %mul3A_24 = arith.constant 640 : i32
    %mul3A_25 = arith.muli %arg1, %mul3A_24 : i32
    %add3A_26 = arith.constant 512 : i32
    %add3A_27 = arith.addi %mul3A_25, %add3A_26 : i32
    "tpu.region"() ({
      %run_scoped3A = tpu.sem_alloc : memref<!tpu.dma_semaphore, #tpu.memory_space<semaphore_mem>>
      %dma_start3A_65 = arith.constant 0 : i32
      %dma_start3A_66 = tpu.memref_slice %arg11[%add3A_27, %dma_start3A_65] : memref<10240x32xf32, #tpu.memory_space<vmem_shared>> -> memref<128x32xf32, #tpu.memory_space<vmem_shared>>
      %dma_start3A_67 = arith.constant 0 : i32
      %dma_start3A_68 = tpu.memref_slice %arg11[%add3A_27, %dma_start3A_67] : memref<10240x32xf32, #tpu.memory_space<vmem_shared>> -> memref<128x32xf32, #tpu.memory_space<vmem_shared>>
      tpu.enqueue_dma source(%arg8 : memref<128x32xf32, #tpu.memory_space<vmem>>) target(%dma_start3A_68 : memref<128x32xf32, #tpu.memory_space<vmem_shared>>) target_semaphore(%run_scoped3A : memref<!tpu.dma_semaphore, #tpu.memory_space<semaphore_mem>>)
      %dma_wait3A = arith.constant 0 : i32
      %dma_wait3A_69 = tpu.memref_slice %arg11[%add3A_27, %dma_wait3A] : memref<10240x32xf32, #tpu.memory_space<vmem_shared>> -> memref<128x32xf32, #tpu.memory_space<vmem_shared>>
      %dma_wait3A_70 = arith.constant 0 : i32
      %dma_wait3A_71 = tpu.memref_slice %arg11[%add3A_27, %dma_wait3A_70] : memref<10240x32xf32, #tpu.memory_space<vmem_shared>> -> memref<128x32xf32, #tpu.memory_space<vmem_shared>>
      tpu.wait_dma2 semaphore(%run_scoped3A : memref<!tpu.dma_semaphore, #tpu.memory_space<semaphore_mem>>) src(%arg8 : memref<128x32xf32, #tpu.memory_space<vmem>>) dst(%dma_wait3A_71 : memref<128x32xf32, #tpu.memory_space<vmem_shared>>)
      tpu.yield
    }) : () -> ()
    %barrier3A = arith.constant 0 : index
    tpu.barrier barrier_id(%barrier3A)
    %mul3A_28 = arith.constant 160 : i32
    %mul3A_29 = arith.muli %arg1, %mul3A_28 : i32
    "tpu.region"() ({
      %run_scoped3A = tpu.sem_alloc : memref<!tpu.dma_semaphore, #tpu.memory_space<semaphore_mem>>
      %dma_start3A_65 = arith.constant 0 : i32
      %dma_start3A_66 = tpu.memref_slice %arg3[%mul3A_29, %dma_start3A_65] : memref<2560x128xi32, #tpu.memory_space<hbm>> -> memref<160x128xi32, #tpu.memory_space<hbm>>
      %dma_start3A_67 = arith.constant 0 : i32
      %dma_start3A_68 = tpu.memref_slice %arg3[%mul3A_29, %dma_start3A_67] : memref<2560x128xi32, #tpu.memory_space<hbm>> -> memref<160x128xi32, #tpu.memory_space<hbm>>
      tpu.enqueue_dma source(%dma_start3A_68 : memref<160x128xi32, #tpu.memory_space<hbm>>) target(%arg6 : memref<160x128xi32, #tpu.memory_space<vmem>>) target_semaphore(%run_scoped3A : memref<!tpu.dma_semaphore, #tpu.memory_space<semaphore_mem>>)
      %dma_wait3A = arith.constant 0 : i32
      %dma_wait3A_69 = tpu.memref_slice %arg3[%mul3A_29, %dma_wait3A] : memref<2560x128xi32, #tpu.memory_space<hbm>> -> memref<160x128xi32, #tpu.memory_space<hbm>>
      %dma_wait3A_70 = arith.constant 0 : i32
      %dma_wait3A_71 = tpu.memref_slice %arg3[%mul3A_29, %dma_wait3A_70] : memref<2560x128xi32, #tpu.memory_space<hbm>> -> memref<160x128xi32, #tpu.memory_space<hbm>>
      tpu.wait_dma2 semaphore(%run_scoped3A : memref<!tpu.dma_semaphore, #tpu.memory_space<semaphore_mem>>) src(%dma_wait3A_71 : memref<160x128xi32, #tpu.memory_space<hbm>>) dst(%arg6 : memref<160x128xi32, #tpu.memory_space<vmem>>)
      tpu.yield
    }) : () -> ()
    %mul3A_30 = arith.constant 160 : i32
    %mul3A_31 = arith.muli %arg1, %mul3A_30 : i32
    "tpu.region"() ({
      %run_scoped3A = tpu.sem_alloc : memref<!tpu.dma_semaphore, #tpu.memory_space<semaphore_mem>>
      %dma_start3A_65 = arith.constant 0 : i32
      %dma_start3A_66 = tpu.memref_slice %arg4[%mul3A_31, %dma_start3A_65] : memref<2560x128xi32, #tpu.memory_space<hbm>> -> memref<160x128xi32, #tpu.memory_space<hbm>>
      %dma_start3A_67 = arith.constant 0 : i32
      %dma_start3A_68 = tpu.memref_slice %arg4[%mul3A_31, %dma_start3A_67] : memref<2560x128xi32, #tpu.memory_space<hbm>> -> memref<160x128xi32, #tpu.memory_space<hbm>>
      tpu.enqueue_dma source(%dma_start3A_68 : memref<160x128xi32, #tpu.memory_space<hbm>>) target(%arg7 : memref<160x128xi32, #tpu.memory_space<vmem>>) target_semaphore(%run_scoped3A : memref<!tpu.dma_semaphore, #tpu.memory_space<semaphore_mem>>)
      %dma_wait3A = arith.constant 0 : i32
      %dma_wait3A_69 = tpu.memref_slice %arg4[%mul3A_31, %dma_wait3A] : memref<2560x128xi32, #tpu.memory_space<hbm>> -> memref<160x128xi32, #tpu.memory_space<hbm>>
      %dma_wait3A_70 = arith.constant 0 : i32
      %dma_wait3A_71 = tpu.memref_slice %arg4[%mul3A_31, %dma_wait3A_70] : memref<2560x128xi32, #tpu.memory_space<hbm>> -> memref<160x128xi32, #tpu.memory_space<hbm>>
      tpu.wait_dma2 semaphore(%run_scoped3A : memref<!tpu.dma_semaphore, #tpu.memory_space<semaphore_mem>>) src(%dma_wait3A_71 : memref<160x128xi32, #tpu.memory_space<hbm>>) dst(%arg7 : memref<160x128xi32, #tpu.memory_space<vmem>>)
      tpu.yield
    }) : () -> ()
    %dma_start3A = arith.constant 0 : i32
    %dma_start3A_32 = arith.constant 0 : i32
    %dma_start3A_33 = tpu.memref_slice %arg6[%dma_start3A, %dma_start3A_32] : memref<160x128xi32, #tpu.memory_space<vmem>> -> memref<1x128xi32, #tpu.memory_space<vmem>>
    %dma_start3A_34 = tpu.memref_squeeze %dma_start3A_33 : memref<1x128xi32, #tpu.memory_space<vmem>> -> memref<128xi32, #tpu.memory_space<vmem>>
    %dma_start3A_35 = arith.constant 0 : i32
    %dma_start3A_36 = arith.constant 0 : i32
    %dma_start3A_37 = tpu.memref_slice %arg10[%dma_start3A_35, %dma_start3A_36] : memref<10240x32xf32, #tpu.memory_space<vmem_shared>> -> memref<10240x32xf32, #tpu.memory_space<vmem_shared>>
    tpu.enqueue_indirect_dma source(%dma_start3A_37 : memref<10240x32xf32, #tpu.memory_space<vmem_shared>>) target(%arg8 : memref<128x32xf32, #tpu.memory_space<vmem>>) offsets(%dma_start3A_34 : memref<128xi32, #tpu.memory_space<vmem>>) semaphore(%arg12 : memref<!tpu.dma_semaphore, #tpu.memory_space<semaphore_mem>>)
    %scan3A_38 = arith.constant 0 : i32
    %scan3A_39 = arith.constant 0 : i32
    %scan3A_40 = arith.constant 80 : i32
    %scan3A_41 = arith.addi %scan3A_39, %scan3A_40 : i32
    %scan3A_42 = arith.constant 1 : i32
    scf.for %scan3A_65 = %scan3A_39 to %scan3A_41 step %scan3A_42  : i32 {
      %mul3A_66 = arith.constant 2 : i32
      %mul3A_67 = arith.muli %scan3A_65, %mul3A_66 : i32
      %add3A_68 = arith.constant 1 : i32
      %add3A_69 = arith.addi %mul3A_67, %add3A_68 : i32
      %dma_start3A_70 = arith.constant 0 : i32
      %dma_start3A_71 = tpu.memref_slice %arg6[%add3A_69, %dma_start3A_70] : memref<160x128xi32, #tpu.memory_space<vmem>> -> memref<1x128xi32, #tpu.memory_space<vmem>>
      %dma_start3A_72 = tpu.memref_squeeze %dma_start3A_71 : memref<1x128xi32, #tpu.memory_space<vmem>> -> memref<128xi32, #tpu.memory_space<vmem>>
      %dma_start3A_73 = arith.constant 0 : i32
      %dma_start3A_74 = arith.constant 0 : i32
      %dma_start3A_75 = tpu.memref_slice %arg10[%dma_start3A_73, %dma_start3A_74] : memref<10240x32xf32, #tpu.memory_space<vmem_shared>> -> memref<10240x32xf32, #tpu.memory_space<vmem_shared>>
      tpu.enqueue_indirect_dma source(%dma_start3A_75 : memref<10240x32xf32, #tpu.memory_space<vmem_shared>>) target(%arg9 : memref<128x32xf32, #tpu.memory_space<vmem>>) offsets(%dma_start3A_72 : memref<128xi32, #tpu.memory_space<vmem>>) semaphore(%arg13 : memref<!tpu.dma_semaphore, #tpu.memory_space<semaphore_mem>>)
      %dma_wait3A = arith.constant 0 : i32
      %dma_wait3A_76 = tpu.memref_slice %arg6[%mul3A_67, %dma_wait3A] : memref<160x128xi32, #tpu.memory_space<vmem>> -> memref<1x128xi32, #tpu.memory_space<vmem>>
      %dma_wait3A_77 = tpu.memref_squeeze %dma_wait3A_76 : memref<1x128xi32, #tpu.memory_space<vmem>> -> memref<128xi32, #tpu.memory_space<vmem>>
      %dma_wait3A_78 = arith.constant 0 : i32
      %dma_wait3A_79 = arith.constant 0 : i32
      %dma_wait3A_80 = tpu.memref_slice %arg10[%dma_wait3A_78, %dma_wait3A_79] : memref<10240x32xf32, #tpu.memory_space<vmem_shared>> -> memref<10240x32xf32, #tpu.memory_space<vmem_shared>>
      tpu.wait_indirect_dma semaphore(%arg12 : memref<!tpu.dma_semaphore, #tpu.memory_space<semaphore_mem>>) src(%dma_wait3A_80 : memref<10240x32xf32, #tpu.memory_space<vmem_shared>>) dst(%arg8 : memref<128x32xf32, #tpu.memory_space<vmem>>)
      "tpu.region"() ({
        %run_scoped3A = tpu.sem_alloc : memref<!tpu.dma_semaphore, #tpu.memory_space<semaphore_mem>>
        %dma_start3A_93 = arith.constant 0 : i32
        %dma_start3A_94 = tpu.memref_slice %arg7[%mul3A_67, %dma_start3A_93] : memref<160x128xi32, #tpu.memory_space<vmem>> -> memref<1x128xi32, #tpu.memory_space<vmem>>
        %dma_start3A_95 = tpu.memref_squeeze %dma_start3A_94 : memref<1x128xi32, #tpu.memory_space<vmem>> -> memref<128xi32, #tpu.memory_space<vmem>>
        %dma_start3A_96 = arith.constant 0 : i32
        %dma_start3A_97 = arith.constant 0 : i32
        %dma_start3A_98 = tpu.memref_slice %arg11[%dma_start3A_96, %dma_start3A_97] : memref<10240x32xf32, #tpu.memory_space<vmem_shared>> -> memref<10240x32xf32, #tpu.memory_space<vmem_shared>>
        tpu.enqueue_indirect_dma source(%arg8 : memref<128x32xf32, #tpu.memory_space<vmem>>) target(%dma_start3A_98 : memref<10240x32xf32, #tpu.memory_space<vmem_shared>>) offsets(%dma_start3A_95 : memref<128xi32, #tpu.memory_space<vmem>>) semaphore(%run_scoped3A : memref<!tpu.dma_semaphore, #tpu.memory_space<semaphore_mem>>) {add = true}
        %dma_wait3A_99 = arith.constant 0 : i32
        %dma_wait3A_100 = tpu.memref_slice %arg7[%mul3A_67, %dma_wait3A_99] : memref<160x128xi32, #tpu.memory_space<vmem>> -> memref<1x128xi32, #tpu.memory_space<vmem>>
        %dma_wait3A_101 = tpu.memref_squeeze %dma_wait3A_100 : memref<1x128xi32, #tpu.memory_space<vmem>> -> memref<128xi32, #tpu.memory_space<vmem>>
        %dma_wait3A_102 = arith.constant 0 : i32
        %dma_wait3A_103 = arith.constant 0 : i32
        %dma_wait3A_104 = tpu.memref_slice %arg11[%dma_wait3A_102, %dma_wait3A_103] : memref<10240x32xf32, #tpu.memory_space<vmem_shared>> -> memref<10240x32xf32, #tpu.memory_space<vmem_shared>>
        tpu.wait_indirect_dma semaphore(%run_scoped3A : memref<!tpu.dma_semaphore, #tpu.memory_space<semaphore_mem>>) src(%arg8 : memref<128x32xf32, #tpu.memory_space<vmem>>) dst(%dma_wait3A_104 : memref<10240x32xf32, #tpu.memory_space<vmem_shared>>)
        tpu.yield
      }) : () -> ()
      %add3A_81 = arith.constant 2 : i32
      %add3A_82 = arith.addi %mul3A_67, %add3A_81 : i32
      %lt3A = arith.constant 160 : i32
      %lt3A_83 = arith.cmpi slt, %add3A_82, %lt3A : i32
      %convert_element_type3A = arith.extui %lt3A_83 : i1 to i32
      %cond3A = arith.constant 0 : i32
      %cond3A_84 = arith.cmpi ne, %convert_element_type3A, %cond3A : i32
      scf.if %cond3A_84 {
        %add3A_93 = arith.constant 2 : i32
        %add3A_94 = arith.addi %mul3A_67, %add3A_93 : i32
        %dma_start3A_95 = arith.constant 0 : i32
        %dma_start3A_96 = tpu.memref_slice %arg6[%add3A_94, %dma_start3A_95] : memref<160x128xi32, #tpu.memory_space<vmem>> -> memref<1x128xi32, #tpu.memory_space<vmem>>
        %dma_start3A_97 = tpu.memref_squeeze %dma_start3A_96 : memref<1x128xi32, #tpu.memory_space<vmem>> -> memref<128xi32, #tpu.memory_space<vmem>>
        %dma_start3A_98 = arith.constant 0 : i32
        %dma_start3A_99 = arith.constant 0 : i32
        %dma_start3A_100 = tpu.memref_slice %arg10[%dma_start3A_98, %dma_start3A_99] : memref<10240x32xf32, #tpu.memory_space<vmem_shared>> -> memref<10240x32xf32, #tpu.memory_space<vmem_shared>>
        tpu.enqueue_indirect_dma source(%dma_start3A_100 : memref<10240x32xf32, #tpu.memory_space<vmem_shared>>) target(%arg8 : memref<128x32xf32, #tpu.memory_space<vmem>>) offsets(%dma_start3A_97 : memref<128xi32, #tpu.memory_space<vmem>>) semaphore(%arg12 : memref<!tpu.dma_semaphore, #tpu.memory_space<semaphore_mem>>)
      } else {
      }
      %dma_wait3A_85 = arith.constant 0 : i32
      %dma_wait3A_86 = tpu.memref_slice %arg6[%add3A_69, %dma_wait3A_85] : memref<160x128xi32, #tpu.memory_space<vmem>> -> memref<1x128xi32, #tpu.memory_space<vmem>>
      %dma_wait3A_87 = tpu.memref_squeeze %dma_wait3A_86 : memref<1x128xi32, #tpu.memory_space<vmem>> -> memref<128xi32, #tpu.memory_space<vmem>>
      %dma_wait3A_88 = arith.constant 0 : i32
      %dma_wait3A_89 = arith.constant 0 : i32
      %dma_wait3A_90 = tpu.memref_slice %arg10[%dma_wait3A_88, %dma_wait3A_89] : memref<10240x32xf32, #tpu.memory_space<vmem_shared>> -> memref<10240x32xf32, #tpu.memory_space<vmem_shared>>
      tpu.wait_indirect_dma semaphore(%arg13 : memref<!tpu.dma_semaphore, #tpu.memory_space<semaphore_mem>>) src(%dma_wait3A_90 : memref<10240x32xf32, #tpu.memory_space<vmem_shared>>) dst(%arg9 : memref<128x32xf32, #tpu.memory_space<vmem>>)
      %add3A_91 = arith.constant 1 : i32
      %add3A_92 = arith.addi %mul3A_67, %add3A_91 : i32
      "tpu.region"() ({
        %run_scoped3A = tpu.sem_alloc : memref<!tpu.dma_semaphore, #tpu.memory_space<semaphore_mem>>
        %dma_start3A_93 = arith.constant 0 : i32
        %dma_start3A_94 = tpu.memref_slice %arg7[%add3A_92, %dma_start3A_93] : memref<160x128xi32, #tpu.memory_space<vmem>> -> memref<1x128xi32, #tpu.memory_space<vmem>>
        %dma_start3A_95 = tpu.memref_squeeze %dma_start3A_94 : memref<1x128xi32, #tpu.memory_space<vmem>> -> memref<128xi32, #tpu.memory_space<vmem>>
        %dma_start3A_96 = arith.constant 0 : i32
        %dma_start3A_97 = arith.constant 0 : i32
        %dma_start3A_98 = tpu.memref_slice %arg11[%dma_start3A_96, %dma_start3A_97] : memref<10240x32xf32, #tpu.memory_space<vmem_shared>> -> memref<10240x32xf32, #tpu.memory_space<vmem_shared>>
        tpu.enqueue_indirect_dma source(%arg9 : memref<128x32xf32, #tpu.memory_space<vmem>>) target(%dma_start3A_98 : memref<10240x32xf32, #tpu.memory_space<vmem_shared>>) offsets(%dma_start3A_95 : memref<128xi32, #tpu.memory_space<vmem>>) semaphore(%run_scoped3A : memref<!tpu.dma_semaphore, #tpu.memory_space<semaphore_mem>>) {add = true}
        %dma_wait3A_99 = arith.constant 0 : i32
        %dma_wait3A_100 = tpu.memref_slice %arg7[%add3A_92, %dma_wait3A_99] : memref<160x128xi32, #tpu.memory_space<vmem>> -> memref<1x128xi32, #tpu.memory_space<vmem>>
        %dma_wait3A_101 = tpu.memref_squeeze %dma_wait3A_100 : memref<1x128xi32, #tpu.memory_space<vmem>> -> memref<128xi32, #tpu.memory_space<vmem>>
        %dma_wait3A_102 = arith.constant 0 : i32
        %dma_wait3A_103 = arith.constant 0 : i32
        %dma_wait3A_104 = tpu.memref_slice %arg11[%dma_wait3A_102, %dma_wait3A_103] : memref<10240x32xf32, #tpu.memory_space<vmem_shared>> -> memref<10240x32xf32, #tpu.memory_space<vmem_shared>>
        tpu.wait_indirect_dma semaphore(%run_scoped3A : memref<!tpu.dma_semaphore, #tpu.memory_space<semaphore_mem>>) src(%arg9 : memref<128x32xf32, #tpu.memory_space<vmem>>) dst(%dma_wait3A_104 : memref<10240x32xf32, #tpu.memory_space<vmem_shared>>)
        tpu.yield
      }) : () -> ()
    }
    %scan3A_43 = arith.constant 80 : i32
    %barrier3A_44 = arith.constant 0 : index
    tpu.barrier barrier_id(%barrier3A_44)
    %mul3A_45 = arith.constant 640 : i32
    %mul3A_46 = arith.muli %arg1, %mul3A_45 : i32
    %add3A_47 = arith.constant 0 : i32
    %add3A_48 = arith.addi %mul3A_46, %add3A_47 : i32
    "tpu.region"() ({
      %run_scoped3A = tpu.sem_alloc : memref<!tpu.dma_semaphore, #tpu.memory_space<semaphore_mem>>
      %dma_start3A_65 = arith.constant 0 : i32
      %dma_start3A_66 = tpu.memref_slice %arg5[%arg0, %add3A_48, %dma_start3A_65] : memref<2x10240x32xf32, #tpu.memory_space<hbm>> -> memref<1x128x32xf32, #tpu.memory_space<hbm>>
      %dma_start3A_67 = tpu.memref_squeeze %dma_start3A_66 : memref<1x128x32xf32, #tpu.memory_space<hbm>> -> memref<128x32xf32, #tpu.memory_space<hbm>>
      %dma_start3A_68 = arith.constant 0 : i32
      %dma_start3A_69 = tpu.memref_slice %arg11[%add3A_48, %dma_start3A_68] : memref<10240x32xf32, #tpu.memory_space<vmem_shared>> -> memref<128x32xf32, #tpu.memory_space<vmem_shared>>
      tpu.enqueue_dma source(%dma_start3A_69 : memref<128x32xf32, #tpu.memory_space<vmem_shared>>) target(%dma_start3A_67 : memref<128x32xf32, #tpu.memory_space<hbm>>) target_semaphore(%run_scoped3A : memref<!tpu.dma_semaphore, #tpu.memory_space<semaphore_mem>>)
      %dma_wait3A = arith.constant 0 : i32
      %dma_wait3A_70 = tpu.memref_slice %arg5[%arg0, %add3A_48, %dma_wait3A] : memref<2x10240x32xf32, #tpu.memory_space<hbm>> -> memref<1x128x32xf32, #tpu.memory_space<hbm>>
      %dma_wait3A_71 = tpu.memref_squeeze %dma_wait3A_70 : memref<1x128x32xf32, #tpu.memory_space<hbm>> -> memref<128x32xf32, #tpu.memory_space<hbm>>
      %dma_wait3A_72 = arith.constant 0 : i32
      %dma_wait3A_73 = tpu.memref_slice %arg11[%add3A_48, %dma_wait3A_72] : memref<10240x32xf32, #tpu.memory_space<vmem_shared>> -> memref<128x32xf32, #tpu.memory_space<vmem_shared>>
      tpu.wait_dma2 semaphore(%run_scoped3A : memref<!tpu.dma_semaphore, #tpu.memory_space<semaphore_mem>>) src(%dma_wait3A_73 : memref<128x32xf32, #tpu.memory_space<vmem_shared>>) dst(%dma_wait3A_71 : memref<128x32xf32, #tpu.memory_space<hbm>>)
      tpu.yield
    }) : () -> ()
    %mul3A_49 = arith.constant 640 : i32
    %mul3A_50 = arith.muli %arg1, %mul3A_49 : i32
    %add3A_51 = arith.constant 128 : i32
    %add3A_52 = arith.addi %mul3A_50, %add3A_51 : i32
    "tpu.region"() ({
      %run_scoped3A = tpu.sem_alloc : memref<!tpu.dma_semaphore, #tpu.memory_space<semaphore_mem>>
      %dma_start3A_65 = arith.constant 0 : i32
      %dma_start3A_66 = tpu.memref_slice %arg5[%arg0, %add3A_52, %dma_start3A_65] : memref<2x10240x32xf32, #tpu.memory_space<hbm>> -> memref<1x128x32xf32, #tpu.memory_space<hbm>>
      %dma_start3A_67 = tpu.memref_squeeze %dma_start3A_66 : memref<1x128x32xf32, #tpu.memory_space<hbm>> -> memref<128x32xf32, #tpu.memory_space<hbm>>
      %dma_start3A_68 = arith.constant 0 : i32
      %dma_start3A_69 = tpu.memref_slice %arg11[%add3A_52, %dma_start3A_68] : memref<10240x32xf32, #tpu.memory_space<vmem_shared>> -> memref<128x32xf32, #tpu.memory_space<vmem_shared>>
      tpu.enqueue_dma source(%dma_start3A_69 : memref<128x32xf32, #tpu.memory_space<vmem_shared>>) target(%dma_start3A_67 : memref<128x32xf32, #tpu.memory_space<hbm>>) target_semaphore(%run_scoped3A : memref<!tpu.dma_semaphore, #tpu.memory_space<semaphore_mem>>)
      %dma_wait3A = arith.constant 0 : i32
      %dma_wait3A_70 = tpu.memref_slice %arg5[%arg0, %add3A_52, %dma_wait3A] : memref<2x10240x32xf32, #tpu.memory_space<hbm>> -> memref<1x128x32xf32, #tpu.memory_space<hbm>>
      %dma_wait3A_71 = tpu.memref_squeeze %dma_wait3A_70 : memref<1x128x32xf32, #tpu.memory_space<hbm>> -> memref<128x32xf32, #tpu.memory_space<hbm>>
      %dma_wait3A_72 = arith.constant 0 : i32
      %dma_wait3A_73 = tpu.memref_slice %arg11[%add3A_52, %dma_wait3A_72] : memref<10240x32xf32, #tpu.memory_space<vmem_shared>> -> memref<128x32xf32, #tpu.memory_space<vmem_shared>>
      tpu.wait_dma2 semaphore(%run_scoped3A : memref<!tpu.dma_semaphore, #tpu.memory_space<semaphore_mem>>) src(%dma_wait3A_73 : memref<128x32xf32, #tpu.memory_space<vmem_shared>>) dst(%dma_wait3A_71 : memref<128x32xf32, #tpu.memory_space<hbm>>)
      tpu.yield
    }) : () -> ()
    %mul3A_53 = arith.constant 640 : i32
    %mul3A_54 = arith.muli %arg1, %mul3A_53 : i32
    %add3A_55 = arith.constant 256 : i32
    %add3A_56 = arith.addi %mul3A_54, %add3A_55 : i32
    "tpu.region"() ({
      %run_scoped3A = tpu.sem_alloc : memref<!tpu.dma_semaphore, #tpu.memory_space<semaphore_mem>>
      %dma_start3A_65 = arith.constant 0 : i32
      %dma_start3A_66 = tpu.memref_slice %arg5[%arg0, %add3A_56, %dma_start3A_65] : memref<2x10240x32xf32, #tpu.memory_space<hbm>> -> memref<1x128x32xf32, #tpu.memory_space<hbm>>
      %dma_start3A_67 = tpu.memref_squeeze %dma_start3A_66 : memref<1x128x32xf32, #tpu.memory_space<hbm>> -> memref<128x32xf32, #tpu.memory_space<hbm>>
      %dma_start3A_68 = arith.constant 0 : i32
      %dma_start3A_69 = tpu.memref_slice %arg11[%add3A_56, %dma_start3A_68] : memref<10240x32xf32, #tpu.memory_space<vmem_shared>> -> memref<128x32xf32, #tpu.memory_space<vmem_shared>>
      tpu.enqueue_dma source(%dma_start3A_69 : memref<128x32xf32, #tpu.memory_space<vmem_shared>>) target(%dma_start3A_67 : memref<128x32xf32, #tpu.memory_space<hbm>>) target_semaphore(%run_scoped3A : memref<!tpu.dma_semaphore, #tpu.memory_space<semaphore_mem>>)
      %dma_wait3A = arith.constant 0 : i32
      %dma_wait3A_70 = tpu.memref_slice %arg5[%arg0, %add3A_56, %dma_wait3A] : memref<2x10240x32xf32, #tpu.memory_space<hbm>> -> memref<1x128x32xf32, #tpu.memory_space<hbm>>
      %dma_wait3A_71 = tpu.memref_squeeze %dma_wait3A_70 : memref<1x128x32xf32, #tpu.memory_space<hbm>> -> memref<128x32xf32, #tpu.memory_space<hbm>>
      %dma_wait3A_72 = arith.constant 0 : i32
      %dma_wait3A_73 = tpu.memref_slice %arg11[%add3A_56, %dma_wait3A_72] : memref<10240x32xf32, #tpu.memory_space<vmem_shared>> -> memref<128x32xf32, #tpu.memory_space<vmem_shared>>
      tpu.wait_dma2 semaphore(%run_scoped3A : memref<!tpu.dma_semaphore, #tpu.memory_space<semaphore_mem>>) src(%dma_wait3A_73 : memref<128x32xf32, #tpu.memory_space<vmem_shared>>) dst(%dma_wait3A_71 : memref<128x32xf32, #tpu.memory_space<hbm>>)
      tpu.yield
    }) : () -> ()
    %mul3A_57 = arith.constant 640 : i32
    %mul3A_58 = arith.muli %arg1, %mul3A_57 : i32
    %add3A_59 = arith.constant 384 : i32
    %add3A_60 = arith.addi %mul3A_58, %add3A_59 : i32
    "tpu.region"() ({
      %run_scoped3A = tpu.sem_alloc : memref<!tpu.dma_semaphore, #tpu.memory_space<semaphore_mem>>
      %dma_start3A_65 = arith.constant 0 : i32
      %dma_start3A_66 = tpu.memref_slice %arg5[%arg0, %add3A_60, %dma_start3A_65] : memref<2x10240x32xf32, #tpu.memory_space<hbm>> -> memref<1x128x32xf32, #tpu.memory_space<hbm>>
      %dma_start3A_67 = tpu.memref_squeeze %dma_start3A_66 : memref<1x128x32xf32, #tpu.memory_space<hbm>> -> memref<128x32xf32, #tpu.memory_space<hbm>>
      %dma_start3A_68 = arith.constant 0 : i32
      %dma_start3A_69 = tpu.memref_slice %arg11[%add3A_60, %dma_start3A_68] : memref<10240x32xf32, #tpu.memory_space<vmem_shared>> -> memref<128x32xf32, #tpu.memory_space<vmem_shared>>
      tpu.enqueue_dma source(%dma_start3A_69 : memref<128x32xf32, #tpu.memory_space<vmem_shared>>) target(%dma_start3A_67 : memref<128x32xf32, #tpu.memory_space<hbm>>) target_semaphore(%run_scoped3A : memref<!tpu.dma_semaphore, #tpu.memory_space<semaphore_mem>>)
      %dma_wait3A = arith.constant 0 : i32
      %dma_wait3A_70 = tpu.memref_slice %arg5[%arg0, %add3A_60, %dma_wait3A] : memref<2x10240x32xf32, #tpu.memory_space<hbm>> -> memref<1x128x32xf32, #tpu.memory_space<hbm>>
      %dma_wait3A_71 = tpu.memref_squeeze %dma_wait3A_70 : memref<1x128x32xf32, #tpu.memory_space<hbm>> -> memref<128x32xf32, #tpu.memory_space<hbm>>
      %dma_wait3A_72 = arith.constant 0 : i32
      %dma_wait3A_73 = tpu.memref_slice %arg11[%add3A_60, %dma_wait3A_72] : memref<10240x32xf32, #tpu.memory_space<vmem_shared>> -> memref<128x32xf32, #tpu.memory_space<vmem_shared>>
      tpu.wait_dma2 semaphore(%run_scoped3A : memref<!tpu.dma_semaphore, #tpu.memory_space<semaphore_mem>>) src(%dma_wait3A_73 : memref<128x32xf32, #tpu.memory_space<vmem_shared>>) dst(%dma_wait3A_71 : memref<128x32xf32, #tpu.memory_space<hbm>>)
      tpu.yield
    }) : () -> ()
    %mul3A_61 = arith.constant 640 : i32
    %mul3A_62 = arith.muli %arg1, %mul3A_61 : i32
    %add3A_63 = arith.constant 512 : i32
    %add3A_64 = arith.addi %mul3A_62, %add3A_63 : i32
    "tpu.region"() ({
      %run_scoped3A = tpu.sem_alloc : memref<!tpu.dma_semaphore, #tpu.memory_space<semaphore_mem>>
      %dma_start3A_65 = arith.constant 0 : i32
      %dma_start3A_66 = tpu.memref_slice %arg5[%arg0, %add3A_64, %dma_start3A_65] : memref<2x10240x32xf32, #tpu.memory_space<hbm>> -> memref<1x128x32xf32, #tpu.memory_space<hbm>>
      %dma_start3A_67 = tpu.memref_squeeze %dma_start3A_66 : memref<1x128x32xf32, #tpu.memory_space<hbm>> -> memref<128x32xf32, #tpu.memory_space<hbm>>
      %dma_start3A_68 = arith.constant 0 : i32
      %dma_start3A_69 = tpu.memref_slice %arg11[%add3A_64, %dma_start3A_68] : memref<10240x32xf32, #tpu.memory_space<vmem_shared>> -> memref<128x32xf32, #tpu.memory_space<vmem_shared>>
      tpu.enqueue_dma source(%dma_start3A_69 : memref<128x32xf32, #tpu.memory_space<vmem_shared>>) target(%dma_start3A_67 : memref<128x32xf32, #tpu.memory_space<hbm>>) target_semaphore(%run_scoped3A : memref<!tpu.dma_semaphore, #tpu.memory_space<semaphore_mem>>)
      %dma_wait3A = arith.constant 0 : i32
      %dma_wait3A_70 = tpu.memref_slice %arg5[%arg0, %add3A_64, %dma_wait3A] : memref<2x10240x32xf32, #tpu.memory_space<hbm>> -> memref<1x128x32xf32, #tpu.memory_space<hbm>>
      %dma_wait3A_71 = tpu.memref_squeeze %dma_wait3A_70 : memref<1x128x32xf32, #tpu.memory_space<hbm>> -> memref<128x32xf32, #tpu.memory_space<hbm>>
      %dma_wait3A_72 = arith.constant 0 : i32
      %dma_wait3A_73 = tpu.memref_slice %arg11[%add3A_64, %dma_wait3A_72] : memref<10240x32xf32, #tpu.memory_space<vmem_shared>> -> memref<128x32xf32, #tpu.memory_space<vmem_shared>>
      tpu.wait_dma2 semaphore(%run_scoped3A : memref<!tpu.dma_semaphore, #tpu.memory_space<semaphore_mem>>) src(%dma_wait3A_73 : memref<128x32xf32, #tpu.memory_space<vmem_shared>>) dst(%dma_wait3A_71 : memref<128x32xf32, #tpu.memory_space<hbm>>)
      tpu.yield
    }) : () -> ()
    return
  }
}

#map = affine_map<(d0, d1) -> (0, 0, 0)>
#map1 = affine_map<(d0, d1) -> (0, 0)>
module attributes {stable_mosaic.version = 14 : i64} {
  func.func @agg(%arg0: i32, %arg1: i32, %arg2: memref<2x10240x32xf32, #tpu.memory_space<hbm>>, %arg3: memref<2560x128xi32, #tpu.memory_space<hbm>>, %arg4: memref<2560x128xi32, #tpu.memory_space<hbm>>, %arg5: memref<2x10240x32xf32, #tpu.memory_space<hbm>>, %arg6: memref<160x128xi32, #tpu.memory_space<vmem>>, %arg7: memref<160x128xi32, #tpu.memory_space<vmem>>, %arg8: memref<128x32xf32, #tpu.memory_space<vmem>>, %arg9: memref<128x32xf32, #tpu.memory_space<vmem>>, %arg10: memref<10240x32xf32, #tpu.memory_space<vmem_shared>>, %arg11: memref<10240x32xf32, #tpu.memory_space<vmem_shared>>, %arg12: memref<!tpu.dma_semaphore, #tpu.memory_space<semaphore_mem>>, %arg13: memref<!tpu.dma_semaphore, #tpu.memory_space<semaphore_mem>>) attributes {dimension_semantics = [#tpu.dimension_semantics<core_parallel>, #tpu.dimension_semantics<subcore_parallel>], iteration_bounds = array<i64: 2, 16>, scalar_prefetch = 0 : i64, scratch_operands = 8 : i64, tpu.core_type = #tpu.core_type<sc_vector_subcore>, window_params = [{transform_indices = #map}, {transform_indices = #map1}, {transform_indices = #map1}, {transform_indices = #map}]} {
    %broadcast_in_dim3A = arith.constant 0.000000e+00 : f32
    %broadcast_in_dim3A_0 = vector.broadcast %broadcast_in_dim3A : f32 to vector<16xf32>
    %scan3A = arith.constant 0 : i32
    %scan3A_1 = arith.constant 0 : i32
    %scan3A_2 = arith.constant 128 : i32
    %scan3A_3 = arith.addi %scan3A_1, %scan3A_2 : i32
    %scan3A_4 = arith.constant 1 : i32
    scf.for %scan3A_65 = %scan3A_1 to %scan3A_3 step %scan3A_4  : i32 {
      %swap3A = arith.index_cast %scan3A_65 : i32 to index
      %swap3A_66 = arith.constant 0 : index
      %swap3A_67 = tpu.vector_load %arg8[%swap3A, %swap3A_66] {strides = array<i32>} : memref<128x32xf32, #tpu.memory_space<vmem>>, vector<16xf32>,
      tpu.vector_store %arg8[%swap3A, %swap3A_66], %broadcast_in_dim3A_0 {strides = array<i32>} : memref<128x32xf32, #tpu.memory_space<vmem>>, vector<16xf32>,
      %swap3A_68 = arith.index_cast %scan3A_65 : i32 to index
      %swap3A_69 = arith.constant 16 : index
      %swap3A_70 = tpu.vector_load %arg8[%swap3A_68, %swap3A_69] {strides = array<i32>} : memref<128x32xf32, #tpu.memory_space<vmem>>, vector<16xf32>,
      tpu.vector_store %arg8[%swap3A_68, %swap3A_69], %broadcast_in_dim3A_0 {strides = array<i32>} : memref<128x32xf32, #tpu.memory_space<vmem>>, vector<16xf32>,
    }
    %scan3A_5 = arith.constant 128 : i32
    %mul3A = arith.constant 640 : i32
    %mul3A_6 = arith.muli %arg1, %mul3A : i32
    %mul3A_7 = arith.constant 640 : i32
    %mul3A_8 = arith.muli %arg1, %mul3A_7 : i32
    "tpu.region"() ({
      %run_scoped3A = tpu.sem_alloc : memref<!tpu.dma_semaphore, #tpu.memory_space<semaphore_mem>>
      %dma_start3A_65 = arith.constant 0 : i32
      %dma_start3A_66 = tpu.memref_slice %arg10[%mul3A_8, %dma_start3A_65] : memref<10240x32xf32, #tpu.memory_space<vmem_shared>> -> memref<640x32xf32, #tpu.memory_space<vmem_shared>>
      %dma_start3A_67 = arith.constant 0 : i32
      %dma_start3A_68 = tpu.memref_slice %arg2[%arg0, %mul3A_6, %dma_start3A_67] : memref<2x10240x32xf32, #tpu.memory_space<hbm>> -> memref<1x640x32xf32, #tpu.memory_space<hbm>>
      %dma_start3A_69 = tpu.memref_squeeze %dma_start3A_68 : memref<1x640x32xf32, #tpu.memory_space<hbm>> -> memref<640x32xf32, #tpu.memory_space<hbm>>
      tpu.enqueue_dma source(%dma_start3A_69 : memref<640x32xf32, #tpu.memory_space<hbm>>) target(%dma_start3A_66 : memref<640x32xf32, #tpu.memory_space<vmem_shared>>) target_semaphore(%run_scoped3A : memref<!tpu.dma_semaphore, #tpu.memory_space<semaphore_mem>>)
      %dma_wait3A = arith.constant 0 : i32
      %dma_wait3A_70 = tpu.memref_slice %arg10[%mul3A_8, %dma_wait3A] : memref<10240x32xf32, #tpu.memory_space<vmem_shared>> -> memref<640x32xf32, #tpu.memory_space<vmem_shared>>
      %dma_wait3A_71 = arith.constant 0 : i32
      %dma_wait3A_72 = tpu.memref_slice %arg2[%arg0, %mul3A_6, %dma_wait3A_71] : memref<2x10240x32xf32, #tpu.memory_space<hbm>> -> memref<1x640x32xf32, #tpu.memory_space<hbm>>
      %dma_wait3A_73 = tpu.memref_squeeze %dma_wait3A_72 : memref<1x640x32xf32, #tpu.memory_space<hbm>> -> memref<640x32xf32, #tpu.memory_space<hbm>>
      tpu.wait_dma2 semaphore(%run_scoped3A : memref<!tpu.dma_semaphore, #tpu.memory_space<semaphore_mem>>) src(%dma_wait3A_73 : memref<640x32xf32, #tpu.memory_space<hbm>>) dst(%dma_wait3A_70 : memref<640x32xf32, #tpu.memory_space<vmem_shared>>)
      tpu.yield
    }) : () -> ()
    %mul3A_9 = arith.constant 640 : i32
    %mul3A_10 = arith.muli %arg1, %mul3A_9 : i32
    %add3A = arith.constant 0 : i32
    %add3A_11 = arith.addi %mul3A_10, %add3A : i32
    "tpu.region"() ({
      %run_scoped3A = tpu.sem_alloc : memref<!tpu.dma_semaphore, #tpu.memory_space<semaphore_mem>>
      %dma_start3A_65 = arith.constant 0 : i32
      %dma_start3A_66 = tpu.memref_slice %arg11[%add3A_11, %dma_start3A_65] : memref<10240x32xf32, #tpu.memory_space<vmem_shared>> -> memref<128x32xf32, #tpu.memory_space<vmem_shared>>
      %dma_start3A_67 = arith.constant 0 : i32
      %dma_start3A_68 = tpu.memref_slice %arg11[%add3A_11, %dma_start3A_67] : memref<10240x32xf32, #tpu.memory_space<vmem_shared>> -> memref<128x32xf32, #tpu.memory_space<vmem_shared>>
      tpu.enqueue_dma source(%arg8 : memref<128x32xf32, #tpu.memory_space<vmem>>) target(%dma_start3A_68 : memref<128x32xf32, #tpu.memory_space<vmem_shared>>) target_semaphore(%run_scoped3A : memref<!tpu.dma_semaphore, #tpu.memory_space<semaphore_mem>>)
      %dma_wait3A = arith.constant 0 : i32
      %dma_wait3A_69 = tpu.memref_slice %arg11[%add3A_11, %dma_wait3A] : memref<10240x32xf32, #tpu.memory_space<vmem_shared>> -> memref<128x32xf32, #tpu.memory_space<vmem_shared>>
      %dma_wait3A_70 = arith.constant 0 : i32
      %dma_wait3A_71 = tpu.memref_slice %arg11[%add3A_11, %dma_wait3A_70] : memref<10240x32xf32, #tpu.memory_space<vmem_shared>> -> memref<128x32xf32, #tpu.memory_space<vmem_shared>>
      tpu.wait_dma2 semaphore(%run_scoped3A : memref<!tpu.dma_semaphore, #tpu.memory_space<semaphore_mem>>) src(%arg8 : memref<128x32xf32, #tpu.memory_space<vmem>>) dst(%dma_wait3A_71 : memref<128x32xf32, #tpu.memory_space<vmem_shared>>)
      tpu.yield
    }) : () -> ()
    %mul3A_12 = arith.constant 640 : i32
    %mul3A_13 = arith.muli %arg1, %mul3A_12 : i32
    %add3A_14 = arith.constant 128 : i32
    %add3A_15 = arith.addi %mul3A_13, %add3A_14 : i32
    "tpu.region"() ({
      %run_scoped3A = tpu.sem_alloc : memref<!tpu.dma_semaphore, #tpu.memory_space<semaphore_mem>>
      %dma_start3A_65 = arith.constant 0 : i32
      %dma_start3A_66 = tpu.memref_slice %arg11[%add3A_15, %dma_start3A_65] : memref<10240x32xf32, #tpu.memory_space<vmem_shared>> -> memref<128x32xf32, #tpu.memory_space<vmem_shared>>
      %dma_start3A_67 = arith.constant 0 : i32
      %dma_start3A_68 = tpu.memref_slice %arg11[%add3A_15, %dma_start3A_67] : memref<10240x32xf32, #tpu.memory_space<vmem_shared>> -> memref<128x32xf32, #tpu.memory_space<vmem_shared>>
      tpu.enqueue_dma source(%arg8 : memref<128x32xf32, #tpu.memory_space<vmem>>) target(%dma_start3A_68 : memref<128x32xf32, #tpu.memory_space<vmem_shared>>) target_semaphore(%run_scoped3A : memref<!tpu.dma_semaphore, #tpu.memory_space<semaphore_mem>>)
      %dma_wait3A = arith.constant 0 : i32
      %dma_wait3A_69 = tpu.memref_slice %arg11[%add3A_15, %dma_wait3A] : memref<10240x32xf32, #tpu.memory_space<vmem_shared>> -> memref<128x32xf32, #tpu.memory_space<vmem_shared>>
      %dma_wait3A_70 = arith.constant 0 : i32
      %dma_wait3A_71 = tpu.memref_slice %arg11[%add3A_15, %dma_wait3A_70] : memref<10240x32xf32, #tpu.memory_space<vmem_shared>> -> memref<128x32xf32, #tpu.memory_space<vmem_shared>>
      tpu.wait_dma2 semaphore(%run_scoped3A : memref<!tpu.dma_semaphore, #tpu.memory_space<semaphore_mem>>) src(%arg8 : memref<128x32xf32, #tpu.memory_space<vmem>>) dst(%dma_wait3A_71 : memref<128x32xf32, #tpu.memory_space<vmem_shared>>)
      tpu.yield
    }) : () -> ()
    %mul3A_16 = arith.constant 640 : i32
    %mul3A_17 = arith.muli %arg1, %mul3A_16 : i32
    %add3A_18 = arith.constant 256 : i32
    %add3A_19 = arith.addi %mul3A_17, %add3A_18 : i32
    "tpu.region"() ({
      %run_scoped3A = tpu.sem_alloc : memref<!tpu.dma_semaphore, #tpu.memory_space<semaphore_mem>>
      %dma_start3A_65 = arith.constant 0 : i32
      %dma_start3A_66 = tpu.memref_slice %arg11[%add3A_19, %dma_start3A_65] : memref<10240x32xf32, #tpu.memory_space<vmem_shared>> -> memref<128x32xf32, #tpu.memory_space<vmem_shared>>
      %dma_start3A_67 = arith.constant 0 : i32
      %dma_start3A_68 = tpu.memref_slice %arg11[%add3A_19, %dma_start3A_67] : memref<10240x32xf32, #tpu.memory_space<vmem_shared>> -> memref<128x32xf32, #tpu.memory_space<vmem_shared>>
      tpu.enqueue_dma source(%arg8 : memref<128x32xf32, #tpu.memory_space<vmem>>) target(%dma_start3A_68 : memref<128x32xf32, #tpu.memory_space<vmem_shared>>) target_semaphore(%run_scoped3A : memref<!tpu.dma_semaphore, #tpu.memory_space<semaphore_mem>>)
      %dma_wait3A = arith.constant 0 : i32
      %dma_wait3A_69 = tpu.memref_slice %arg11[%add3A_19, %dma_wait3A] : memref<10240x32xf32, #tpu.memory_space<vmem_shared>> -> memref<128x32xf32, #tpu.memory_space<vmem_shared>>
      %dma_wait3A_70 = arith.constant 0 : i32
      %dma_wait3A_71 = tpu.memref_slice %arg11[%add3A_19, %dma_wait3A_70] : memref<10240x32xf32, #tpu.memory_space<vmem_shared>> -> memref<128x32xf32, #tpu.memory_space<vmem_shared>>
      tpu.wait_dma2 semaphore(%run_scoped3A : memref<!tpu.dma_semaphore, #tpu.memory_space<semaphore_mem>>) src(%arg8 : memref<128x32xf32, #tpu.memory_space<vmem>>) dst(%dma_wait3A_71 : memref<128x32xf32, #tpu.memory_space<vmem_shared>>)
      tpu.yield
    }) : () -> ()
    %mul3A_20 = arith.constant 640 : i32
    %mul3A_21 = arith.muli %arg1, %mul3A_20 : i32
    %add3A_22 = arith.constant 384 : i32
    %add3A_23 = arith.addi %mul3A_21, %add3A_22 : i32
    "tpu.region"() ({
      %run_scoped3A = tpu.sem_alloc : memref<!tpu.dma_semaphore, #tpu.memory_space<semaphore_mem>>
      %dma_start3A_65 = arith.constant 0 : i32
      %dma_start3A_66 = tpu.memref_slice %arg11[%add3A_23, %dma_start3A_65] : memref<10240x32xf32, #tpu.memory_space<vmem_shared>> -> memref<128x32xf32, #tpu.memory_space<vmem_shared>>
      %dma_start3A_67 = arith.constant 0 : i32
      %dma_start3A_68 = tpu.memref_slice %arg11[%add3A_23, %dma_start3A_67] : memref<10240x32xf32, #tpu.memory_space<vmem_shared>> -> memref<128x32xf32, #tpu.memory_space<vmem_shared>>
      tpu.enqueue_dma source(%arg8 : memref<128x32xf32, #tpu.memory_space<vmem>>) target(%dma_start3A_68 : memref<128x32xf32, #tpu.memory_space<vmem_shared>>) target_semaphore(%run_scoped3A : memref<!tpu.dma_semaphore, #tpu.memory_space<semaphore_mem>>)
      %dma_wait3A = arith.constant 0 : i32
      %dma_wait3A_69 = tpu.memref_slice %arg11[%add3A_23, %dma_wait3A] : memref<10240x32xf32, #tpu.memory_space<vmem_shared>> -> memref<128x32xf32, #tpu.memory_space<vmem_shared>>
      %dma_wait3A_70 = arith.constant 0 : i32
      %dma_wait3A_71 = tpu.memref_slice %arg11[%add3A_23, %dma_wait3A_70] : memref<10240x32xf32, #tpu.memory_space<vmem_shared>> -> memref<128x32xf32, #tpu.memory_space<vmem_shared>>
      tpu.wait_dma2 semaphore(%run_scoped3A : memref<!tpu.dma_semaphore, #tpu.memory_space<semaphore_mem>>) src(%arg8 : memref<128x32xf32, #tpu.memory_space<vmem>>) dst(%dma_wait3A_71 : memref<128x32xf32, #tpu.memory_space<vmem_shared>>)
      tpu.yield
    }) : () -> ()
    %mul3A_24 = arith.constant 640 : i32
    %mul3A_25 = arith.muli %arg1, %mul3A_24 : i32
    %add3A_26 = arith.constant 512 : i32
    %add3A_27 = arith.addi %mul3A_25, %add3A_26 : i32
    "tpu.region"() ({
      %run_scoped3A = tpu.sem_alloc : memref<!tpu.dma_semaphore, #tpu.memory_space<semaphore_mem>>
      %dma_start3A_65 = arith.constant 0 : i32
      %dma_start3A_66 = tpu.memref_slice %arg11[%add3A_27, %dma_start3A_65] : memref<10240x32xf32, #tpu.memory_space<vmem_shared>> -> memref<128x32xf32, #tpu.memory_space<vmem_shared>>
      %dma_start3A_67 = arith.constant 0 : i32
      %dma_start3A_68 = tpu.memref_slice %arg11[%add3A_27, %dma_start3A_67] : memref<10240x32xf32, #tpu.memory_space<vmem_shared>> -> memref<128x32xf32, #tpu.memory_space<vmem_shared>>
      tpu.enqueue_dma source(%arg8 : memref<128x32xf32, #tpu.memory_space<vmem>>) target(%dma_start3A_68 : memref<128x32xf32, #tpu.memory_space<vmem_shared>>) target_semaphore(%run_scoped3A : memref<!tpu.dma_semaphore, #tpu.memory_space<semaphore_mem>>)
      %dma_wait3A = arith.constant 0 : i32
      %dma_wait3A_69 = tpu.memref_slice %arg11[%add3A_27, %dma_wait3A] : memref<10240x32xf32, #tpu.memory_space<vmem_shared>> -> memref<128x32xf32, #tpu.memory_space<vmem_shared>>
      %dma_wait3A_70 = arith.constant 0 : i32
      %dma_wait3A_71 = tpu.memref_slice %arg11[%add3A_27, %dma_wait3A_70] : memref<10240x32xf32, #tpu.memory_space<vmem_shared>> -> memref<128x32xf32, #tpu.memory_space<vmem_shared>>
      tpu.wait_dma2 semaphore(%run_scoped3A : memref<!tpu.dma_semaphore, #tpu.memory_space<semaphore_mem>>) src(%arg8 : memref<128x32xf32, #tpu.memory_space<vmem>>) dst(%dma_wait3A_71 : memref<128x32xf32, #tpu.memory_space<vmem_shared>>)
      tpu.yield
    }) : () -> ()
    %barrier3A = arith.constant 0 : index
    tpu.barrier barrier_id(%barrier3A)
    %mul3A_28 = arith.constant 160 : i32
    %mul3A_29 = arith.muli %arg1, %mul3A_28 : i32
    "tpu.region"() ({
      %run_scoped3A = tpu.sem_alloc : memref<!tpu.dma_semaphore, #tpu.memory_space<semaphore_mem>>
      %dma_start3A_65 = arith.constant 0 : i32
      %dma_start3A_66 = tpu.memref_slice %arg3[%mul3A_29, %dma_start3A_65] : memref<2560x128xi32, #tpu.memory_space<hbm>> -> memref<160x128xi32, #tpu.memory_space<hbm>>
      %dma_start3A_67 = arith.constant 0 : i32
      %dma_start3A_68 = tpu.memref_slice %arg3[%mul3A_29, %dma_start3A_67] : memref<2560x128xi32, #tpu.memory_space<hbm>> -> memref<160x128xi32, #tpu.memory_space<hbm>>
      tpu.enqueue_dma source(%dma_start3A_68 : memref<160x128xi32, #tpu.memory_space<hbm>>) target(%arg6 : memref<160x128xi32, #tpu.memory_space<vmem>>) target_semaphore(%run_scoped3A : memref<!tpu.dma_semaphore, #tpu.memory_space<semaphore_mem>>)
      %dma_wait3A = arith.constant 0 : i32
      %dma_wait3A_69 = tpu.memref_slice %arg3[%mul3A_29, %dma_wait3A] : memref<2560x128xi32, #tpu.memory_space<hbm>> -> memref<160x128xi32, #tpu.memory_space<hbm>>
      %dma_wait3A_70 = arith.constant 0 : i32
      %dma_wait3A_71 = tpu.memref_slice %arg3[%mul3A_29, %dma_wait3A_70] : memref<2560x128xi32, #tpu.memory_space<hbm>> -> memref<160x128xi32, #tpu.memory_space<hbm>>
      tpu.wait_dma2 semaphore(%run_scoped3A : memref<!tpu.dma_semaphore, #tpu.memory_space<semaphore_mem>>) src(%dma_wait3A_71 : memref<160x128xi32, #tpu.memory_space<hbm>>) dst(%arg6 : memref<160x128xi32, #tpu.memory_space<vmem>>)
      tpu.yield
    }) : () -> ()
    %mul3A_30 = arith.constant 160 : i32
    %mul3A_31 = arith.muli %arg1, %mul3A_30 : i32
    "tpu.region"() ({
      %run_scoped3A = tpu.sem_alloc : memref<!tpu.dma_semaphore, #tpu.memory_space<semaphore_mem>>
      %dma_start3A_65 = arith.constant 0 : i32
      %dma_start3A_66 = tpu.memref_slice %arg4[%mul3A_31, %dma_start3A_65] : memref<2560x128xi32, #tpu.memory_space<hbm>> -> memref<160x128xi32, #tpu.memory_space<hbm>>
      %dma_start3A_67 = arith.constant 0 : i32
      %dma_start3A_68 = tpu.memref_slice %arg4[%mul3A_31, %dma_start3A_67] : memref<2560x128xi32, #tpu.memory_space<hbm>> -> memref<160x128xi32, #tpu.memory_space<hbm>>
      tpu.enqueue_dma source(%dma_start3A_68 : memref<160x128xi32, #tpu.memory_space<hbm>>) target(%arg7 : memref<160x128xi32, #tpu.memory_space<vmem>>) target_semaphore(%run_scoped3A : memref<!tpu.dma_semaphore, #tpu.memory_space<semaphore_mem>>)
      %dma_wait3A = arith.constant 0 : i32
      %dma_wait3A_69 = tpu.memref_slice %arg4[%mul3A_31, %dma_wait3A] : memref<2560x128xi32, #tpu.memory_space<hbm>> -> memref<160x128xi32, #tpu.memory_space<hbm>>
      %dma_wait3A_70 = arith.constant 0 : i32
      %dma_wait3A_71 = tpu.memref_slice %arg4[%mul3A_31, %dma_wait3A_70] : memref<2560x128xi32, #tpu.memory_space<hbm>> -> memref<160x128xi32, #tpu.memory_space<hbm>>
      tpu.wait_dma2 semaphore(%run_scoped3A : memref<!tpu.dma_semaphore, #tpu.memory_space<semaphore_mem>>) src(%dma_wait3A_71 : memref<160x128xi32, #tpu.memory_space<hbm>>) dst(%arg7 : memref<160x128xi32, #tpu.memory_space<vmem>>)
      tpu.yield
    }) : () -> ()
    %dma_start3A = arith.constant 0 : i32
    %dma_start3A_32 = arith.constant 0 : i32
    %dma_start3A_33 = tpu.memref_slice %arg6[%dma_start3A, %dma_start3A_32] : memref<160x128xi32, #tpu.memory_space<vmem>> -> memref<1x128xi32, #tpu.memory_space<vmem>>
    %dma_start3A_34 = tpu.memref_squeeze %dma_start3A_33 : memref<1x128xi32, #tpu.memory_space<vmem>> -> memref<128xi32, #tpu.memory_space<vmem>>
    %dma_start3A_35 = arith.constant 0 : i32
    %dma_start3A_36 = arith.constant 0 : i32
    %dma_start3A_37 = tpu.memref_slice %arg10[%dma_start3A_35, %dma_start3A_36] : memref<10240x32xf32, #tpu.memory_space<vmem_shared>> -> memref<10240x32xf32, #tpu.memory_space<vmem_shared>>
    tpu.enqueue_indirect_dma source(%dma_start3A_37 : memref<10240x32xf32, #tpu.memory_space<vmem_shared>>) target(%arg8 : memref<128x32xf32, #tpu.memory_space<vmem>>) offsets(%dma_start3A_34 : memref<128xi32, #tpu.memory_space<vmem>>) semaphore(%arg12 : memref<!tpu.dma_semaphore, #tpu.memory_space<semaphore_mem>>)
    %scan3A_38 = arith.constant 0 : i32
    %scan3A_39 = arith.constant 0 : i32
    %scan3A_40 = arith.constant 80 : i32
    %scan3A_41 = arith.addi %scan3A_39, %scan3A_40 : i32
    %scan3A_42 = arith.constant 1 : i32
    scf.for %scan3A_65 = %scan3A_39 to %scan3A_41 step %scan3A_42  : i32 {
      %mul3A_66 = arith.constant 2 : i32
      %mul3A_67 = arith.muli %scan3A_65, %mul3A_66 : i32
      %add3A_68 = arith.constant 1 : i32
      %add3A_69 = arith.addi %mul3A_67, %add3A_68 : i32
      %dma_start3A_70 = arith.constant 0 : i32
      %dma_start3A_71 = tpu.memref_slice %arg6[%add3A_69, %dma_start3A_70] : memref<160x128xi32, #tpu.memory_space<vmem>> -> memref<1x128xi32, #tpu.memory_space<vmem>>
      %dma_start3A_72 = tpu.memref_squeeze %dma_start3A_71 : memref<1x128xi32, #tpu.memory_space<vmem>> -> memref<128xi32, #tpu.memory_space<vmem>>
      %dma_start3A_73 = arith.constant 0 : i32
      %dma_start3A_74 = arith.constant 0 : i32
      %dma_start3A_75 = tpu.memref_slice %arg10[%dma_start3A_73, %dma_start3A_74] : memref<10240x32xf32, #tpu.memory_space<vmem_shared>> -> memref<10240x32xf32, #tpu.memory_space<vmem_shared>>
      tpu.enqueue_indirect_dma source(%dma_start3A_75 : memref<10240x32xf32, #tpu.memory_space<vmem_shared>>) target(%arg9 : memref<128x32xf32, #tpu.memory_space<vmem>>) offsets(%dma_start3A_72 : memref<128xi32, #tpu.memory_space<vmem>>) semaphore(%arg13 : memref<!tpu.dma_semaphore, #tpu.memory_space<semaphore_mem>>)
      %dma_wait3A = arith.constant 0 : i32
      %dma_wait3A_76 = tpu.memref_slice %arg6[%mul3A_67, %dma_wait3A] : memref<160x128xi32, #tpu.memory_space<vmem>> -> memref<1x128xi32, #tpu.memory_space<vmem>>
      %dma_wait3A_77 = tpu.memref_squeeze %dma_wait3A_76 : memref<1x128xi32, #tpu.memory_space<vmem>> -> memref<128xi32, #tpu.memory_space<vmem>>
      %dma_wait3A_78 = arith.constant 0 : i32
      %dma_wait3A_79 = arith.constant 0 : i32
      %dma_wait3A_80 = tpu.memref_slice %arg10[%dma_wait3A_78, %dma_wait3A_79] : memref<10240x32xf32, #tpu.memory_space<vmem_shared>> -> memref<10240x32xf32, #tpu.memory_space<vmem_shared>>
      tpu.wait_indirect_dma semaphore(%arg12 : memref<!tpu.dma_semaphore, #tpu.memory_space<semaphore_mem>>) src(%dma_wait3A_80 : memref<10240x32xf32, #tpu.memory_space<vmem_shared>>) dst(%arg8 : memref<128x32xf32, #tpu.memory_space<vmem>>)
      "tpu.region"() ({
        %run_scoped3A = tpu.sem_alloc : memref<!tpu.dma_semaphore, #tpu.memory_space<semaphore_mem>>
        %dma_start3A_93 = arith.constant 0 : i32
        %dma_start3A_94 = tpu.memref_slice %arg7[%mul3A_67, %dma_start3A_93] : memref<160x128xi32, #tpu.memory_space<vmem>> -> memref<1x128xi32, #tpu.memory_space<vmem>>
        %dma_start3A_95 = tpu.memref_squeeze %dma_start3A_94 : memref<1x128xi32, #tpu.memory_space<vmem>> -> memref<128xi32, #tpu.memory_space<vmem>>
        %dma_start3A_96 = arith.constant 0 : i32
        %dma_start3A_97 = arith.constant 0 : i32
        %dma_start3A_98 = tpu.memref_slice %arg11[%dma_start3A_96, %dma_start3A_97] : memref<10240x32xf32, #tpu.memory_space<vmem_shared>> -> memref<10240x32xf32, #tpu.memory_space<vmem_shared>>
        tpu.enqueue_indirect_dma source(%arg8 : memref<128x32xf32, #tpu.memory_space<vmem>>) target(%dma_start3A_98 : memref<10240x32xf32, #tpu.memory_space<vmem_shared>>) offsets(%dma_start3A_95 : memref<128xi32, #tpu.memory_space<vmem>>) semaphore(%run_scoped3A : memref<!tpu.dma_semaphore, #tpu.memory_space<semaphore_mem>>) {add = true}
        %dma_wait3A_99 = arith.constant 0 : i32
        %dma_wait3A_100 = tpu.memref_slice %arg7[%mul3A_67, %dma_wait3A_99] : memref<160x128xi32, #tpu.memory_space<vmem>> -> memref<1x128xi32, #tpu.memory_space<vmem>>
        %dma_wait3A_101 = tpu.memref_squeeze %dma_wait3A_100 : memref<1x128xi32, #tpu.memory_space<vmem>> -> memref<128xi32, #tpu.memory_space<vmem>>
        %dma_wait3A_102 = arith.constant 0 : i32
        %dma_wait3A_103 = arith.constant 0 : i32
        %dma_wait3A_104 = tpu.memref_slice %arg11[%dma_wait3A_102, %dma_wait3A_103] : memref<10240x32xf32, #tpu.memory_space<vmem_shared>> -> memref<10240x32xf32, #tpu.memory_space<vmem_shared>>
        tpu.wait_indirect_dma semaphore(%run_scoped3A : memref<!tpu.dma_semaphore, #tpu.memory_space<semaphore_mem>>) src(%arg8 : memref<128x32xf32, #tpu.memory_space<vmem>>) dst(%dma_wait3A_104 : memref<10240x32xf32, #tpu.memory_space<vmem_shared>>)
        tpu.yield
      }) : () -> ()
      %add3A_81 = arith.constant 2 : i32
      %add3A_82 = arith.addi %mul3A_67, %add3A_81 : i32
      %lt3A = arith.constant 160 : i32
      %lt3A_83 = arith.cmpi slt, %add3A_82, %lt3A : i32
      %convert_element_type3A = arith.extui %lt3A_83 : i1 to i32
      %cond3A = arith.constant 0 : i32
      %cond3A_84 = arith.cmpi ne, %convert_element_type3A, %cond3A : i32
      scf.if %cond3A_84 {
        %add3A_93 = arith.constant 2 : i32
        %add3A_94 = arith.addi %mul3A_67, %add3A_93 : i32
        %dma_start3A_95 = arith.constant 0 : i32
        %dma_start3A_96 = tpu.memref_slice %arg6[%add3A_94, %dma_start3A_95] : memref<160x128xi32, #tpu.memory_space<vmem>> -> memref<1x128xi32, #tpu.memory_space<vmem>>
        %dma_start3A_97 = tpu.memref_squeeze %dma_start3A_96 : memref<1x128xi32, #tpu.memory_space<vmem>> -> memref<128xi32, #tpu.memory_space<vmem>>
        %dma_start3A_98 = arith.constant 0 : i32
        %dma_start3A_99 = arith.constant 0 : i32
        %dma_start3A_100 = tpu.memref_slice %arg10[%dma_start3A_98, %dma_start3A_99] : memref<10240x32xf32, #tpu.memory_space<vmem_shared>> -> memref<10240x32xf32, #tpu.memory_space<vmem_shared>>
        tpu.enqueue_indirect_dma source(%dma_start3A_100 : memref<10240x32xf32, #tpu.memory_space<vmem_shared>>) target(%arg8 : memref<128x32xf32, #tpu.memory_space<vmem>>) offsets(%dma_start3A_97 : memref<128xi32, #tpu.memory_space<vmem>>) semaphore(%arg12 : memref<!tpu.dma_semaphore, #tpu.memory_space<semaphore_mem>>)
      } else {
      }
      %dma_wait3A_85 = arith.constant 0 : i32
      %dma_wait3A_86 = tpu.memref_slice %arg6[%add3A_69, %dma_wait3A_85] : memref<160x128xi32, #tpu.memory_space<vmem>> -> memref<1x128xi32, #tpu.memory_space<vmem>>
      %dma_wait3A_87 = tpu.memref_squeeze %dma_wait3A_86 : memref<1x128xi32, #tpu.memory_space<vmem>> -> memref<128xi32, #tpu.memory_space<vmem>>
      %dma_wait3A_88 = arith.constant 0 : i32
      %dma_wait3A_89 = arith.constant 0 : i32
      %dma_wait3A_90 = tpu.memref_slice %arg10[%dma_wait3A_88, %dma_wait3A_89] : memref<10240x32xf32, #tpu.memory_space<vmem_shared>> -> memref<10240x32xf32, #tpu.memory_space<vmem_shared>>
      tpu.wait_indirect_dma semaphore(%arg13 : memref<!tpu.dma_semaphore, #tpu.memory_space<semaphore_mem>>) src(%dma_wait3A_90 : memref<10240x32xf32, #tpu.memory_space<vmem_shared>>) dst(%arg9 : memref<128x32xf32, #tpu.memory_space<vmem>>)
      %add3A_91 = arith.constant 1 : i32
      %add3A_92 = arith.addi %mul3A_67, %add3A_91 : i32
      "tpu.region"() ({
        %run_scoped3A = tpu.sem_alloc : memref<!tpu.dma_semaphore, #tpu.memory_space<semaphore_mem>>
        %dma_start3A_93 = arith.constant 0 : i32
        %dma_start3A_94 = tpu.memref_slice %arg7[%add3A_92, %dma_start3A_93] : memref<160x128xi32, #tpu.memory_space<vmem>> -> memref<1x128xi32, #tpu.memory_space<vmem>>
        %dma_start3A_95 = tpu.memref_squeeze %dma_start3A_94 : memref<1x128xi32, #tpu.memory_space<vmem>> -> memref<128xi32, #tpu.memory_space<vmem>>
        %dma_start3A_96 = arith.constant 0 : i32
        %dma_start3A_97 = arith.constant 0 : i32
        %dma_start3A_98 = tpu.memref_slice %arg11[%dma_start3A_96, %dma_start3A_97] : memref<10240x32xf32, #tpu.memory_space<vmem_shared>> -> memref<10240x32xf32, #tpu.memory_space<vmem_shared>>
        tpu.enqueue_indirect_dma source(%arg9 : memref<128x32xf32, #tpu.memory_space<vmem>>) target(%dma_start3A_98 : memref<10240x32xf32, #tpu.memory_space<vmem_shared>>) offsets(%dma_start3A_95 : memref<128xi32, #tpu.memory_space<vmem>>) semaphore(%run_scoped3A : memref<!tpu.dma_semaphore, #tpu.memory_space<semaphore_mem>>) {add = true}
        %dma_wait3A_99 = arith.constant 0 : i32
        %dma_wait3A_100 = tpu.memref_slice %arg7[%add3A_92, %dma_wait3A_99] : memref<160x128xi32, #tpu.memory_space<vmem>> -> memref<1x128xi32, #tpu.memory_space<vmem>>
        %dma_wait3A_101 = tpu.memref_squeeze %dma_wait3A_100 : memref<1x128xi32, #tpu.memory_space<vmem>> -> memref<128xi32, #tpu.memory_space<vmem>>
        %dma_wait3A_102 = arith.constant 0 : i32
        %dma_wait3A_103 = arith.constant 0 : i32
        %dma_wait3A_104 = tpu.memref_slice %arg11[%dma_wait3A_102, %dma_wait3A_103] : memref<10240x32xf32, #tpu.memory_space<vmem_shared>> -> memref<10240x32xf32, #tpu.memory_space<vmem_shared>>
        tpu.wait_indirect_dma semaphore(%run_scoped3A : memref<!tpu.dma_semaphore, #tpu.memory_space<semaphore_mem>>) src(%arg9 : memref<128x32xf32, #tpu.memory_space<vmem>>) dst(%dma_wait3A_104 : memref<10240x32xf32, #tpu.memory_space<vmem_shared>>)
        tpu.yield
      }) : () -> ()
    }
    %scan3A_43 = arith.constant 80 : i32
    %barrier3A_44 = arith.constant 0 : index
    tpu.barrier barrier_id(%barrier3A_44)
    %mul3A_45 = arith.constant 640 : i32
    %mul3A_46 = arith.muli %arg1, %mul3A_45 : i32
    %add3A_47 = arith.constant 0 : i32
    %add3A_48 = arith.addi %mul3A_46, %add3A_47 : i32
    "tpu.region"() ({
      %run_scoped3A = tpu.sem_alloc : memref<!tpu.dma_semaphore, #tpu.memory_space<semaphore_mem>>
      %dma_start3A_65 = arith.constant 0 : i32
      %dma_start3A_66 = tpu.memref_slice %arg5[%arg0, %add3A_48, %dma_start3A_65] : memref<2x10240x32xf32, #tpu.memory_space<hbm>> -> memref<1x128x32xf32, #tpu.memory_space<hbm>>
      %dma_start3A_67 = tpu.memref_squeeze %dma_start3A_66 : memref<1x128x32xf32, #tpu.memory_space<hbm>> -> memref<128x32xf32, #tpu.memory_space<hbm>>
      %dma_start3A_68 = arith.constant 0 : i32
      %dma_start3A_69 = tpu.memref_slice %arg11[%add3A_48, %dma_start3A_68] : memref<10240x32xf32, #tpu.memory_space<vmem_shared>> -> memref<128x32xf32, #tpu.memory_space<vmem_shared>>
      tpu.enqueue_dma source(%dma_start3A_69 : memref<128x32xf32, #tpu.memory_space<vmem_shared>>) target(%dma_start3A_67 : memref<128x32xf32, #tpu.memory_space<hbm>>) target_semaphore(%run_scoped3A : memref<!tpu.dma_semaphore, #tpu.memory_space<semaphore_mem>>)
      %dma_wait3A = arith.constant 0 : i32
      %dma_wait3A_70 = tpu.memref_slice %arg5[%arg0, %add3A_48, %dma_wait3A] : memref<2x10240x32xf32, #tpu.memory_space<hbm>> -> memref<1x128x32xf32, #tpu.memory_space<hbm>>
      %dma_wait3A_71 = tpu.memref_squeeze %dma_wait3A_70 : memref<1x128x32xf32, #tpu.memory_space<hbm>> -> memref<128x32xf32, #tpu.memory_space<hbm>>
      %dma_wait3A_72 = arith.constant 0 : i32
      %dma_wait3A_73 = tpu.memref_slice %arg11[%add3A_48, %dma_wait3A_72] : memref<10240x32xf32, #tpu.memory_space<vmem_shared>> -> memref<128x32xf32, #tpu.memory_space<vmem_shared>>
      tpu.wait_dma2 semaphore(%run_scoped3A : memref<!tpu.dma_semaphore, #tpu.memory_space<semaphore_mem>>) src(%dma_wait3A_73 : memref<128x32xf32, #tpu.memory_space<vmem_shared>>) dst(%dma_wait3A_71 : memref<128x32xf32, #tpu.memory_space<hbm>>)
      tpu.yield
    }) : () -> ()
    %mul3A_49 = arith.constant 640 : i32
    %mul3A_50 = arith.muli %arg1, %mul3A_49 : i32
    %add3A_51 = arith.constant 128 : i32
    %add3A_52 = arith.addi %mul3A_50, %add3A_51 : i32
    "tpu.region"() ({
      %run_scoped3A = tpu.sem_alloc : memref<!tpu.dma_semaphore, #tpu.memory_space<semaphore_mem>>
      %dma_start3A_65 = arith.constant 0 : i32
      %dma_start3A_66 = tpu.memref_slice %arg5[%arg0, %add3A_52, %dma_start3A_65] : memref<2x10240x32xf32, #tpu.memory_space<hbm>> -> memref<1x128x32xf32, #tpu.memory_space<hbm>>
      %dma_start3A_67 = tpu.memref_squeeze %dma_start3A_66 : memref<1x128x32xf32, #tpu.memory_space<hbm>> -> memref<128x32xf32, #tpu.memory_space<hbm>>
      %dma_start3A_68 = arith.constant 0 : i32
      %dma_start3A_69 = tpu.memref_slice %arg11[%add3A_52, %dma_start3A_68] : memref<10240x32xf32, #tpu.memory_space<vmem_shared>> -> memref<128x32xf32, #tpu.memory_space<vmem_shared>>
      tpu.enqueue_dma source(%dma_start3A_69 : memref<128x32xf32, #tpu.memory_space<vmem_shared>>) target(%dma_start3A_67 : memref<128x32xf32, #tpu.memory_space<hbm>>) target_semaphore(%run_scoped3A : memref<!tpu.dma_semaphore, #tpu.memory_space<semaphore_mem>>)
      %dma_wait3A = arith.constant 0 : i32
      %dma_wait3A_70 = tpu.memref_slice %arg5[%arg0, %add3A_52, %dma_wait3A] : memref<2x10240x32xf32, #tpu.memory_space<hbm>> -> memref<1x128x32xf32, #tpu.memory_space<hbm>>
      %dma_wait3A_71 = tpu.memref_squeeze %dma_wait3A_70 : memref<1x128x32xf32, #tpu.memory_space<hbm>> -> memref<128x32xf32, #tpu.memory_space<hbm>>
      %dma_wait3A_72 = arith.constant 0 : i32
      %dma_wait3A_73 = tpu.memref_slice %arg11[%add3A_52, %dma_wait3A_72] : memref<10240x32xf32, #tpu.memory_space<vmem_shared>> -> memref<128x32xf32, #tpu.memory_space<vmem_shared>>
      tpu.wait_dma2 semaphore(%run_scoped3A : memref<!tpu.dma_semaphore, #tpu.memory_space<semaphore_mem>>) src(%dma_wait3A_73 : memref<128x32xf32, #tpu.memory_space<vmem_shared>>) dst(%dma_wait3A_71 : memref<128x32xf32, #tpu.memory_space<hbm>>)
      tpu.yield
    }) : () -> ()
    %mul3A_53 = arith.constant 640 : i32
    %mul3A_54 = arith.muli %arg1, %mul3A_53 : i32
    %add3A_55 = arith.constant 256 : i32
    %add3A_56 = arith.addi %mul3A_54, %add3A_55 : i32
    "tpu.region"() ({
      %run_scoped3A = tpu.sem_alloc : memref<!tpu.dma_semaphore, #tpu.memory_space<semaphore_mem>>
      %dma_start3A_65 = arith.constant 0 : i32
      %dma_start3A_66 = tpu.memref_slice %arg5[%arg0, %add3A_56, %dma_start3A_65] : memref<2x10240x32xf32, #tpu.memory_space<hbm>> -> memref<1x128x32xf32, #tpu.memory_space<hbm>>
      %dma_start3A_67 = tpu.memref_squeeze %dma_start3A_66 : memref<1x128x32xf32, #tpu.memory_space<hbm>> -> memref<128x32xf32, #tpu.memory_space<hbm>>
      %dma_start3A_68 = arith.constant 0 : i32
      %dma_start3A_69 = tpu.memref_slice %arg11[%add3A_56, %dma_start3A_68] : memref<10240x32xf32, #tpu.memory_space<vmem_shared>> -> memref<128x32xf32, #tpu.memory_space<vmem_shared>>
      tpu.enqueue_dma source(%dma_start3A_69 : memref<128x32xf32, #tpu.memory_space<vmem_shared>>) target(%dma_start3A_67 : memref<128x32xf32, #tpu.memory_space<hbm>>) target_semaphore(%run_scoped3A : memref<!tpu.dma_semaphore, #tpu.memory_space<semaphore_mem>>)
      %dma_wait3A = arith.constant 0 : i32
      %dma_wait3A_70 = tpu.memref_slice %arg5[%arg0, %add3A_56, %dma_wait3A] : memref<2x10240x32xf32, #tpu.memory_space<hbm>> -> memref<1x128x32xf32, #tpu.memory_space<hbm>>
      %dma_wait3A_71 = tpu.memref_squeeze %dma_wait3A_70 : memref<1x128x32xf32, #tpu.memory_space<hbm>> -> memref<128x32xf32, #tpu.memory_space<hbm>>
      %dma_wait3A_72 = arith.constant 0 : i32
      %dma_wait3A_73 = tpu.memref_slice %arg11[%add3A_56, %dma_wait3A_72] : memref<10240x32xf32, #tpu.memory_space<vmem_shared>> -> memref<128x32xf32, #tpu.memory_space<vmem_shared>>
      tpu.wait_dma2 semaphore(%run_scoped3A : memref<!tpu.dma_semaphore, #tpu.memory_space<semaphore_mem>>) src(%dma_wait3A_73 : memref<128x32xf32, #tpu.memory_space<vmem_shared>>) dst(%dma_wait3A_71 : memref<128x32xf32, #tpu.memory_space<hbm>>)
      tpu.yield
    }) : () -> ()
    %mul3A_57 = arith.constant 640 : i32
    %mul3A_58 = arith.muli %arg1, %mul3A_57 : i32
    %add3A_59 = arith.constant 384 : i32
    %add3A_60 = arith.addi %mul3A_58, %add3A_59 : i32
    "tpu.region"() ({
      %run_scoped3A = tpu.sem_alloc : memref<!tpu.dma_semaphore, #tpu.memory_space<semaphore_mem>>
      %dma_start3A_65 = arith.constant 0 : i32
      %dma_start3A_66 = tpu.memref_slice %arg5[%arg0, %add3A_60, %dma_start3A_65] : memref<2x10240x32xf32, #tpu.memory_space<hbm>> -> memref<1x128x32xf32, #tpu.memory_space<hbm>>
      %dma_start3A_67 = tpu.memref_squeeze %dma_start3A_66 : memref<1x128x32xf32, #tpu.memory_space<hbm>> -> memref<128x32xf32, #tpu.memory_space<hbm>>
      %dma_start3A_68 = arith.constant 0 : i32
      %dma_start3A_69 = tpu.memref_slice %arg11[%add3A_60, %dma_start3A_68] : memref<10240x32xf32, #tpu.memory_space<vmem_shared>> -> memref<128x32xf32, #tpu.memory_space<vmem_shared>>
      tpu.enqueue_dma source(%dma_start3A_69 : memref<128x32xf32, #tpu.memory_space<vmem_shared>>) target(%dma_start3A_67 : memref<128x32xf32, #tpu.memory_space<hbm>>) target_semaphore(%run_scoped3A : memref<!tpu.dma_semaphore, #tpu.memory_space<semaphore_mem>>)
      %dma_wait3A = arith.constant 0 : i32
      %dma_wait3A_70 = tpu.memref_slice %arg5[%arg0, %add3A_60, %dma_wait3A] : memref<2x10240x32xf32, #tpu.memory_space<hbm>> -> memref<1x128x32xf32, #tpu.memory_space<hbm>>
      %dma_wait3A_71 = tpu.memref_squeeze %dma_wait3A_70 : memref<1x128x32xf32, #tpu.memory_space<hbm>> -> memref<128x32xf32, #tpu.memory_space<hbm>>
      %dma_wait3A_72 = arith.constant 0 : i32
      %dma_wait3A_73 = tpu.memref_slice %arg11[%add3A_60, %dma_wait3A_72] : memref<10240x32xf32, #tpu.memory_space<vmem_shared>> -> memref<128x32xf32, #tpu.memory_space<vmem_shared>>
      tpu.wait_dma2 semaphore(%run_scoped3A : memref<!tpu.dma_semaphore, #tpu.memory_space<semaphore_mem>>) src(%dma_wait3A_73 : memref<128x32xf32, #tpu.memory_space<vmem_shared>>) dst(%dma_wait3A_71 : memref<128x32xf32, #tpu.memory_space<hbm>>)
      tpu.yield
    }) : () -> ()
    %mul3A_61 = arith.constant 640 : i32
    %mul3A_62 = arith.muli %arg1, %mul3A_61 : i32
    %add3A_63 = arith.constant 512 : i32
    %add3A_64 = arith.addi %mul3A_62, %add3A_63 : i32
    "tpu.region"() ({
      %run_scoped3A = tpu.sem_alloc : memref<!tpu.dma_semaphore, #tpu.memory_space<semaphore_mem>>
      %dma_start3A_65 = arith.constant 0 : i32
      %dma_start3A_66 = tpu.memref_slice %arg5[%arg0, %add3A_64, %dma_start3A_65] : memref<2x10240x32xf32, #tpu.memory_space<hbm>> -> memref<1x128x32xf32, #tpu.memory_space<hbm>>
      %dma_start3A_67 = tpu.memref_squeeze %dma_start3A_66 : memref<1x128x32xf32, #tpu.memory_space<hbm>> -> memref<128x32xf32, #tpu.memory_space<hbm>>
      %dma_start3A_68 = arith.constant 0 : i32
      %dma_start3A_69 = tpu.memref_slice %arg11[%add3A_64, %dma_start3A_68] : memref<10240x32xf32, #tpu.memory_space<vmem_shared>> -> memref<128x32xf32, #tpu.memory_space<vmem_shared>>
      tpu.enqueue_dma source(%dma_start3A_69 : memref<128x32xf32, #tpu.memory_space<vmem_shared>>) target(%dma_start3A_67 : memref<128x32xf32, #tpu.memory_space<hbm>>) target_semaphore(%run_scoped3A : memref<!tpu.dma_semaphore, #tpu.memory_space<semaphore_mem>>)
      %dma_wait3A = arith.constant 0 : i32
      %dma_wait3A_70 = tpu.memref_slice %arg5[%arg0, %add3A_64, %dma_wait3A] : memref<2x10240x32xf32, #tpu.memory_space<hbm>> -> memref<1x128x32xf32, #tpu.memory_space<hbm>>
      %dma_wait3A_71 = tpu.memref_squeeze %dma_wait3A_70 : memref<1x128x32xf32, #tpu.memory_space<hbm>> -> memref<128x32xf32, #tpu.memory_space<hbm>>
      %dma_wait3A_72 = arith.constant 0 : i32
      %dma_wait3A_73 = tpu.memref_slice %arg11[%add3A_64, %dma_wait3A_72] : memref<10240x32xf32, #tpu.memory_space<vmem_shared>> -> memref<128x32xf32, #tpu.memory_space<vmem_shared>>
      tpu.wait_dma2 semaphore(%run_scoped3A : memref<!tpu.dma_semaphore, #tpu.memory_space<semaphore_mem>>) src(%dma_wait3A_73 : memref<128x32xf32, #tpu.memory_space<vmem_shared>>) dst(%dma_wait3A_71 : memref<128x32xf32, #tpu.memory_space<hbm>>)
      tpu.yield
    }) : () -> ()
    return
  }
}

module attributes {stable_mosaic.version = 14 : i64} {
  func.func @body(%arg0: i32, %arg1: memref<1024x128xf32, #tpu.memory_space<vmem>>, %arg2: memref<128x64xf32, #tpu.memory_space<vmem>>, %arg3: memref<32x1024xf32, #tpu.memory_space<vmem>>, %arg4: memref<1024x64xf32, #tpu.memory_space<vmem>>, %arg5: memref<2x1024x32xf32, #tpu.memory_space<vmem>>) attributes {dimension_semantics = [#tpu.dimension_semantics<arbitrary>], iteration_bounds = array<i64: 10>, scalar_prefetch = 0 : i64, scratch_operands = 0 : i64, tpu.core_type = #tpu.core_type<tc>, window_params = [{transform_indices = @transform_0, window_bounds = array<i64: 1024, 128>}, {pipeline_mode = #tpu.pipeline_mode<synchronous>, transform_indices = @transform_1, window_bounds = array<i64: 128, 64>}, {transform_indices = @transform_2, window_bounds = array<i64: 32, 1024>}, {transform_indices = @transform_3, window_bounds = array<i64: 1024, 64>}, {transform_indices = @transform_4, window_bounds = array<i64: 2, 1024, 32>}]} {
    %get3A = arith.constant 0 : index
    %get3A_0 = arith.constant 0 : index
    %get3A_1 = vector.load %arg3[%get3A, %get3A_0] : memref<32x1024xf32, #tpu.memory_space<vmem>>, vector<32x1024xf32>
    %reduce_sum3A = arith.constant dense<0.000000e+00> : vector<1024xf32>
    %reduce_sum3A_2 = vector.multi_reduction <add>, %get3A_1, %reduce_sum3A [0] : vector<32x1024xf32> to vector<1024xf32>
    %add3A = arith.constant 1.000000e+00 : f32
    %add3A_3 = vector.broadcast %add3A : f32 to vector<1024xf32>
    %add3A_4 = arith.addf %reduce_sum3A_2, %add3A_3 : vector<1024xf32>
    %rsqrt3A = math.rsqrt %add3A_4 : vector<1024xf32>
    %broadcast_in_dim3A = vector.shape_cast %rsqrt3A : vector<1024xf32> to vector<1024x1xf32>
    %get3A_5 = arith.constant 0 : index
    %get3A_6 = arith.constant 0 : index
    %get3A_7 = vector.load %arg1[%get3A_5, %get3A_6] : memref<1024x128xf32, #tpu.memory_space<vmem>>, vector<1024x128xf32>
    %get3A_8 = arith.constant 0 : index
    %get3A_9 = arith.constant 0 : index
    %get3A_10 = vector.load %arg2[%get3A_8, %get3A_9] : memref<128x64xf32, #tpu.memory_space<vmem>>, vector<128x64xf32>
    %dot_general3A = arith.constant dense<0.000000e+00> : vector<1024x64xf32>
    %dot_general3A_11 = tpu.matmul %get3A_7, %get3A_10, %dot_general3A {dimension_numbers = #tpu.dot_dimension_numbers<[1], [0], [0], [1], [0, 0, 1, 1], [], []>, transpose_lhs_hint = false} : vector<1024x128xf32>, vector<128x64xf32>, vector<1024x64xf32> -> vector<1024x64xf32>
    %swap3A = arith.constant 0 : index
    %swap3A_12 = arith.constant 0 : index
    %swap3A_13 = vector.load %arg4[%swap3A, %swap3A_12] : memref<1024x64xf32, #tpu.memory_space<vmem>>, vector<1024x64xf32>
    tpu.vector_store %arg4[%swap3A, %swap3A_12], %dot_general3A_11 {strides = array<i32>} : memref<1024x64xf32, #tpu.memory_space<vmem>>, vector<1024x64xf32>,
    %mul3A = vector.broadcast %broadcast_in_dim3A : vector<1024x1xf32> to vector<1024x64xf32>
    %mul3A_14 = arith.mulf %dot_general3A_11, %mul3A : vector<1024x64xf32>
    %slice3A = vector.extract_strided_slice %mul3A_14 {offsets = [0, 0], sizes = [1024, 32], strides = [1, 1]} : vector<1024x64xf32> to vector<1024x32xf32>
    %swap3A_15 = arith.constant 0 : index
    %swap3A_16 = arith.constant 0 : index
    %swap3A_17 = arith.constant 0 : index
    %swap3A_18 = vector.load %arg5[%swap3A_15, %swap3A_16, %swap3A_17] : memref<2x1024x32xf32, #tpu.memory_space<vmem>>, vector<1x1024x32xf32>
    %swap3A_19 = vector.shape_cast %swap3A_18 : vector<1x1024x32xf32> to vector<1024x32xf32>
    %swap3A_20 = vector.shape_cast %slice3A : vector<1024x32xf32> to vector<1x1024x32xf32>
    tpu.vector_store %arg5[%swap3A_15, %swap3A_16, %swap3A_17], %swap3A_20 {strides = array<i32>} : memref<2x1024x32xf32, #tpu.memory_space<vmem>>, vector<1x1024x32xf32>,
    %slice3A_21 = vector.extract_strided_slice %mul3A_14 {offsets = [0, 32], sizes = [1024, 32], strides = [1, 1]} : vector<1024x64xf32> to vector<1024x32xf32>
    %swap3A_22 = arith.constant 1 : index
    %swap3A_23 = arith.constant 0 : index
    %swap3A_24 = arith.constant 0 : index
    %swap3A_25 = vector.load %arg5[%swap3A_22, %swap3A_23, %swap3A_24] : memref<2x1024x32xf32, #tpu.memory_space<vmem>>, vector<1x1024x32xf32>
    %swap3A_26 = vector.shape_cast %swap3A_25 : vector<1x1024x32xf32> to vector<1024x32xf32>
    %swap3A_27 = vector.shape_cast %slice3A_21 : vector<1024x32xf32> to vector<1x1024x32xf32>
    tpu.vector_store %arg5[%swap3A_22, %swap3A_23, %swap3A_24], %swap3A_27 {strides = array<i32>} : memref<2x1024x32xf32, #tpu.memory_space<vmem>>, vector<1x1024x32xf32>,
    return
  }
  func.func @transform_0(%arg0: i32) -> (i32, i32) {
    %c0_i32 = arith.constant 0 : i32
    %c0_i32_0 = arith.constant 0 : i32
    return %arg0, %c0_i32 : i32, i32
  }
  func.func @transform_1(%arg0: i32) -> (i32, i32) {
    %c0_i32 = arith.constant 0 : i32
    %c0_i32_0 = arith.constant 0 : i32
    %c0_i32_1 = arith.constant 0 : i32
    return %c0_i32, %c0_i32_0 : i32, i32
  }
  func.func @transform_2(%arg0: i32) -> (i32, i32) {
    %c0_i32 = arith.constant 0 : i32
    %c0_i32_0 = arith.constant 0 : i32
    return %c0_i32, %arg0 : i32, i32
  }
  func.func @transform_3(%arg0: i32) -> (i32, i32) {
    %c0_i32 = arith.constant 0 : i32
    %c0_i32_0 = arith.constant 0 : i32
    return %arg0, %c0_i32 : i32, i32
  }
  func.func @transform_4(%arg0: i32) -> (i32, i32, i32) {
    %c0_i32 = arith.constant 0 : i32
    %c0_i32_0 = arith.constant 0 : i32
    %c0_i32_1 = arith.constant 0 : i32
    return %c0_i32, %arg0, %c0_i32_0 : i32, i32, i32
  }
}

module attributes {stable_mosaic.version = 14 : i64} {
  func.func @body(%arg0: i32, %arg1: memref<1024x64xf32, #tpu.memory_space<vmem>>, %arg2: memref<2x1024x32xf32, #tpu.memory_space<vmem>>, %arg3: memref<32x1024xf32, #tpu.memory_space<vmem>>, %arg4: memref<1x64xf32, #tpu.memory_space<vmem>>, %arg5: memref<64x64xf32, #tpu.memory_space<vmem>>, %arg6: memref<1024x64xf32, #tpu.memory_space<vmem>>, %arg7: memref<2x1024x32xf32, #tpu.memory_space<vmem>>) attributes {dimension_semantics = [#tpu.dimension_semantics<arbitrary>], iteration_bounds = array<i64: 10>, scalar_prefetch = 0 : i64, scratch_operands = 0 : i64, tpu.core_type = #tpu.core_type<tc>, window_params = [{transform_indices = @transform_0, window_bounds = array<i64: 1024, 64>}, {transform_indices = @transform_1, window_bounds = array<i64: 2, 1024, 32>}, {transform_indices = @transform_2, window_bounds = array<i64: 32, 1024>}, {pipeline_mode = #tpu.pipeline_mode<synchronous>, transform_indices = @transform_3, window_bounds = array<i64: 1, 64>}, {pipeline_mode = #tpu.pipeline_mode<synchronous>, transform_indices = @transform_4, window_bounds = array<i64: 64, 64>}, {transform_indices = @transform_5, window_bounds = array<i64: 1024, 64>}, {transform_indices = @transform_6, window_bounds = array<i64: 2, 1024, 32>}]} {
    %get3A = arith.constant 0 : index
    %get3A_0 = arith.constant 0 : index
    %get3A_1 = vector.load %arg3[%get3A, %get3A_0] : memref<32x1024xf32, #tpu.memory_space<vmem>>, vector<32x1024xf32>
    %reduce_sum3A = arith.constant dense<0.000000e+00> : vector<1024xf32>
    %reduce_sum3A_2 = vector.multi_reduction <add>, %get3A_1, %reduce_sum3A [0] : vector<32x1024xf32> to vector<1024xf32>
    %add3A = arith.constant 1.000000e+00 : f32
    %add3A_3 = vector.broadcast %add3A : f32 to vector<1024xf32>
    %add3A_4 = arith.addf %reduce_sum3A_2, %add3A_3 : vector<1024xf32>
    %rsqrt3A = math.rsqrt %add3A_4 : vector<1024xf32>
    %broadcast_in_dim3A = vector.shape_cast %rsqrt3A : vector<1024xf32> to vector<1024x1xf32>
    %get3A_5 = arith.constant 0 : index
    %get3A_6 = arith.constant 0 : index
    %get3A_7 = arith.constant 0 : index
    %get3A_8 = vector.load %arg2[%get3A_5, %get3A_6, %get3A_7] : memref<2x1024x32xf32, #tpu.memory_space<vmem>>, vector<1x1024x32xf32>
    %get3A_9 = vector.shape_cast %get3A_8 : vector<1x1024x32xf32> to vector<1024x32xf32>
    %get3A_10 = arith.constant 1 : index
    %get3A_11 = arith.constant 0 : index
    %get3A_12 = arith.constant 0 : index
    %get3A_13 = vector.load %arg2[%get3A_10, %get3A_11, %get3A_12] : memref<2x1024x32xf32, #tpu.memory_space<vmem>>, vector<1x1024x32xf32>
    %get3A_14 = vector.shape_cast %get3A_13 : vector<1x1024x32xf32> to vector<1024x32xf32>
    %concatenate3A = tpu.concatenate %get3A_9, %get3A_14 in 1 : vector<1024x32xf32>, vector<1024x32xf32> -> vector<1024x64xf32>
    %get3A_15 = arith.constant 0 : index
    %get3A_16 = arith.constant 0 : index
    %get3A_17 = vector.load %arg1[%get3A_15, %get3A_16] : memref<1024x64xf32, #tpu.memory_space<vmem>>, vector<1024x64xf32>
    %mul3A = vector.broadcast %broadcast_in_dim3A : vector<1024x1xf32> to vector<1024x64xf32>
    %mul3A_18 = arith.mulf %mul3A, %get3A_17 : vector<1024x64xf32>
    %add3A_19 = arith.addf %concatenate3A, %mul3A_18 : vector<1024x64xf32>
    %mul3A_20 = vector.broadcast %broadcast_in_dim3A : vector<1024x1xf32> to vector<1024x64xf32>
    %mul3A_21 = arith.mulf %mul3A_20, %add3A_19 : vector<1024x64xf32>
    %get3A_22 = arith.constant 0 : index
    %get3A_23 = arith.constant 0 : index
    %get3A_24 = vector.load %arg4[%get3A_22, %get3A_23] : memref<1x64xf32, #tpu.memory_space<vmem>>, vector<1x64xf32>
    %add3A_25 = vector.broadcast %get3A_24 : vector<1x64xf32> to vector<1024x64xf32>
    %add3A_26 = arith.addf %mul3A_21, %add3A_25 : vector<1024x64xf32>
    %max3A = arith.constant 0.000000e+00 : f32
    %max3A_27 = vector.broadcast %max3A : f32 to vector<1024x64xf32>
    %max3A_28 = arith.maximumf %add3A_26, %max3A_27 : vector<1024x64xf32>
    %get3A_29 = arith.constant 0 : index
    %get3A_30 = arith.constant 0 : index
    %get3A_31 = vector.load %arg5[%get3A_29, %get3A_30] : memref<64x64xf32, #tpu.memory_space<vmem>>, vector<64x64xf32>
    %dot_general3A = arith.constant dense<0.000000e+00> : vector<1024x64xf32>
    %dot_general3A_32 = tpu.matmul %max3A_28, %get3A_31, %dot_general3A {dimension_numbers = #tpu.dot_dimension_numbers<[1], [0], [0], [1], [0, 0, 1, 1], [], []>, transpose_lhs_hint = false} : vector<1024x64xf32>, vector<64x64xf32>, vector<1024x64xf32> -> vector<1024x64xf32>
    %swap3A = arith.constant 0 : index
    %swap3A_33 = arith.constant 0 : index
    %swap3A_34 = vector.load %arg6[%swap3A, %swap3A_33] : memref<1024x64xf32, #tpu.memory_space<vmem>>, vector<1024x64xf32>
    tpu.vector_store %arg6[%swap3A, %swap3A_33], %dot_general3A_32 {strides = array<i32>} : memref<1024x64xf32, #tpu.memory_space<vmem>>, vector<1024x64xf32>,
    %mul3A_35 = vector.broadcast %broadcast_in_dim3A : vector<1024x1xf32> to vector<1024x64xf32>
    %mul3A_36 = arith.mulf %dot_general3A_32, %mul3A_35 : vector<1024x64xf32>
    %slice3A = vector.extract_strided_slice %mul3A_36 {offsets = [0, 0], sizes = [1024, 32], strides = [1, 1]} : vector<1024x64xf32> to vector<1024x32xf32>
    %swap3A_37 = arith.constant 0 : index
    %swap3A_38 = arith.constant 0 : index
    %swap3A_39 = arith.constant 0 : index
    %swap3A_40 = vector.load %arg7[%swap3A_37, %swap3A_38, %swap3A_39] : memref<2x1024x32xf32, #tpu.memory_space<vmem>>, vector<1x1024x32xf32>
    %swap3A_41 = vector.shape_cast %swap3A_40 : vector<1x1024x32xf32> to vector<1024x32xf32>
    %swap3A_42 = vector.shape_cast %slice3A : vector<1024x32xf32> to vector<1x1024x32xf32>
    tpu.vector_store %arg7[%swap3A_37, %swap3A_38, %swap3A_39], %swap3A_42 {strides = array<i32>} : memref<2x1024x32xf32, #tpu.memory_space<vmem>>, vector<1x1024x32xf32>,
    %slice3A_43 = vector.extract_strided_slice %mul3A_36 {offsets = [0, 32], sizes = [1024, 32], strides = [1, 1]} : vector<1024x64xf32> to vector<1024x32xf32>
    %swap3A_44 = arith.constant 1 : index
    %swap3A_45 = arith.constant 0 : index
    %swap3A_46 = arith.constant 0 : index
    %swap3A_47 = vector.load %arg7[%swap3A_44, %swap3A_45, %swap3A_46] : memref<2x1024x32xf32, #tpu.memory_space<vmem>>, vector<1x1024x32xf32>
    %swap3A_48 = vector.shape_cast %swap3A_47 : vector<1x1024x32xf32> to vector<1024x32xf32>
    %swap3A_49 = vector.shape_cast %slice3A_43 : vector<1024x32xf32> to vector<1x1024x32xf32>
    tpu.vector_store %arg7[%swap3A_44, %swap3A_45, %swap3A_46], %swap3A_49 {strides = array<i32>} : memref<2x1024x32xf32, #tpu.memory_space<vmem>>, vector<1x1024x32xf32>,
    return
  }
  func.func @transform_0(%arg0: i32) -> (i32, i32) {
    %c0_i32 = arith.constant 0 : i32
    %c0_i32_0 = arith.constant 0 : i32
    return %arg0, %c0_i32 : i32, i32
  }
  func.func @transform_1(%arg0: i32) -> (i32, i32, i32) {
    %c0_i32 = arith.constant 0 : i32
    %c0_i32_0 = arith.constant 0 : i32
    %c0_i32_1 = arith.constant 0 : i32
    return %c0_i32, %arg0, %c0_i32_0 : i32, i32, i32
  }
  func.func @transform_2(%arg0: i32) -> (i32, i32) {
    %c0_i32 = arith.constant 0 : i32
    %c0_i32_0 = arith.constant 0 : i32
    return %c0_i32, %arg0 : i32, i32
  }
  func.func @transform_3(%arg0: i32) -> (i32, i32) {
    %c0_i32 = arith.constant 0 : i32
    %c0_i32_0 = arith.constant 0 : i32
    %c0_i32_1 = arith.constant 0 : i32
    return %c0_i32, %c0_i32_0 : i32, i32
  }
  func.func @transform_4(%arg0: i32) -> (i32, i32) {
    %c0_i32 = arith.constant 0 : i32
    %c0_i32_0 = arith.constant 0 : i32
    %c0_i32_1 = arith.constant 0 : i32
    return %c0_i32, %c0_i32_0 : i32, i32
  }
  func.func @transform_5(%arg0: i32) -> (i32, i32) {
    %c0_i32 = arith.constant 0 : i32
    %c0_i32_0 = arith.constant 0 : i32
    return %arg0, %c0_i32 : i32, i32
  }
  func.func @transform_6(%arg0: i32) -> (i32, i32, i32) {
    %c0_i32 = arith.constant 0 : i32
    %c0_i32_0 = arith.constant 0 : i32
    %c0_i32_1 = arith.constant 0 : i32
    return %c0_i32, %arg0, %c0_i32_0 : i32, i32, i32
  }
}

module attributes {stable_mosaic.version = 14 : i64} {
  func.func @body(%arg0: i32, %arg1: memref<1024x64xf32, #tpu.memory_space<vmem>>, %arg2: memref<2x1024x32xf32, #tpu.memory_space<vmem>>, %arg3: memref<32x1024xf32, #tpu.memory_space<vmem>>, %arg4: memref<1x64xf32, #tpu.memory_space<vmem>>, %arg5: memref<64x128xf32, #tpu.memory_space<vmem>>, %arg6: memref<1024x128xf32, #tpu.memory_space<vmem>>, %arg7: memref<2x1024x32xf32, #tpu.memory_space<vmem>>, %arg8: memref<2x1024x32xf32, #tpu.memory_space<vmem>>) attributes {dimension_semantics = [#tpu.dimension_semantics<arbitrary>], iteration_bounds = array<i64: 10>, scalar_prefetch = 0 : i64, scratch_operands = 0 : i64, tpu.core_type = #tpu.core_type<tc>, window_params = [{transform_indices = @transform_0, window_bounds = array<i64: 1024, 64>}, {transform_indices = @transform_1, window_bounds = array<i64: 2, 1024, 32>}, {transform_indices = @transform_2, window_bounds = array<i64: 32, 1024>}, {pipeline_mode = #tpu.pipeline_mode<synchronous>, transform_indices = @transform_3, window_bounds = array<i64: 1, 64>}, {pipeline_mode = #tpu.pipeline_mode<synchronous>, transform_indices = @transform_4, window_bounds = array<i64: 64, 128>}, {transform_indices = @transform_5, window_bounds = array<i64: 1024, 128>}, {transform_indices = @transform_6, window_bounds = array<i64: 2, 1024, 32>}, {transform_indices = @transform_7, window_bounds = array<i64: 2, 1024, 32>}]} {
    %get3A = arith.constant 0 : index
    %get3A_0 = arith.constant 0 : index
    %get3A_1 = vector.load %arg3[%get3A, %get3A_0] : memref<32x1024xf32, #tpu.memory_space<vmem>>, vector<32x1024xf32>
    %reduce_sum3A = arith.constant dense<0.000000e+00> : vector<1024xf32>
    %reduce_sum3A_2 = vector.multi_reduction <add>, %get3A_1, %reduce_sum3A [0] : vector<32x1024xf32> to vector<1024xf32>
    %add3A = arith.constant 1.000000e+00 : f32
    %add3A_3 = vector.broadcast %add3A : f32 to vector<1024xf32>
    %add3A_4 = arith.addf %reduce_sum3A_2, %add3A_3 : vector<1024xf32>
    %rsqrt3A = math.rsqrt %add3A_4 : vector<1024xf32>
    %broadcast_in_dim3A = vector.shape_cast %rsqrt3A : vector<1024xf32> to vector<1024x1xf32>
    %get3A_5 = arith.constant 0 : index
    %get3A_6 = arith.constant 0 : index
    %get3A_7 = arith.constant 0 : index
    %get3A_8 = vector.load %arg2[%get3A_5, %get3A_6, %get3A_7] : memref<2x1024x32xf32, #tpu.memory_space<vmem>>, vector<1x1024x32xf32>
    %get3A_9 = vector.shape_cast %get3A_8 : vector<1x1024x32xf32> to vector<1024x32xf32>
    %get3A_10 = arith.constant 1 : index
    %get3A_11 = arith.constant 0 : index
    %get3A_12 = arith.constant 0 : index
    %get3A_13 = vector.load %arg2[%get3A_10, %get3A_11, %get3A_12] : memref<2x1024x32xf32, #tpu.memory_space<vmem>>, vector<1x1024x32xf32>
    %get3A_14 = vector.shape_cast %get3A_13 : vector<1x1024x32xf32> to vector<1024x32xf32>
    %concatenate3A = tpu.concatenate %get3A_9, %get3A_14 in 1 : vector<1024x32xf32>, vector<1024x32xf32> -> vector<1024x64xf32>
    %get3A_15 = arith.constant 0 : index
    %get3A_16 = arith.constant 0 : index
    %get3A_17 = vector.load %arg1[%get3A_15, %get3A_16] : memref<1024x64xf32, #tpu.memory_space<vmem>>, vector<1024x64xf32>
    %mul3A = vector.broadcast %broadcast_in_dim3A : vector<1024x1xf32> to vector<1024x64xf32>
    %mul3A_18 = arith.mulf %mul3A, %get3A_17 : vector<1024x64xf32>
    %add3A_19 = arith.addf %concatenate3A, %mul3A_18 : vector<1024x64xf32>
    %mul3A_20 = vector.broadcast %broadcast_in_dim3A : vector<1024x1xf32> to vector<1024x64xf32>
    %mul3A_21 = arith.mulf %mul3A_20, %add3A_19 : vector<1024x64xf32>
    %get3A_22 = arith.constant 0 : index
    %get3A_23 = arith.constant 0 : index
    %get3A_24 = vector.load %arg4[%get3A_22, %get3A_23] : memref<1x64xf32, #tpu.memory_space<vmem>>, vector<1x64xf32>
    %add3A_25 = vector.broadcast %get3A_24 : vector<1x64xf32> to vector<1024x64xf32>
    %add3A_26 = arith.addf %mul3A_21, %add3A_25 : vector<1024x64xf32>
    %max3A = arith.constant 0.000000e+00 : f32
    %max3A_27 = vector.broadcast %max3A : f32 to vector<1024x64xf32>
    %max3A_28 = arith.maximumf %add3A_26, %max3A_27 : vector<1024x64xf32>
    %get3A_29 = arith.constant 0 : index
    %get3A_30 = arith.constant 0 : index
    %get3A_31 = vector.load %arg5[%get3A_29, %get3A_30] : memref<64x128xf32, #tpu.memory_space<vmem>>, vector<64x128xf32>
    %dot_general3A = arith.constant dense<0.000000e+00> : vector<1024x128xf32>
    %dot_general3A_32 = tpu.matmul %max3A_28, %get3A_31, %dot_general3A {dimension_numbers = #tpu.dot_dimension_numbers<[1], [0], [0], [1], [0, 0, 1, 1], [], []>, transpose_lhs_hint = false} : vector<1024x64xf32>, vector<64x128xf32>, vector<1024x128xf32> -> vector<1024x128xf32>
    %swap3A = arith.constant 0 : index
    %swap3A_33 = arith.constant 0 : index
    %swap3A_34 = vector.load %arg6[%swap3A, %swap3A_33] : memref<1024x128xf32, #tpu.memory_space<vmem>>, vector<1024x128xf32>
    tpu.vector_store %arg6[%swap3A, %swap3A_33], %dot_general3A_32 {strides = array<i32>} : memref<1024x128xf32, #tpu.memory_space<vmem>>, vector<1024x128xf32>,
    %mul3A_35 = vector.broadcast %broadcast_in_dim3A : vector<1024x1xf32> to vector<1024x128xf32>
    %mul3A_36 = arith.mulf %dot_general3A_32, %mul3A_35 : vector<1024x128xf32>
    %slice3A = vector.extract_strided_slice %mul3A_36 {offsets = [0, 0], sizes = [1024, 32], strides = [1, 1]} : vector<1024x128xf32> to vector<1024x32xf32>
    %swap3A_37 = arith.constant 0 : index
    %swap3A_38 = arith.constant 0 : index
    %swap3A_39 = arith.constant 0 : index
    %swap3A_40 = vector.load %arg7[%swap3A_37, %swap3A_38, %swap3A_39] : memref<2x1024x32xf32, #tpu.memory_space<vmem>>, vector<1x1024x32xf32>
    %swap3A_41 = vector.shape_cast %swap3A_40 : vector<1x1024x32xf32> to vector<1024x32xf32>
    %swap3A_42 = vector.shape_cast %slice3A : vector<1024x32xf32> to vector<1x1024x32xf32>
    tpu.vector_store %arg7[%swap3A_37, %swap3A_38, %swap3A_39], %swap3A_42 {strides = array<i32>} : memref<2x1024x32xf32, #tpu.memory_space<vmem>>, vector<1x1024x32xf32>,
    %slice3A_43 = vector.extract_strided_slice %mul3A_36 {offsets = [0, 32], sizes = [1024, 32], strides = [1, 1]} : vector<1024x128xf32> to vector<1024x32xf32>
    %swap3A_44 = arith.constant 1 : index
    %swap3A_45 = arith.constant 0 : index
    %swap3A_46 = arith.constant 0 : index
    %swap3A_47 = vector.load %arg7[%swap3A_44, %swap3A_45, %swap3A_46] : memref<2x1024x32xf32, #tpu.memory_space<vmem>>, vector<1x1024x32xf32>
    %swap3A_48 = vector.shape_cast %swap3A_47 : vector<1x1024x32xf32> to vector<1024x32xf32>
    %swap3A_49 = vector.shape_cast %slice3A_43 : vector<1024x32xf32> to vector<1x1024x32xf32>
    tpu.vector_store %arg7[%swap3A_44, %swap3A_45, %swap3A_46], %swap3A_49 {strides = array<i32>} : memref<2x1024x32xf32, #tpu.memory_space<vmem>>, vector<1x1024x32xf32>,
    %slice3A_50 = vector.extract_strided_slice %mul3A_36 {offsets = [0, 64], sizes = [1024, 32], strides = [1, 1]} : vector<1024x128xf32> to vector<1024x32xf32>
    %swap3A_51 = arith.constant 0 : index
    %swap3A_52 = arith.constant 0 : index
    %swap3A_53 = arith.constant 0 : index
    %swap3A_54 = vector.load %arg8[%swap3A_51, %swap3A_52, %swap3A_53] : memref<2x1024x32xf32, #tpu.memory_space<vmem>>, vector<1x1024x32xf32>
    %swap3A_55 = vector.shape_cast %swap3A_54 : vector<1x1024x32xf32> to vector<1024x32xf32>
    %swap3A_56 = vector.shape_cast %slice3A_50 : vector<1024x32xf32> to vector<1x1024x32xf32>
    tpu.vector_store %arg8[%swap3A_51, %swap3A_52, %swap3A_53], %swap3A_56 {strides = array<i32>} : memref<2x1024x32xf32, #tpu.memory_space<vmem>>, vector<1x1024x32xf32>,
    %slice3A_57 = vector.extract_strided_slice %mul3A_36 {offsets = [0, 96], sizes = [1024, 32], strides = [1, 1]} : vector<1024x128xf32> to vector<1024x32xf32>
    %swap3A_58 = arith.constant 1 : index
    %swap3A_59 = arith.constant 0 : index
    %swap3A_60 = arith.constant 0 : index
    %swap3A_61 = vector.load %arg8[%swap3A_58, %swap3A_59, %swap3A_60] : memref<2x1024x32xf32, #tpu.memory_space<vmem>>, vector<1x1024x32xf32>
    %swap3A_62 = vector.shape_cast %swap3A_61 : vector<1x1024x32xf32> to vector<1024x32xf32>
    %swap3A_63 = vector.shape_cast %slice3A_57 : vector<1024x32xf32> to vector<1x1024x32xf32>
    tpu.vector_store %arg8[%swap3A_58, %swap3A_59, %swap3A_60], %swap3A_63 {strides = array<i32>} : memref<2x1024x32xf32, #tpu.memory_space<vmem>>, vector<1x1024x32xf32>,
    return
  }
  func.func @transform_0(%arg0: i32) -> (i32, i32) {
    %c0_i32 = arith.constant 0 : i32
    %c0_i32_0 = arith.constant 0 : i32
    return %arg0, %c0_i32 : i32, i32
  }
  func.func @transform_1(%arg0: i32) -> (i32, i32, i32) {
    %c0_i32 = arith.constant 0 : i32
    %c0_i32_0 = arith.constant 0 : i32
    %c0_i32_1 = arith.constant 0 : i32
    return %c0_i32, %arg0, %c0_i32_0 : i32, i32, i32
  }
  func.func @transform_2(%arg0: i32) -> (i32, i32) {
    %c0_i32 = arith.constant 0 : i32
    %c0_i32_0 = arith.constant 0 : i32
    return %c0_i32, %arg0 : i32, i32
  }
  func.func @transform_3(%arg0: i32) -> (i32, i32) {
    %c0_i32 = arith.constant 0 : i32
    %c0_i32_0 = arith.constant 0 : i32
    %c0_i32_1 = arith.constant 0 : i32
    return %c0_i32, %c0_i32_0 : i32, i32
  }
  func.func @transform_4(%arg0: i32) -> (i32, i32) {
    %c0_i32 = arith.constant 0 : i32
    %c0_i32_0 = arith.constant 0 : i32
    %c0_i32_1 = arith.constant 0 : i32
    return %c0_i32, %c0_i32_0 : i32, i32
  }
  func.func @transform_5(%arg0: i32) -> (i32, i32) {
    %c0_i32 = arith.constant 0 : i32
    %c0_i32_0 = arith.constant 0 : i32
    return %arg0, %c0_i32 : i32, i32
  }
  func.func @transform_6(%arg0: i32) -> (i32, i32, i32) {
    %c0_i32 = arith.constant 0 : i32
    %c0_i32_0 = arith.constant 0 : i32
    %c0_i32_1 = arith.constant 0 : i32
    return %c0_i32, %arg0, %c0_i32_0 : i32, i32, i32
  }
  func.func @transform_7(%arg0: i32) -> (i32, i32, i32) {
    %c0_i32 = arith.constant 0 : i32
    %c0_i32_0 = arith.constant 0 : i32
    %c0_i32_1 = arith.constant 0 : i32
    return %c0_i32, %arg0, %c0_i32_0 : i32, i32, i32
  }
}

module attributes {stable_mosaic.version = 14 : i64} {
  func.func @body(%arg0: i32, %arg1: memref<1024x128xf32, #tpu.memory_space<vmem>>, %arg2: memref<2x1024x32xf32, #tpu.memory_space<vmem>>, %arg3: memref<2x1024x32xf32, #tpu.memory_space<vmem>>, %arg4: memref<32x1024xf32, #tpu.memory_space<vmem>>, %arg5: memref<1x128xf32, #tpu.memory_space<vmem>>, %arg6: memref<1024x128xf32, #tpu.memory_space<vmem>>) attributes {dimension_semantics = [#tpu.dimension_semantics<arbitrary>], iteration_bounds = array<i64: 10>, scalar_prefetch = 0 : i64, scratch_operands = 0 : i64, tpu.core_type = #tpu.core_type<tc>, window_params = [{transform_indices = @transform_0, window_bounds = array<i64: 1024, 128>}, {transform_indices = @transform_1, window_bounds = array<i64: 2, 1024, 32>}, {transform_indices = @transform_2, window_bounds = array<i64: 2, 1024, 32>}, {transform_indices = @transform_3, window_bounds = array<i64: 32, 1024>}, {pipeline_mode = #tpu.pipeline_mode<synchronous>, transform_indices = @transform_4, window_bounds = array<i64: 1, 128>}, {transform_indices = @transform_5, window_bounds = array<i64: 1024, 128>}]} {
    %get3A = arith.constant 0 : index
    %get3A_0 = arith.constant 0 : index
    %get3A_1 = vector.load %arg4[%get3A, %get3A_0] : memref<32x1024xf32, #tpu.memory_space<vmem>>, vector<32x1024xf32>
    %reduce_sum3A = arith.constant dense<0.000000e+00> : vector<1024xf32>
    %reduce_sum3A_2 = vector.multi_reduction <add>, %get3A_1, %reduce_sum3A [0] : vector<32x1024xf32> to vector<1024xf32>
    %add3A = arith.constant 1.000000e+00 : f32
    %add3A_3 = vector.broadcast %add3A : f32 to vector<1024xf32>
    %add3A_4 = arith.addf %reduce_sum3A_2, %add3A_3 : vector<1024xf32>
    %rsqrt3A = math.rsqrt %add3A_4 : vector<1024xf32>
    %broadcast_in_dim3A = vector.shape_cast %rsqrt3A : vector<1024xf32> to vector<1024x1xf32>
    %get3A_5 = arith.constant 0 : index
    %get3A_6 = arith.constant 0 : index
    %get3A_7 = arith.constant 0 : index
    %get3A_8 = vector.load %arg2[%get3A_5, %get3A_6, %get3A_7] : memref<2x1024x32xf32, #tpu.memory_space<vmem>>, vector<1x1024x32xf32>
    %get3A_9 = vector.shape_cast %get3A_8 : vector<1x1024x32xf32> to vector<1024x32xf32>
    %get3A_10 = arith.constant 1 : index
    %get3A_11 = arith.constant 0 : index
    %get3A_12 = arith.constant 0 : index
    %get3A_13 = vector.load %arg2[%get3A_10, %get3A_11, %get3A_12] : memref<2x1024x32xf32, #tpu.memory_space<vmem>>, vector<1x1024x32xf32>
    %get3A_14 = vector.shape_cast %get3A_13 : vector<1x1024x32xf32> to vector<1024x32xf32>
    %get3A_15 = arith.constant 0 : index
    %get3A_16 = arith.constant 0 : index
    %get3A_17 = arith.constant 0 : index
    %get3A_18 = vector.load %arg3[%get3A_15, %get3A_16, %get3A_17] : memref<2x1024x32xf32, #tpu.memory_space<vmem>>, vector<1x1024x32xf32>
    %get3A_19 = vector.shape_cast %get3A_18 : vector<1x1024x32xf32> to vector<1024x32xf32>
    %get3A_20 = arith.constant 1 : index
    %get3A_21 = arith.constant 0 : index
    %get3A_22 = arith.constant 0 : index
    %get3A_23 = vector.load %arg3[%get3A_20, %get3A_21, %get3A_22] : memref<2x1024x32xf32, #tpu.memory_space<vmem>>, vector<1x1024x32xf32>
    %get3A_24 = vector.shape_cast %get3A_23 : vector<1x1024x32xf32> to vector<1024x32xf32>
    %concatenate3A = tpu.concatenate %get3A_9, %get3A_14, %get3A_19, %get3A_24 in 1 : vector<1024x32xf32>, vector<1024x32xf32>, vector<1024x32xf32>, vector<1024x32xf32> -> vector<1024x128xf32>
    %get3A_25 = arith.constant 0 : index
    %get3A_26 = arith.constant 0 : index
    %get3A_27 = vector.load %arg1[%get3A_25, %get3A_26] : memref<1024x128xf32, #tpu.memory_space<vmem>>, vector<1024x128xf32>
    %mul3A = vector.broadcast %broadcast_in_dim3A : vector<1024x1xf32> to vector<1024x128xf32>
    %mul3A_28 = arith.mulf %mul3A, %get3A_27 : vector<1024x128xf32>
    %add3A_29 = arith.addf %concatenate3A, %mul3A_28 : vector<1024x128xf32>
    %mul3A_30 = vector.broadcast %broadcast_in_dim3A : vector<1024x1xf32> to vector<1024x128xf32>
    %mul3A_31 = arith.mulf %mul3A_30, %add3A_29 : vector<1024x128xf32>
    %get3A_32 = arith.constant 0 : index
    %get3A_33 = arith.constant 0 : index
    %get3A_34 = vector.load %arg5[%get3A_32, %get3A_33] : memref<1x128xf32, #tpu.memory_space<vmem>>, vector<1x128xf32>
    %add3A_35 = vector.broadcast %get3A_34 : vector<1x128xf32> to vector<1024x128xf32>
    %add3A_36 = arith.addf %mul3A_31, %add3A_35 : vector<1024x128xf32>
    %max3A = arith.constant 0.000000e+00 : f32
    %max3A_37 = vector.broadcast %max3A : f32 to vector<1024x128xf32>
    %max3A_38 = arith.maximumf %add3A_36, %max3A_37 : vector<1024x128xf32>
    %swap3A = arith.constant 0 : index
    %swap3A_39 = arith.constant 0 : index
    %swap3A_40 = vector.load %arg6[%swap3A, %swap3A_39] : memref<1024x128xf32, #tpu.memory_space<vmem>>, vector<1024x128xf32>
    tpu.vector_store %arg6[%swap3A, %swap3A_39], %max3A_38 {strides = array<i32>} : memref<1024x128xf32, #tpu.memory_space<vmem>>, vector<1024x128xf32>,
    return
  }
  func.func @transform_0(%arg0: i32) -> (i32, i32) {
    %c0_i32 = arith.constant 0 : i32
    %c0_i32_0 = arith.constant 0 : i32
    return %arg0, %c0_i32 : i32, i32
  }
  func.func @transform_1(%arg0: i32) -> (i32, i32, i32) {
    %c0_i32 = arith.constant 0 : i32
    %c0_i32_0 = arith.constant 0 : i32
    %c0_i32_1 = arith.constant 0 : i32
    return %c0_i32, %arg0, %c0_i32_0 : i32, i32, i32
  }
  func.func @transform_2(%arg0: i32) -> (i32, i32, i32) {
    %c0_i32 = arith.constant 0 : i32
    %c0_i32_0 = arith.constant 0 : i32
    %c0_i32_1 = arith.constant 0 : i32
    return %c0_i32, %arg0, %c0_i32_0 : i32, i32, i32
  }
  func.func @transform_3(%arg0: i32) -> (i32, i32) {
    %c0_i32 = arith.constant 0 : i32
    %c0_i32_0 = arith.constant 0 : i32
    return %c0_i32, %arg0 : i32, i32
  }
  func.func @transform_4(%arg0: i32) -> (i32, i32) {
    %c0_i32 = arith.constant 0 : i32
    %c0_i32_0 = arith.constant 0 : i32
    %c0_i32_1 = arith.constant 0 : i32
    return %c0_i32, %c0_i32_0 : i32, i32
  }
  func.func @transform_5(%arg0: i32) -> (i32, i32) {
    %c0_i32 = arith.constant 0 : i32
    %c0_i32_0 = arith.constant 0 : i32
    return %arg0, %c0_i32 : i32, i32
  }
}

</mosaic_0001>

<sc_bundles>
// kernel: kernel.11.cloned.1.call-start
scs
__scs_entry_jumppad:
0x0: {  	(pc) =	sbr.rel $0x88, $3  }
0x1: {  	(tag) =	ssettag $0x0;
	lr =	simm.s32 $0x1  }
0x2: {  	[smem:$0x3F99] =	sst lr;
	_ =	strace $0xD0000000  }
0x3: {  	_ = 	snop  }
0x4: {  	_ = 	snop  }
0x5: {  	_ = 	snop  }
0x6: {  	_ = 	snop  }
0x7: {  	_ = 	snop  }
__scs_overlays_trampoline_lowered:
0x8: {  	[smem:$0x3FA8] =	sst s0  }
0x9: {  	[smem:$0x3FA9] =	sst s1  }
0xa: {  	[smem:$0x3FAA] =	sst s2  }
0xb: {  	[smem:$0x3FAB] =	sst s3  }
0xc: {  	[smem:$0x3FAC] =	sst s4  }
0xd: {  	[smem:$0x3FAD] =	sst s5  }
0xe: {  	[smem:$0x3FAE] =	sst s6  }
0xf: {  	[smem:$0x3FAF] =	sst s7  }
0x10: {  	[smem:$0x3FB0] =	sst s8  }
0x11: {  	[smem:$0x3FB1] =	sst s9;
	s0 =	simm.s32 @!p0 $0x0  }
0x12: {  	s1 =	sld [smem:$0x3F97];
	s0 =	simm.s32 @p0 $0x1  }
0x13: {  	[smem:$0x3FB2] =	sst s0;
	s0 =	simm.s32 @!p1 $0x0  }
0x14: {  	s2 =	sld [smem:$0x3F96];
	s0 =	simm.s32 @p1 $0x1  }
0x15: {  	[smem:$0x3FB3] =	sst s0;
	s0 =	simm.s32 @!p2 $0x0  }
0x16: {  	s3 =	sld [smem:$0x3FDB];
	s0 =	simm.s32 @p2 $0x1  }
0x17: {  	s4 =	simm.s32 $0x1BF5;
	[smem:$0x3FB5] =	sst s0  }
0x18: {  	s0 =	sld [smem:$0x3F98];
	_ =	swait.ge [sflag:s4], $0x0  }
0x19: {  	s7 =	sld [smem:$0x3F99]  }
0x1a: {  	s8 =	sadd.s32 $0xFFFFE003, lr  }
0x1b: {  	s9 =	sadd.s32 $0xFFFFFEF7, lr;
	s5 =	simm.s32 $0xFFFFFFFF;
	p2 =	slt.u32 s8, $0xFFFFF086  }
0x1c: {  	p1 =	slt.u32 s9, $0xF7A;
	s5 =	simm.s32 @!p2 $0x0  }
0x1d: {  	s5 =	simm.s32 @p1 $0x1;
	p0 =	seq.s32 s7, s2  }
0x1e: {  	s7 =	smul.u32 @!p0 $0xF7A, s2;
	p2 =	seq.s32 @!p0 s5, $0x0  }
0x1f: {  	s9 =	smul.u32 $0xF7A, s1;
	s8 =	simm.s32 @!p0 $0x1BF5;
	p2 =	por !p2, p0  }
0x20: {  	[sflag:s8] =	ssyncset.s32 @!p0 $0xFFFFF086;
	s6 =	sadd.s32 @!p0 s3, s7;
	s7 =	simm.s32 @!p0 $0x108  }
0x21: {  	s3 =	sadd.s32 s3, s9;
	s6 =	sadd.s32 @!p0 $0x88, s6;
	s7 =	simm.s32 @p2 $0x1082  }
0x22: {  	[simem:s7], [sflag:s8] =	dma.local @!p0 [hbm:s6], $0xF7A  }
0x23: {  	s9 =	sor.u32 $0xD0000000, s2;
	s6 =	simm.s32 $0x108;
	_ =	swait.ge @!p0 [sflag:s8], $0x0  }
0x24: {  	s3 =	sadd.s32 $0x88, s3;
	s6 =	simm.s32 @!p1 $0x1082;
	[sflag:s4] =	ssyncset.s32 $0xFFFFF086  }
0x25: {  	[simem:s6], [sflag:s4] =	dma.local [hbm:s3], $0xF7A  }
0x26: {  	[smem:$0x3F99] =	sst s1;
	(tag) =	ssettag s2;
	_ =	strace s9  }
0x27: {  	s1 =	sld [smem:$0x3FA9]  }
0x28: {  	s2 =	sld [smem:$0x3FAA]  }
0x29: {  	s4 =	sld [smem:$0x3FAC]  }
0x2a: {  	p0 =	seq.s32 s5, $0x0;
	s5 =	sld [smem:$0x3FAD]  }
0x2b: {  	s6 =	sld [smem:$0x3FAE]  }
0x2c: {  	s7 =	sld [smem:$0x3FAF]  }
0x2d: {  	s3 =	simm.s32 $0x108;
	s8 =	sld [smem:$0x3FB0]  }
0x2e: {  	s3 =	simm.s32 @!p0 $0x1082;
	s9 =	sld [smem:$0x3FB1]  }
0x2f: {  	lr =	sadd.s32 s0, s3;
	s0 =	sld [smem:$0x3FA8]  }
0x30: {  	s3 =	sld [smem:$0x3FAB]  }
0x31: {  	[smem:$0x3FB4] =	sst s10  }
0x32: {  	s10 =	sld [smem:$0x3FB2];
	_ =	sdelay $0x3  }
0x33: {  	p0 =	seq.s32 s10, $0x1;
	s10 =	sld [smem:$0x3FB4];
	_ =	sdelay $0x3  }
0x34: {  	[smem:$0x3FB4] =	sst s10  }
0x35: {  	s10 =	sld [smem:$0x3FB3];
	_ =	sdelay $0x3  }
0x36: {  	p1 =	seq.s32 s10, $0x1;
	s10 =	sld [smem:$0x3FB4];
	_ =	sdelay $0x3  }
0x37: {  	[smem:$0x3FB4] =	sst s10  }
0x38: {  	s10 =	sld [smem:$0x3FB5]  }
0x39: {  	_ = 	snop;
	(pc) =	sbr.ind lr, $3  }
0x3a: {  	_ = 	snop  }
0x3b: {  	_ = 	snop  }
0x3c: {  	p2 =	seq.s32 s10, $0x1;
	s10 =	sld [smem:$0x3FB4]  }
0x3d: {  	_ =	shalt  }
0x3e: {  	_ =	shalt  }
0x3f: {  	_ =	shalt  }
0x40: {  	_ =	shalt  }
0x41: {  	_ =	shalt  }
0x42: {  	_ =	shalt  }
0x43: {  	_ =	shalt  }
0x44: {  	_ =	shalt  }
0x45: {  	_ =	shalt  }
0x46: {  	_ =	shalt  }
0x47: {  	_ =	shalt  }
0x48: {  	_ =	shalt  }
0x49: {  	_ =	shalt  }
0x4a: {  	_ =	shalt  }
0x4b: {  	_ =	shalt  }
0x4c: {  	_ =	shalt  }
0x4d: {  	_ =	shalt  }
0x4e: {  	_ =	shalt  }
0x4f: {  	_ =	shalt  }
0x50: {  	_ =	shalt  }
0x51: {  	_ =	shalt  }
0x52: {  	_ =	shalt  }
0x53: {  	_ =	shalt  }
0x54: {  	_ =	shalt  }
0x55: {  	_ =	shalt  }
0x56: {  	_ =	shalt  }
0x57: {  	_ =	shalt  }
0x58: {  	_ =	shalt  }
0x59: {  	_ =	shalt  }
0x5a: {  	_ =	shalt  }
0x5b: {  	_ =	shalt  }
0x5c: {  	_ =	shalt  }
0x5d: {  	_ =	shalt  }
0x5e: {  	_ =	shalt  }
0x5f: {  	_ =	shalt  }
0x60: {  	_ =	shalt  }
0x61: {  	_ =	shalt  }
0x62: {  	_ =	shalt  }
0x63: {  	_ =	shalt  }
0x64: {  	_ =	shalt  }
0x65: {  	_ =	shalt  }
0x66: {  	_ =	shalt  }
0x67: {  	_ =	shalt  }
0x68: {  	_ =	shalt  }
0x69: {  	_ =	shalt  }
0x6a: {  	_ =	shalt  }
0x6b: {  	_ =	shalt  }
0x6c: {  	_ =	shalt  }
0x6d: {  	_ =	shalt  }
0x6e: {  	_ =	shalt  }
0x6f: {  	_ =	shalt  }
0x70: {  	_ =	shalt  }
0x71: {  	_ =	shalt  }
0x72: {  	_ =	shalt  }
0x73: {  	_ =	shalt  }
0x74: {  	_ =	shalt  }
0x75: {  	_ =	shalt  }
0x76: {  	_ =	shalt  }
0x77: {  	_ =	shalt  }
0x78: {  	_ =	shalt  }
0x79: {  	_ =	shalt  }
0x7a: {  	_ =	shalt  }
0x7b: {  	_ =	shalt  }
0x7c: {  	_ =	shalt  }
0x7d: {  	_ =	shalt  }
0x7e: {  	_ =	shalt  }
0x7f: {  	_ =	shalt  }
0x80: {  	_ =	shalt  }
0x81: {  	_ =	shalt  }
0x82: {  	_ =	shalt  }
0x83: {  	_ =	shalt  }
0x84: {  	_ =	shalt  }
0x85: {  	_ =	shalt  }
0x86: {  	_ =	shalt  }
0x87: {  	_ =	shalt  }
.Lfunc_end0:
.L_simem_size_0:
called_computation_lowered:
.L_overlay_start_0:
0x88: {  	s2 =	sld [smem:$0x3FD9]  }
0x89: {  	s3 =	sld [smem:$0x3FFE];
	_ =	sdelay $0x1  }
0x8a: {  	s1 =	srdreg.scid  }
0x8b: {  	s0 =	sand.u32 $0x1, s1  }
0x8c: {  	s17 =	sshll.u32 s0, $0xA;
	s2 =	sadd.s32 s3, s2  }
0x8d: {  	s2 =	sadd.s32 s2, s17  }
0x8e: {  	[smem:$0x3FC0] =	sst s2  }
0x8f: {  	_ = 	snop  }
0x90: {  	s2 =	sld [smem:$0x3FD0];
	(tm) =	ssettm $0x1  }
0x91: {  	s18 =	sld [smem:$0x3FFB];
	_ =	sdelay $0x3  }
0x92: {  	_ =	strace s18  }
0x93: {  	s3 =	sld [smem:$0x3FFC];
	_ =	sdelay $0x3  }
0x94: {  	_ =	strace s3  }
0x95: {  	s3 =	sld [smem:$0x3FFD];
	_ =	sdelay $0x3  }
0x96: {  	_ =	strace s3  }
0x97: {  	_ =	strace $0x8FFFFFFF  }
0x98: {  	s19 =	sld [smem:$0x3FDB];
	_ =	sdelay $0x1  }
0x99: {  	s4 =	simm.s32 $_scs_section_size  }
0x9a: {  	s5 =	simm.s32 $_size__tile_overlayer_lowered;
	s6 =	simm.s32 $_tile_overlayer_lowered  }
0x9b: {  	s22 =	simm.s32 $0x1BFF;
	s21 =	sshll.u32 s6, $0x1;
	s3 =	sadd.s32 s4, s19  }
0x9c: {  	s7 =	simm.s32 $0x0;
	s20 =	sshll.u32 s5, $0x1;
	s5 =	sadd.s32 s21, s3  }
0x9d: {  	[timem:s7], [sflag:s22] =	dma.local [hbm:s5], s20  }
0x9e: {  	_ =	swait.ge [sflag:s22], s20  }
0x9f: {  	s4 =	ssub.s32 $0x0, s20;
	[sflag:s22] =	ssyncset.done $0x0  }
0xa0: {  	[sflag:s22] =	ssyncadd.s32 s4;
	_ =	sdelay $0x1  }
0xa1: {  	s23 =	simm.s32 $0x1B8B  }
0xa2: {  	_ =	swait.ge [sflag:s23], $0x1  }
0xa3: {  	[sflag:s23] =	ssyncset.done $0x0  }
0xa4: {  	s25 =	simm.s32 $0x1B8E;
	s24 =	sld [smem:$0x3FFE];
	[sflag:s23] =	ssyncadd.s32 $0xFFFFFFFF  }
0xa5: {  	s26 =	simm.s32 $execute0_lowered;
	[smem:$0x3FD2] =	sst s25  }
0xa6: {  	s5 =	sshll.u32 s26, $0x1;
	_ =	strace $0x80000046;
	[dreg:$0x1] =	wrdreg $0xFFFFFFFF  }
0xa7: {  	s28 =	simm.s32 $_size_execute0_lowered;
	s3 =	sadd.s32 s3, s5;
	[dreg:$0x0] =	wrdreg $0x0  }
0xa8: {  	s5 =	sshll.u32 s28, $0x1;
	[dreg:$0x2] =	wrdreg s3  }
0xa9: {  	[dreg:$0x3] =	wrdreg s5  }
0xaa: {  	[dreg:$0x4] =	wrdreg $0xC0  }
0xab: {  	_ =	task [dreg:s7], $0x5FFFF  }
0xac: {  	[dreg:$0x1] =	wrdreg $0xFFFFFFFF  }
0xad: {  	[dreg:$0x0] =	wrdreg $0x60  }
0xae: {  	[dreg:$0x2] =	wrdreg s24  }
0xaf: {  	[dreg:$0x3] =	wrdreg s2  }
0xb0: {  	[dreg:$0x4] =	wrdreg $0x9  }
0xb1: {  	_ =	task.clear_ibuf [dreg:s7], $0x5FFFF;
	_ =	strace $0x90000046  }
0xb2: {  	s29 =	simm.s32 $0x9;
	_ =	strace $0x80000048  }
0xb3: {  	_ =	swait.ge [sflag:s29], $0x1  }
0xb4: {  	[sflag:s29] =	ssyncadd.s32 $0xFFFFFFFF  }
0xb5: {  	_ =	strace $0x90000048  }
0xb6: {  	_ =	sfence  }
0xb7: {  	s30 =	sld [smem:$0x0];
	_ =	sdelay $0x2  }
0xb8: {  	s31 =	sshll.u32 s1, $0xD;
	s1 =	sshrl.u32 s1, $0x2  }
0xb9: {  	s3 =	sand.u32 $0x4000, s31;
	s1 =	sadd.s32 s1, s30  }
0xba: {  	s0 =	sor.u32 s3, s0;
	s1 =	sshll.u32 s1, $0x11  }
0xbb: {  	s0 =	sor.u32 s1, s0  }
0xbc: {  	s0 =	sadd.s32 $0x8F2B, s0  }
0xbd: {  	[sflag:s0] =	ssyncadd.remote.s32 $0x1  }
0xbe: {  	_ =	sfence.sel $0xFFFF  }
0xbf: {  	[dreg:$0x0] =	wrdreg $0xFFFFFFFF;
	(pc) =	sbr.abs _section_cstart, $3  }
0xc0: {  	[dreg:$0x1] =	wrdreg $0xFFFFFFFF  }
0xc1: {  	_ =	task.clear_ibuf [dreg:s7], $0x2FFFF;
	_ =	strace $0x9FFFFFFF  }
0xc2: {  	(tm) =	ssettm $0x7FFFFFFF  }
0xc3: {  	_ =	shalt  }
tec
execute0_lowered:
.L_overlay_start_1:
0x0: {  	(tag) =	ssettag $0x1  }
0x1: {  	s3 =	rddreg [dreg:$0x0];
	s1 =	srdreg.scid  }
0x2: {  	s0 =	stileid.u32;
	s4 =	rddreg [dreg:$0x1]  }
0x3: {  	s8 =	simm.s32 $0x0;
	s5 =	sand.u32 $0x1, s1;
	s2 =	sshll.u32 s0, $0x1  }
0x4: {  	s6 =	sor.u32 s5, s2;
	s2 =	simm.s32 $0x0;
	s5 =	ssub.s32 $0x2, s5  }
0x5: {  	s6 =	smul.u32 $0x500, s6;
	[smem:$0x7FF] =	sst s2;
	s7 =	sshrl.u32 s5, $0x1  }
0x6: {  	s1 =	rddreg [dreg:$0x2];
	_ =	strace $0x80000047;
	s5 =	ssub.s32 s5, s7  }
0x7: {  	s7 =	simm.s32 $0x2800;
	s3 =	sadd.s32 s6, s3;
	s4 =	sadd.s32 s4, s6  }
0x8: {  	v0 =	vimm.f32 $0.0e+00;
	v1 =	vimm.f32 $1.000000000e+00;
	s5 =	smax.u32 s5, $0x1;
	s6 =	simm.s32 $0x1;
	s3 =	sadd.s32 $0x3200, s3  }
.LBB2_1:
0x9: {  	s9 =	simm.s32 $0x40;
	s10 =	simm.s32 $0x0  }
.LBB2_2:
0xa: {  	p0 =	sne.s32 s9, $0x9FC0;
	[tilespmem:s10+$0x2800] =	vst v0;
	s10 =	smov.u32 s9;
	s9 =	sadd.s32 $0x40, s9  }
.Ltmp0:
0xb: {  	(pc) =	sbr.rel @p0 .LBB2_2-.Ltmp0, $2  }
0xc: {  	_ =	sdelay $0x2  }
0xd: {  	s10 =	sshra.s32 s10, $0x2  }
0xe: {  	[tilespmem:s10+$0x2800] =	vst v0;
	s9 =	simm.s32 $0x0  }
0xf: {  	[tilespmem:s9], [sflag:$0x1] =	stream.linear.gather [hbm4b:s3+s9], $0x2800, $0x38;
	[tilespmem:$0x5000] =	vst v63  }
0x10: {  	_ =	swait.ge [sflag:s6], $0x2800  }
0x11: {  	[sflag:s6] =	ssyncset.done $0x0  }
0x12: {  	[sflag:s6] =	ssyncadd.s32 $0xFFFFD800  }
.LBB2_4:
0x13: {  	s10 =	sshra.s32 s9, $0x2  }
0x14: {  	v2 =	vld [tilespmem:s10+$0x0];
	_ =	sdelay $0x7  }
0x15: {  	[tilespmem:v2+s7+$0x0] =	vst.idx.add.f32.msk $0xffff, v1  }
0x16: {  	v2 =	vld [tilespmem:s10+$0x10];
	_ =	sdelay $0x7  }
0x17: {  	[tilespmem:v2+s7+$0x0] =	vst.idx.add.f32.msk $0xffff, v1  }
0x18: {  	v2 =	vld [tilespmem:s10+$0x20];
	_ =	sdelay $0x7  }
0x19: {  	[tilespmem:v2+s7+$0x0] =	vst.idx.add.f32.msk $0xffff, v1  }
0x1a: {  	v2 =	vld [tilespmem:s10+$0x30];
	_ =	sdelay $0x7  }
0x1b: {  	[tilespmem:v2+s7+$0x0] =	vst.idx.add.f32.msk $0xffff, v1  }
0x1c: {  	v2 =	vld [tilespmem:s10+$0x40];
	_ =	sdelay $0x7  }
0x1d: {  	[tilespmem:v2+s7+$0x0] =	vst.idx.add.f32.msk $0xffff, v1  }
0x1e: {  	v2 =	vld [tilespmem:s10+$0x50];
	_ =	sdelay $0x7  }
0x1f: {  	[tilespmem:v2+s7+$0x0] =	vst.idx.add.f32.msk $0xffff, v1  }
0x20: {  	v2 =	vld [tilespmem:s10+$0x60];
	_ =	sdelay $0x7  }
0x21: {  	[tilespmem:v2+s7+$0x0] =	vst.idx.add.f32.msk $0xffff, v1  }
0x22: {  	v2 =	vld [tilespmem:s10+$0x70];
	_ =	sdelay $0x2  }
0x23: {  	p0 =	sne.s32 s9, $0x9E00  }
.Ltmp1:
0x24: {  	_ = 	snop;
	(pc) =	sbr.rel @p0 .LBB2_4-.Ltmp1, $2  }
0x25: {  	_ =	sdelay $0x2  }
0x26: {  	s9 =	sadd.s32 $0x200, s9;
	[tilespmem:v2+s7+$0x0] =	vst.idx.add.f32.msk $0xffff, v1  }
0x27: {  	s8 =	sadd.s32 $0x1, s8  }
0x28: {  	p0 =	sne.s32 s8, s5  }
.Ltmp2:
0x29: {  	_ = 	snop;
	(pc) =	sbr.rel @p0 .LBB2_1-.Ltmp2, $4  }
0x2a: {  	[hbm4b:s4+s2] =	stream.linear.scatter [tilespmem:s7], [sflag:$0x1], $0x2800, $0x38;
	[tilespmem:$0x5000] =	vst v63  }
0x2b: {  	_ =	swait.ge [sflag:s6], $0x2800  }
0x2c: {  	[sflag:s6] =	ssyncset.done $0x0  }
0x2d: {  	[sflag:s6] =	ssyncadd.s32 $0xFFFFD800  }
0x2e: {  	_ =	sfence.sel $0x180000  }
0x2f: {  	[bflag:$0x0] =	sbarrier.arrive $0xFFFF  }
0x30: {  	p0 =	sne.s32 s0, $0x0;
	_ =	strace $0x90000047  }
0x31: {  	s0 =	sadd.s32 @!p0 $0x100000, s1;
	[bflag:$0x2] =	sbarrier.arrive $0xFFFF  }
0x32: {  	[sflag:s0] =	ssyncadd.tile.s32 @!p0 $0x1;
	_ =	shalt  }
.Lfunc_end2:
_tile_overlayer_lowered:
.L_overlay_start_2:
0x33: {  	(tag) =	ssettag $0x2  }
0x34: {  	s0 =	rddreg [dreg:$0x0];
	s2 =	stileid.u32  }
0x35: {  	s1 =	rddreg [dreg:$0x1];
	p0 =	sne.s32 s2, $0x0  }
0x36: {  	s3 =	rddreg [dreg:$0x2];
	[bflag:$0x3] =	sbarrier.arrive $0xFFFF;
	s2 =	simm.s32 @!p0 $0x1C01  }
0x37: {  	[timem:s3], [sflag:s2] =	dma.local @!p0 [hbm:s0], s1  }
0x38: {  	s0 =	simm.s32 @!p0 $0x1  }
0x39: {  	_ =	swait.ge @!p0 [sflag:s0], s1  }
0x3a: {  	s1 =	ssub.s32 @!p0 $0x0, s1;
	[sflag:s0] =	ssyncset.done @!p0 $0x0  }
0x3b: {  	[sflag:s0] =	ssyncadd.s32 @!p0 s1  }
0x3c: {  	[bflag:$0x3] =	sbarrier.arrive $0xFFFF  }
0x3d: {  	_ =	shalt  }

// kernel: kernel.14.cloned.1.call-start
scs
__scs_entry_jumppad:
0x0: {  	(pc) =	sbr.rel $0x88, $3  }
0x1: {  	(tag) =	ssettag $0x0;
	lr =	simm.s32 $0x1  }
0x2: {  	[smem:$0x3F99] =	sst lr;
	_ =	strace $0xD0000000  }
0x3: {  	_ = 	snop  }
0x4: {  	_ = 	snop  }
0x5: {  	_ = 	snop  }
0x6: {  	_ = 	snop  }
0x7: {  	_ = 	snop  }
__scs_overlays_trampoline_lowered:
0x8: {  	[smem:$0x3FA8] =	sst s0  }
0x9: {  	[smem:$0x3FA9] =	sst s1  }
0xa: {  	[smem:$0x3FAA] =	sst s2  }
0xb: {  	[smem:$0x3FAB] =	sst s3  }
0xc: {  	[smem:$0x3FAC] =	sst s4  }
0xd: {  	[smem:$0x3FAD] =	sst s5  }
0xe: {  	[smem:$0x3FAE] =	sst s6  }
0xf: {  	[smem:$0x3FAF] =	sst s7  }
0x10: {  	[smem:$0x3FB0] =	sst s8  }
0x11: {  	[smem:$0x3FB1] =	sst s9;
	s0 =	simm.s32 @!p0 $0x0  }
0x12: {  	s1 =	sld [smem:$0x3F97];
	s0 =	simm.s32 @p0 $0x1  }
0x13: {  	[smem:$0x3FB2] =	sst s0;
	s0 =	simm.s32 @!p1 $0x0  }
0x14: {  	s2 =	sld [smem:$0x3F96];
	s0 =	simm.s32 @p1 $0x1  }
0x15: {  	[smem:$0x3FB3] =	sst s0;
	s0 =	simm.s32 @!p2 $0x0  }
0x16: {  	s3 =	sld [smem:$0x3FDB];
	s0 =	simm.s32 @p2 $0x1  }
0x17: {  	s4 =	simm.s32 $0x1BF5;
	[smem:$0x3FB5] =	sst s0  }
0x18: {  	s0 =	sld [smem:$0x3F98];
	_ =	swait.ge [sflag:s4], $0x0  }
0x19: {  	s7 =	sld [smem:$0x3F99]  }
0x1a: {  	s8 =	sadd.s32 $0xFFFFE003, lr  }
0x1b: {  	s9 =	sadd.s32 $0xFFFFFEF7, lr;
	s5 =	simm.s32 $0xFFFFFFFF;
	p2 =	slt.u32 s8, $0xFFFFF086  }
0x1c: {  	p1 =	slt.u32 s9, $0xF7A;
	s5 =	simm.s32 @!p2 $0x0  }
0x1d: {  	s5 =	simm.s32 @p1 $0x1;
	p0 =	seq.s32 s7, s2  }
0x1e: {  	s7 =	smul.u32 @!p0 $0xF7A, s2;
	p2 =	seq.s32 @!p0 s5, $0x0  }
0x1f: {  	s9 =	smul.u32 $0xF7A, s1;
	s8 =	simm.s32 @!p0 $0x1BF5;
	p2 =	por !p2, p0  }
0x20: {  	[sflag:s8] =	ssyncset.s32 @!p0 $0xFFFFF086;
	s6 =	sadd.s32 @!p0 s3, s7;
	s7 =	simm.s32 @!p0 $0x108  }
0x21: {  	s3 =	sadd.s32 s3, s9;
	s6 =	sadd.s32 @!p0 $0x88, s6;
	s7 =	simm.s32 @p2 $0x1082  }
0x22: {  	[simem:s7], [sflag:s8] =	dma.local @!p0 [hbm:s6], $0xF7A  }
0x23: {  	s9 =	sor.u32 $0xD0000000, s2;
	s6 =	simm.s32 $0x108;
	_ =	swait.ge @!p0 [sflag:s8], $0x0  }
0x24: {  	s3 =	sadd.s32 $0x88, s3;
	s6 =	simm.s32 @!p1 $0x1082;
	[sflag:s4] =	ssyncset.s32 $0xFFFFF086  }
0x25: {  	[simem:s6], [sflag:s4] =	dma.local [hbm:s3], $0xF7A  }
0x26: {  	[smem:$0x3F99] =	sst s1;
	(tag) =	ssettag s2;
	_ =	strace s9  }
0x27: {  	s1 =	sld [smem:$0x3FA9]  }
0x28: {  	s2 =	sld [smem:$0x3FAA]  }
0x29: {  	s4 =	sld [smem:$0x3FAC]  }
0x2a: {  	p0 =	seq.s32 s5, $0x0;
	s5 =	sld [smem:$0x3FAD]  }
0x2b: {  	s6 =	sld [smem:$0x3FAE]  }
0x2c: {  	s7 =	sld [smem:$0x3FAF]  }
0x2d: {  	s3 =	simm.s32 $0x108;
	s8 =	sld [smem:$0x3FB0]  }
0x2e: {  	s3 =	simm.s32 @!p0 $0x1082;
	s9 =	sld [smem:$0x3FB1]  }
0x2f: {  	lr =	sadd.s32 s0, s3;
	s0 =	sld [smem:$0x3FA8]  }
0x30: {  	s3 =	sld [smem:$0x3FAB]  }
0x31: {  	[smem:$0x3FB4] =	sst s10  }
0x32: {  	s10 =	sld [smem:$0x3FB2];
	_ =	sdelay $0x3  }
0x33: {  	p0 =	seq.s32 s10, $0x1;
	s10 =	sld [smem:$0x3FB4];
	_ =	sdelay $0x3  }
0x34: {  	[smem:$0x3FB4] =	sst s10  }
0x35: {  	s10 =	sld [smem:$0x3FB3];
	_ =	sdelay $0x3  }
0x36: {  	p1 =	seq.s32 s10, $0x1;
	s10 =	sld [smem:$0x3FB4];
	_ =	sdelay $0x3  }
0x37: {  	[smem:$0x3FB4] =	sst s10  }
0x38: {  	s10 =	sld [smem:$0x3FB5]  }
0x39: {  	_ = 	snop;
	(pc) =	sbr.ind lr, $3  }
0x3a: {  	_ = 	snop  }
0x3b: {  	_ = 	snop  }
0x3c: {  	p2 =	seq.s32 s10, $0x1;
	s10 =	sld [smem:$0x3FB4]  }
0x3d: {  	_ =	shalt  }
0x3e: {  	_ =	shalt  }
0x3f: {  	_ =	shalt  }
0x40: {  	_ =	shalt  }
0x41: {  	_ =	shalt  }
0x42: {  	_ =	shalt  }
0x43: {  	_ =	shalt  }
0x44: {  	_ =	shalt  }
0x45: {  	_ =	shalt  }
0x46: {  	_ =	shalt  }
0x47: {  	_ =	shalt  }
0x48: {  	_ =	shalt  }
0x49: {  	_ =	shalt  }
0x4a: {  	_ =	shalt  }
0x4b: {  	_ =	shalt  }
0x4c: {  	_ =	shalt  }
0x4d: {  	_ =	shalt  }
0x4e: {  	_ =	shalt  }
0x4f: {  	_ =	shalt  }
0x50: {  	_ =	shalt  }
0x51: {  	_ =	shalt  }
0x52: {  	_ =	shalt  }
0x53: {  	_ =	shalt  }
0x54: {  	_ =	shalt  }
0x55: {  	_ =	shalt  }
0x56: {  	_ =	shalt  }
0x57: {  	_ =	shalt  }
0x58: {  	_ =	shalt  }
0x59: {  	_ =	shalt  }
0x5a: {  	_ =	shalt  }
0x5b: {  	_ =	shalt  }
0x5c: {  	_ =	shalt  }
0x5d: {  	_ =	shalt  }
0x5e: {  	_ =	shalt  }
0x5f: {  	_ =	shalt  }
0x60: {  	_ =	shalt  }
0x61: {  	_ =	shalt  }
0x62: {  	_ =	shalt  }
0x63: {  	_ =	shalt  }
0x64: {  	_ =	shalt  }
0x65: {  	_ =	shalt  }
0x66: {  	_ =	shalt  }
0x67: {  	_ =	shalt  }
0x68: {  	_ =	shalt  }
0x69: {  	_ =	shalt  }
0x6a: {  	_ =	shalt  }
0x6b: {  	_ =	shalt  }
0x6c: {  	_ =	shalt  }
0x6d: {  	_ =	shalt  }
0x6e: {  	_ =	shalt  }
0x6f: {  	_ =	shalt  }
0x70: {  	_ =	shalt  }
0x71: {  	_ =	shalt  }
0x72: {  	_ =	shalt  }
0x73: {  	_ =	shalt  }
0x74: {  	_ =	shalt  }
0x75: {  	_ =	shalt  }
0x76: {  	_ =	shalt  }
0x77: {  	_ =	shalt  }
0x78: {  	_ =	shalt  }
0x79: {  	_ =	shalt  }
0x7a: {  	_ =	shalt  }
0x7b: {  	_ =	shalt  }
0x7c: {  	_ =	shalt  }
0x7d: {  	_ =	shalt  }
0x7e: {  	_ =	shalt  }
0x7f: {  	_ =	shalt  }
0x80: {  	_ =	shalt  }
0x81: {  	_ =	shalt  }
0x82: {  	_ =	shalt  }
0x83: {  	_ =	shalt  }
0x84: {  	_ =	shalt  }
0x85: {  	_ =	shalt  }
0x86: {  	_ =	shalt  }
0x87: {  	_ =	shalt  }
.Lfunc_end0:
.L_simem_size_0:
called_computation.1_lowered:
.L_overlay_start_0:
0x88: {  	s2 =	sld [smem:$0x3FD9]  }
0x89: {  	s3 =	sld [smem:$0x3FFE];
	_ =	sdelay $0x1  }
0x8a: {  	s1 =	srdreg.scid  }
0x8b: {  	s0 =	sand.u32 $0x1, s1  }
0x8c: {  	s17 =	sshll.u32 s0, $0xA;
	s2 =	sadd.s32 s3, s2  }
0x8d: {  	s2 =	sadd.s32 s2, s17  }
0x8e: {  	[smem:$0x3FC0] =	sst s2  }
0x8f: {  	_ = 	snop  }
0x90: {  	s2 =	sld [smem:$0x3FD0];
	(tm) =	ssettm $0x1  }
0x91: {  	s18 =	sld [smem:$0x3FFB];
	_ =	sdelay $0x3  }
0x92: {  	_ =	strace s18  }
0x93: {  	s3 =	sld [smem:$0x3FFC];
	_ =	sdelay $0x3  }
0x94: {  	_ =	strace s3  }
0x95: {  	s3 =	sld [smem:$0x3FFD];
	_ =	sdelay $0x3  }
0x96: {  	_ =	strace s3  }
0x97: {  	_ =	strace $0x8FFFFFFF  }
0x98: {  	s19 =	sld [smem:$0x3FDB];
	_ =	sdelay $0x1  }
0x99: {  	s4 =	simm.s32 $_scs_section_size  }
0x9a: {  	s5 =	simm.s32 $_size__tile_overlayer_lowered;
	s6 =	simm.s32 $_tile_overlayer_lowered  }
0x9b: {  	s22 =	simm.s32 $0x1BFF;
	s21 =	sshll.u32 s6, $0x1;
	s3 =	sadd.s32 s4, s19  }
0x9c: {  	s7 =	simm.s32 $0x0;
	s20 =	sshll.u32 s5, $0x1;
	s5 =	sadd.s32 s21, s3  }
0x9d: {  	[timem:s7], [sflag:s22] =	dma.local [hbm:s5], s20  }
0x9e: {  	_ =	swait.ge [sflag:s22], s20  }
0x9f: {  	s4 =	ssub.s32 $0x0, s20;
	[sflag:s22] =	ssyncset.done $0x0  }
0xa0: {  	[sflag:s22] =	ssyncadd.s32 s4;
	_ =	sdelay $0x1  }
0xa1: {  	s23 =	simm.s32 $0x1B8B  }
0xa2: {  	_ =	swait.ge [sflag:s23], $0x1  }
0xa3: {  	[sflag:s23] =	ssyncset.done $0x0  }
0xa4: {  	s25 =	simm.s32 $0x1B8E;
	s24 =	sld [smem:$0x3FFE];
	[sflag:s23] =	ssyncadd.s32 $0xFFFFFFFF  }
0xa5: {  	s26 =	simm.s32 $execute0_lowered;
	[smem:$0x3FD2] =	sst s25  }
0xa6: {  	s5 =	sshll.u32 s26, $0x1;
	_ =	strace $0x80000049;
	[dreg:$0x1] =	wrdreg $0xFFFFFFFF  }
0xa7: {  	s28 =	simm.s32 $_size_execute0_lowered;
	s3 =	sadd.s32 s3, s5;
	[dreg:$0x0] =	wrdreg $0x0  }
0xa8: {  	s5 =	sshll.u32 s28, $0x1;
	[dreg:$0x2] =	wrdreg s3  }
0xa9: {  	[dreg:$0x3] =	wrdreg s5  }
0xaa: {  	[dreg:$0x4] =	wrdreg $0xC0  }
0xab: {  	_ =	task [dreg:s7], $0x5FFFF  }
0xac: {  	[dreg:$0x1] =	wrdreg $0xFFFFFFFF  }
0xad: {  	[dreg:$0x0] =	wrdreg $0x60  }
0xae: {  	[dreg:$0x2] =	wrdreg s2  }
0xaf: {  	[dreg:$0x3] =	wrdreg s24  }
0xb0: {  	[dreg:$0x4] =	wrdreg $0xC0000  }
0xb1: {  	[dreg:$0x5] =	wrdreg $0x110000  }
0xb2: {  	[dreg:$0x6] =	wrdreg $0x9  }
0xb3: {  	_ =	task.clear_ibuf [dreg:s7], $0x7FFFF;
	_ =	strace $0x90000049  }
0xb4: {  	s29 =	simm.s32 $0x9;
	_ =	strace $0x8000004B  }
0xb5: {  	_ =	swait.ge [sflag:s29], $0x1  }
0xb6: {  	[sflag:s29] =	ssyncadd.s32 $0xFFFFFFFF  }
0xb7: {  	_ =	strace $0x9000004B  }
0xb8: {  	_ =	sfence  }
0xb9: {  	s30 =	sld [smem:$0x0];
	_ =	sdelay $0x2  }
0xba: {  	s31 =	sshll.u32 s1, $0xD;
	s1 =	sshrl.u32 s1, $0x2  }
0xbb: {  	s3 =	sand.u32 $0x4000, s31;
	s1 =	sadd.s32 s1, s30  }
0xbc: {  	s0 =	sor.u32 s3, s0;
	s1 =	sshll.u32 s1, $0x11  }
0xbd: {  	s0 =	sor.u32 s1, s0  }
0xbe: {  	s0 =	sadd.s32 $0x8F2B, s0  }
0xbf: {  	[sflag:s0] =	ssyncadd.remote.s32 $0x1  }
0xc0: {  	_ =	sfence.sel $0xFFFF  }
0xc1: {  	[dreg:$0x0] =	wrdreg $0xFFFFFFFF;
	(pc) =	sbr.abs _section_cstart, $3  }
0xc2: {  	[dreg:$0x1] =	wrdreg $0xFFFFFFFF  }
0xc3: {  	_ =	task.clear_ibuf [dreg:s7], $0x2FFFF;
	_ =	strace $0x9FFFFFFF  }
0xc4: {  	(tm) =	ssettm $0x7FFFFFFF  }
0xc5: {  	_ =	shalt  }
tec
execute0_lowered:
.L_overlay_start_1:
0x0: {  	(tag) =	ssettag $0x1  }
0x1: {  	s0 =	rddreg [dreg:$0x0]  }
0x2: {  	s1 =	rddreg [dreg:$0x1]  }
0x3: {  	s2 =	rddreg [dreg:$0x2];
	s8 =	stileid.u32  }
0x4: {  	s4 =	srdreg.scid;
	s3 =	rddreg [dreg:$0x3]  }
0x5: {  	s22 =	simm.s32 $0xA000;
	s28 =	simm.s32 $0x2;
	s31 =	simm.s32 $0x9F80  }
0x6: {  	s5 =	smul.u32 $0xA00, s8;
	s6 =	sand.u32 $0x1, s4;
	s4 =	simm.s32 $0x0  }
0x7: {  	s11 =	smul.u32 $0x5000, s8;
	s24 =	sshll.u32 s8, $0x6;
	[smem:$0x7FF] =	sst s4  }
0x8: {  	s16 =	smul.u32 $0x50000, s6;
	s23 =	ssub.s32 $0x2, s6;
	_ =	strace $0x8000004A  }
0x9: {  	s13 =	sadd.s32 s5, s1;
	s1 =	sadd.s32 $0x17200, s1;
	s6 =	sshrl.u32 s23, $0x1  }
0xa: {  	s20 =	sadd.s32 s11, s2;
	s25 =	sadd.s32 $0x1000, s11;
	s17 =	sadd.s32 $0x2000, s11  }
0xb: {  	s18 =	sadd.s32 $0x3000, s11;
	s21 =	sadd.s32 $0x4000, s11;
	s7 =	sadd.s32 s11, s16  }
0xc: {  	s19 =	ssub.s32 s23, s6;
	s6 =	sor.u32 $0x1C03, s24;
	s8 =	sadd.s32 s25, s3  }
0xd: {  	s9 =	sadd.s32 s17, s3;
	s10 =	sadd.s32 s18, s3;
	s12 =	sadd.s32 $0xD200, s13  }
0xe: {  	s13 =	sadd.s32 $0x3200, s13;
	s26 =	sadd.s32 s16, s17;
	s29 =	sadd.s32 s16, s18  }
0xf: {  	s20 =	sshrl.u32 s20, $0x3;
	s24 =	simm.s32 $0x80;
	s14 =	sshrl.u32 s7, $0x3  }
0x10: {  	s7 =	sadd.s32 s11, s3;
	s11 =	sadd.s32 s21, s3;
	s17 =	sshrl.u32 s29, $0x3  }
0x11: {  	s19 =	smax.u32 s19, $0x1;
	s5 =	sadd.s32 s0, s14;
	s0 =	sadd.s32 s16, s25  }
0x12: {  	s14 =	sadd.s32 s1, s14;
	s16 =	sadd.s32 s16, s21;
	s17 =	sadd.s32 s1, s17  }
0x13: {  	s21 =	simm.s32 $0x3;
	s25 =	simm.s32 $0xB000;
	s0 =	sshrl.u32 s0, $0x3  }
0x14: {  	s30 =	sshrl.u32 s16, $0x3;
	s15 =	sadd.s32 s1, s0;
	s0 =	sshrl.u32 s26, $0x3  }
0x15: {  	v0 =	vimm.f32 $0.0e+00;
	s18 =	sadd.s32 s1, s30;
	s26 =	simm.s32 $0x1;
	s16 =	sadd.s32 s1, s0  }
.LBB2_1:
0x16: {  	s1 =	simm.s32 $0x80;
	s0 =	simm.s32 $0x0  }
.LBB2_2:
0x17: {  	p0 =	sne.s32 s1, $0x3F80;
	[tilespmem:s0+$0xA000] =	vst v0;
	s23 =	smov.u32 s1;
	s1 =	sadd.s32 $0x80, s1  }
.Ltmp0:
0x18: {  	[tilespmem:s0+$0xA010] =	vst v0;
	(pc) =	sbr.rel @p0 .LBB2_2-.Ltmp0, $2  }
0x19: {  	_ =	sdelay $0x2  }
0x1a: {  	s0 =	sshra.s32 s23, $0x2  }
0x1b: {  	[tilespmem:s0+$0xA000] =	vst v0  }
0x1c: {  	[tilespmem:s0+$0xA010] =	vst v0  }
0x1d: {  	[spmem:s20], [sflag:s6] =	dma.local [hbm:s5], $0xA00  }
0x1e: {  	_ =	swait.ge [sflag:s21], $0xA00  }
0x1f: {  	[sflag:s21] =	ssyncset.done $0x0  }
0x20: {  	[sflag:s21] =	ssyncadd.s32 $0xFFFFF600  }
0x21: {  	[spmem:s7] =	stream.linear.scatter [tilespmem:s22], [sflag:$0x3], $0x1000, $0x38;
	[tilespmem:$0x16000] =	vst v63  }
0x22: {  	_ =	swait.ge [sflag:s21], $0x1000  }
0x23: {  	[sflag:s21] =	ssyncset.done $0x0  }
0x24: {  	[sflag:s21] =	ssyncadd.s32 $0xFFFFF000  }
0x25: {  	[spmem:s8] =	stream.linear.scatter [tilespmem:s22], [sflag:$0x3], $0x1000, $0x38;
	[tilespmem:$0x16000] =	vst v63  }
0x26: {  	_ =	swait.ge [sflag:s21], $0x1000  }
0x27: {  	[sflag:s21] =	ssyncset.done $0x0  }
0x28: {  	[sflag:s21] =	ssyncadd.s32 $0xFFFFF000  }
0x29: {  	[spmem:s9] =	stream.linear.scatter [tilespmem:s22], [sflag:$0x3], $0x1000, $0x38;
	[tilespmem:$0x16000] =	vst v63  }
0x2a: {  	_ =	swait.ge [sflag:s21], $0x1000  }
0x2b: {  	[sflag:s21] =	ssyncset.done $0x0  }
0x2c: {  	[sflag:s21] =	ssyncadd.s32 $0xFFFFF000  }
0x2d: {  	[spmem:s10] =	stream.linear.scatter [tilespmem:s22], [sflag:$0x3], $0x1000, $0x38;
	[tilespmem:$0x16000] =	vst v63  }
0x2e: {  	_ =	swait.ge [sflag:s21], $0x1000  }
0x2f: {  	[sflag:s21] =	ssyncset.done $0x0  }
0x30: {  	[sflag:s21] =	ssyncadd.s32 $0xFFFFF000  }
0x31: {  	[spmem:s11] =	stream.linear.scatter [tilespmem:s22], [sflag:$0x3], $0x1000, $0x38;
	[tilespmem:$0x16000] =	vst v63  }
0x32: {  	_ =	swait.ge [sflag:s21], $0x1000  }
0x33: {  	[sflag:s21] =	ssyncset.done $0x0  }
0x34: {  	[sflag:s21] =	ssyncadd.s32 $0xFFFFF000  }
0x35: {  	s30 =	simm.s32 $0x0;
	[bflag:$0x0] =	sbarrier.arrive $0xFFFF  }
0x36: {  	[tilespmem:s30], [sflag:$0x3] =	stream.linear.gather [hbm4b:s12+s30], $0x5000, $0x38;
	[tilespmem:$0x16000] =	vst v63  }
0x37: {  	_ =	swait.ge [sflag:s21], $0x5000  }
0x38: {  	[sflag:s21] =	ssyncset.done $0x0  }
0x39: {  	s1 =	simm.s32 $0x5000;
	[sflag:s21] =	ssyncadd.s32 $0xFFFFB000  }
0x3a: {  	[tilespmem:s1], [sflag:$0x3] =	stream.linear.gather [hbm4b:s13+s30], $0x5000, $0x38;
	[tilespmem:$0x16000] =	vst v63  }
0x3b: {  	_ =	swait.ge [sflag:s21], $0x5000  }
0x3c: {  	[sflag:s21] =	ssyncset.done $0x0  }
0x3d: {  	[sflag:s21] =	ssyncadd.s32 $0xFFFFB000  }
0x3e: {  	[tilespmem:s22], [sflag:$0x1] =	stream.indirect.gather [spmem:s2], $0x20, s30, s24, $0xb8;
	[tilespmem:$0x16000] =	vst v63  }
0x3f: {  	s1 =	simm.s32 $0x80  }
0x40: {  	[tilespmem:s25], [sflag:$0x2] =	stream.indirect.gather [spmem:s2], $0x20, s1, s24, $0xb8;
	[tilespmem:$0x16000] =	vst v63  }
0x41: {  	_ =	swait.ge [sflag:s26], $0x1000  }
0x42: {  	[sflag:s26] =	ssyncset.done $0x0  }
0x43: {  	s23 =	simm.s32 $0x5000;
	[sflag:s26] =	ssyncadd.s32 $0xFFFFF000  }
0x44: {  	[spmem:s3] =	stream.indirect.scatter.add.f32 [tilespmem:s22], [sflag:$0x3], $0x20, s23, s24, $0xb8;
	[tilespmem:$0x16000] =	vst v63  }
0x45: {  	_ =	swait.ge [sflag:s21], $0x1000  }
0x46: {  	[sflag:s21] =	ssyncset.done $0x0  }
0x47: {  	s29 =	simm.s32 $0x100;
	[sflag:s21] =	ssyncadd.s32 $0xFFFFF000  }
0x48: {  	[tilespmem:s22], [sflag:$0x1] =	stream.indirect.gather [spmem:s2], $0x20, s29, s24, $0xb8;
	[tilespmem:$0x16000] =	vst v63  }
0x49: {  	_ =	swait.ge [sflag:s28], $0x1000  }
0x4a: {  	[sflag:s28] =	ssyncset.done $0x0  }
0x4b: {  	s30 =	simm.s32 $0x5080;
	[sflag:s28] =	ssyncadd.s32 $0xFFFFF000  }
0x4c: {  	[spmem:s3] =	stream.indirect.scatter.add.f32 [tilespmem:s25], [sflag:$0x3], $0x20, s30, s24, $0xb8;
	[tilespmem:$0x16000] =	vst v63  }
0x4d: {  	_ =	swait.ge [sflag:s21], $0x1000  }
0x4e: {  	s0 =	simm.s32 $0x800;
	s1 =	simm.s32 $0x100;
	[sflag:s21] =	ssyncset.done $0x0  }
.LBB2_4:
0x4f: {  	s23 =	sadd.s32 $0x80, s1  }
0x50: {  	[sflag:s21] =	ssyncadd.s32 $0xFFFFF000;
	s29 =	smov.u32 s0;
	s30 =	sadd.s32 $0x400, s0  }
0x51: {  	[tilespmem:s25], [sflag:$0x2] =	stream.indirect.gather [spmem:s2], $0x20, s23, s24, $0xb8;
	[tilespmem:$0x16000] =	vst v63  }
0x52: {  	p0 =	sne.s32 s0, $0x13800;
	_ =	swait.ge [sflag:s26], $0x1000  }
0x53: {  	[sflag:s26] =	ssyncset.done $0x0  }
0x54: {  	s0 =	sadd.s32 $0x5000, s1;
	[sflag:s26] =	ssyncadd.s32 $0xFFFFF000  }
0x55: {  	[spmem:s3] =	stream.indirect.scatter.add.f32 [tilespmem:s22], [sflag:$0x3], $0x20, s0, s24, $0xb8;
	[tilespmem:$0x16000] =	vst v63  }
0x56: {  	_ =	swait.ge [sflag:s21], $0x1000  }
0x57: {  	[sflag:s21] =	ssyncset.done $0x0  }
0x58: {  	s0 =	sadd.s32 $0x100, s1;
	[sflag:s21] =	ssyncadd.s32 $0xFFFFF000  }
0x59: {  	[tilespmem:s22], [sflag:$0x1] =	stream.indirect.gather [spmem:s2], $0x20, s0, s24, $0xb8;
	[tilespmem:$0x16000] =	vst v63  }
0x5a: {  	_ =	swait.ge [sflag:s28], $0x1000  }
.Ltmp1:
0x5b: {  	[sflag:s28] =	ssyncset.done $0x0;
	(pc) =	sbr.rel @p0 .LBB2_4-.Ltmp1, $4  }
0x5c: {  	s0 =	sadd.s32 $0x5080, s1;
	[sflag:s28] =	ssyncadd.s32 $0xFFFFF000  }
0x5d: {  	[spmem:s3] =	stream.indirect.scatter.add.f32 [tilespmem:s25], [sflag:$0x3], $0x20, s0, s24, $0xb8;
	[tilespmem:$0x16000] =	vst v63  }
0x5e: {  	_ =	swait.ge [sflag:s21], $0x1000  }
0x5f: {  	s1 =	sshra.s32 s29, $0x2;
	s0 =	smov.u32 s30;
	[sflag:s21] =	ssyncset.done $0x0  }
0x60: {  	s0 =	sadd.s32 $0x80, s1;
	[sflag:s21] =	ssyncadd.s32 $0xFFFFF000  }
0x61: {  	[tilespmem:s25], [sflag:$0x2] =	stream.indirect.gather [spmem:s2], $0x20, s0, s24, $0xb8;
	[tilespmem:$0x16000] =	vst v63  }
0x62: {  	_ =	swait.ge [sflag:s26], $0x1000  }
0x63: {  	[sflag:s26] =	ssyncset.done $0x0  }
0x64: {  	s29 =	sadd.s32 $0x5000, s1;
	[sflag:s26] =	ssyncadd.s32 $0xFFFFF000  }
0x65: {  	[spmem:s3] =	stream.indirect.scatter.add.f32 [tilespmem:s22], [sflag:$0x3], $0x20, s29, s24, $0xb8;
	[tilespmem:$0x16000] =	vst v63  }
0x66: {  	_ =	swait.ge [sflag:s21], $0x1000  }
0x67: {  	[sflag:s21] =	ssyncset.done $0x0  }
0x68: {  	s30 =	sadd.s32 $0x100, s1;
	[sflag:s21] =	ssyncadd.s32 $0xFFFFF000  }
0x69: {  	[tilespmem:s22], [sflag:$0x1] =	stream.indirect.gather [spmem:s2], $0x20, s30, s24, $0xb8;
	[tilespmem:$0x16000] =	vst v63  }
0x6a: {  	_ =	swait.ge [sflag:s28], $0x1000  }
0x6b: {  	[sflag:s28] =	ssyncset.done $0x0  }
0x6c: {  	s1 =	sadd.s32 $0x5080, s1;
	[sflag:s28] =	ssyncadd.s32 $0xFFFFF000  }
0x6d: {  	[spmem:s3] =	stream.indirect.scatter.add.f32 [tilespmem:s25], [sflag:$0x3], $0x20, s1, s24, $0xb8;
	[tilespmem:$0x16000] =	vst v63  }
0x6e: {  	_ =	swait.ge [sflag:s21], $0x1000  }
0x6f: {  	[sflag:s21] =	ssyncset.done $0x0  }
0x70: {  	s23 =	simm.s32 $0x4F80;
	[sflag:s21] =	ssyncadd.s32 $0xFFFFF000  }
0x71: {  	[tilespmem:s25], [sflag:$0x2] =	stream.indirect.gather [spmem:s2], $0x20, s23, s24, $0xb8;
	[tilespmem:$0x16000] =	vst v63  }
0x72: {  	_ =	swait.ge [sflag:s26], $0x1000  }
0x73: {  	[sflag:s26] =	ssyncset.done $0x0  }
0x74: {  	s29 =	simm.s32 $0x9F00;
	[sflag:s26] =	ssyncadd.s32 $0xFFFFF000  }
0x75: {  	[spmem:s3] =	stream.indirect.scatter.add.f32 [tilespmem:s22], [sflag:$0x3], $0x20, s29, s24, $0xb8;
	[tilespmem:$0x16000] =	vst v63  }
0x76: {  	_ =	swait.ge [sflag:s21], $0x1000  }
0x77: {  	[sflag:s21] =	ssyncset.done $0x0  }
0x78: {  	[sflag:s21] =	ssyncadd.s32 $0xFFFFF000  }
0x79: {  	_ =	swait.ge [sflag:s28], $0x1000  }
0x7a: {  	[sflag:s28] =	ssyncset.done $0x0  }
0x7b: {  	[sflag:s28] =	ssyncadd.s32 $0xFFFFF000  }
0x7c: {  	[spmem:s3] =	stream.indirect.scatter.add.f32 [tilespmem:s25], [sflag:$0x3], $0x20, s31, s24, $0xb8;
	[tilespmem:$0x16000] =	vst v63  }
0x7d: {  	_ =	swait.ge [sflag:s21], $0x1000  }
0x7e: {  	[sflag:s21] =	ssyncset.done $0x0  }
0x7f: {  	[sflag:s21] =	ssyncadd.s32 $0xFFFFF000  }
0x80: {  	s30 =	sshrl.u32 s7, $0x3;
	[bflag:$0x0] =	sbarrier.arrive $0xFFFF  }
0x81: {  	[hbm:s14], [sflag:s6] =	dma.local [spmem:s30], $0x200  }
0x82: {  	_ =	swait.ge [sflag:s21], $0x200  }
0x83: {  	[sflag:s21] =	ssyncset.done $0x0  }
0x84: {  	s1 =	sshrl.u32 s8, $0x3;
	[sflag:s21] =	ssyncadd.s32 $0xFFFFFE00  }
0x85: {  	[hbm:s15], [sflag:s6] =	dma.local [spmem:s1], $0x200  }
0x86: {  	_ =	swait.ge [sflag:s21], $0x200  }
0x87: {  	[sflag:s21] =	ssyncset.done $0x0  }
0x88: {  	s23 =	sshrl.u32 s9, $0x3;
	[sflag:s21] =	ssyncadd.s32 $0xFFFFFE00  }
0x89: {  	[hbm:s16], [sflag:s6] =	dma.local [spmem:s23], $0x200  }
0x8a: {  	_ =	swait.ge [sflag:s21], $0x200  }
0x8b: {  	[sflag:s21] =	ssyncset.done $0x0  }
0x8c: {  	s29 =	sshrl.u32 s10, $0x3;
	[sflag:s21] =	ssyncadd.s32 $0xFFFFFE00  }
0x8d: {  	[hbm:s17], [sflag:s6] =	dma.local [spmem:s29], $0x200  }
0x8e: {  	s4 =	sadd.s32 $0x1, s4;
	_ =	swait.ge [sflag:s21], $0x200  }
0x8f: {  	p0 =	sne.s32 s4, s19;
	[sflag:s21] =	ssyncset.done $0x0  }
.Ltmp2:
0x90: {  	s30 =	sshrl.u32 s11, $0x3;
	[sflag:s21] =	ssyncadd.s32 $0xFFFFFE00;
	(pc) =	sbr.rel @p0 .LBB2_1-.Ltmp2, $4  }
0x91: {  	[hbm:s18], [sflag:s6] =	dma.local [spmem:s30], $0x200  }
0x92: {  	_ =	swait.ge [sflag:s21], $0x200  }
0x93: {  	[sflag:s21] =	ssyncset.done $0x0  }
0x94: {  	[sflag:s21] =	ssyncadd.s32 $0xFFFFFE00  }
0x95: {  	_ =	sfence.sel $0x180000  }
0x96: {  	[bflag:$0x0] =	sbarrier.arrive $0xFFFF  }
0x97: {  	_ =	strace $0x9000004A  }
0x98: {  	s0 =	stileid.u32;
	[bflag:$0x2] =	sbarrier.arrive $0xFFFF  }
0x99: {  	p0 =	sne.s32 s0, $0x0;
	s0 =	rddreg [dreg:$0x4]  }
0x9a: {  	s0 =	sadd.s32 @!p0 $0x100000, s0  }
0x9b: {  	[sflag:s0] =	ssyncadd.tile.s32 @!p0 $0x1;
	_ =	shalt  }
.Lfunc_end2:
_tile_overlayer_lowered:
.L_overlay_start_2:
0x9c: {  	(tag) =	ssettag $0x2  }
0x9d: {  	s0 =	rddreg [dreg:$0x0];
	s2 =	stileid.u32  }
0x9e: {  	s1 =	rddreg [dreg:$0x1];
	p0 =	sne.s32 s2, $0x0  }
0x9f: {  	s3 =	rddreg [dreg:$0x2];
	[bflag:$0x3] =	sbarrier.arrive $0xFFFF;
	s2 =	simm.s32 @!p0 $0x1C03  }
0xa0: {  	[timem:s3], [sflag:s2] =	dma.local @!p0 [hbm:s0], s1  }
0xa1: {  	s0 =	simm.s32 @!p0 $0x3  }
0xa2: {  	_ =	swait.ge @!p0 [sflag:s0], s1  }
0xa3: {  	s1 =	ssub.s32 @!p0 $0x0, s1;
	[sflag:s0] =	ssyncset.done @!p0 $0x0  }
0xa4: {  	[sflag:s0] =	ssyncadd.s32 @!p0 s1  }
0xa5: {  	[bflag:$0x3] =	sbarrier.arrive $0xFFFF  }
0xa6: {  	_ =	shalt  }

// kernel: kernel.17.cloned.1.call-start
scs
__scs_entry_jumppad:
0x0: {  	(pc) =	sbr.rel $0x88, $3  }
0x1: {  	(tag) =	ssettag $0x0;
	lr =	simm.s32 $0x1  }
0x2: {  	[smem:$0x3F99] =	sst lr;
	_ =	strace $0xD0000000  }
0x3: {  	_ = 	snop  }
0x4: {  	_ = 	snop  }
0x5: {  	_ = 	snop  }
0x6: {  	_ = 	snop  }
0x7: {  	_ = 	snop  }
__scs_overlays_trampoline_lowered:
0x8: {  	[smem:$0x3FA8] =	sst s0  }
0x9: {  	[smem:$0x3FA9] =	sst s1  }
0xa: {  	[smem:$0x3FAA] =	sst s2  }
0xb: {  	[smem:$0x3FAB] =	sst s3  }
0xc: {  	[smem:$0x3FAC] =	sst s4  }
0xd: {  	[smem:$0x3FAD] =	sst s5  }
0xe: {  	[smem:$0x3FAE] =	sst s6  }
0xf: {  	[smem:$0x3FAF] =	sst s7  }
0x10: {  	[smem:$0x3FB0] =	sst s8  }
0x11: {  	[smem:$0x3FB1] =	sst s9;
	s0 =	simm.s32 @!p0 $0x0  }
0x12: {  	s1 =	sld [smem:$0x3F97];
	s0 =	simm.s32 @p0 $0x1  }
0x13: {  	[smem:$0x3FB2] =	sst s0;
	s0 =	simm.s32 @!p1 $0x0  }
0x14: {  	s2 =	sld [smem:$0x3F96];
	s0 =	simm.s32 @p1 $0x1  }
0x15: {  	[smem:$0x3FB3] =	sst s0;
	s0 =	simm.s32 @!p2 $0x0  }
0x16: {  	s3 =	sld [smem:$0x3FDB];
	s0 =	simm.s32 @p2 $0x1  }
0x17: {  	s4 =	simm.s32 $0x1BF5;
	[smem:$0x3FB5] =	sst s0  }
0x18: {  	s0 =	sld [smem:$0x3F98];
	_ =	swait.ge [sflag:s4], $0x0  }
0x19: {  	s7 =	sld [smem:$0x3F99]  }
0x1a: {  	s8 =	sadd.s32 $0xFFFFE003, lr  }
0x1b: {  	s9 =	sadd.s32 $0xFFFFFEF7, lr;
	s5 =	simm.s32 $0xFFFFFFFF;
	p2 =	slt.u32 s8, $0xFFFFF086  }
0x1c: {  	p1 =	slt.u32 s9, $0xF7A;
	s5 =	simm.s32 @!p2 $0x0  }
0x1d: {  	s5 =	simm.s32 @p1 $0x1;
	p0 =	seq.s32 s7, s2  }
0x1e: {  	s7 =	smul.u32 @!p0 $0xF7A, s2;
	p2 =	seq.s32 @!p0 s5, $0x0  }
0x1f: {  	s9 =	smul.u32 $0xF7A, s1;
	s8 =	simm.s32 @!p0 $0x1BF5;
	p2 =	por !p2, p0  }
0x20: {  	[sflag:s8] =	ssyncset.s32 @!p0 $0xFFFFF086;
	s6 =	sadd.s32 @!p0 s3, s7;
	s7 =	simm.s32 @!p0 $0x108  }
0x21: {  	s3 =	sadd.s32 s3, s9;
	s6 =	sadd.s32 @!p0 $0x88, s6;
	s7 =	simm.s32 @p2 $0x1082  }
0x22: {  	[simem:s7], [sflag:s8] =	dma.local @!p0 [hbm:s6], $0xF7A  }
0x23: {  	s9 =	sor.u32 $0xD0000000, s2;
	s6 =	simm.s32 $0x108;
	_ =	swait.ge @!p0 [sflag:s8], $0x0  }
0x24: {  	s3 =	sadd.s32 $0x88, s3;
	s6 =	simm.s32 @!p1 $0x1082;
	[sflag:s4] =	ssyncset.s32 $0xFFFFF086  }
0x25: {  	[simem:s6], [sflag:s4] =	dma.local [hbm:s3], $0xF7A  }
0x26: {  	[smem:$0x3F99] =	sst s1;
	(tag) =	ssettag s2;
	_ =	strace s9  }
0x27: {  	s1 =	sld [smem:$0x3FA9]  }
0x28: {  	s2 =	sld [smem:$0x3FAA]  }
0x29: {  	s4 =	sld [smem:$0x3FAC]  }
0x2a: {  	p0 =	seq.s32 s5, $0x0;
	s5 =	sld [smem:$0x3FAD]  }
0x2b: {  	s6 =	sld [smem:$0x3FAE]  }
0x2c: {  	s7 =	sld [smem:$0x3FAF]  }
0x2d: {  	s3 =	simm.s32 $0x108;
	s8 =	sld [smem:$0x3FB0]  }
0x2e: {  	s3 =	simm.s32 @!p0 $0x1082;
	s9 =	sld [smem:$0x3FB1]  }
0x2f: {  	lr =	sadd.s32 s0, s3;
	s0 =	sld [smem:$0x3FA8]  }
0x30: {  	s3 =	sld [smem:$0x3FAB]  }
0x31: {  	[smem:$0x3FB4] =	sst s10  }
0x32: {  	s10 =	sld [smem:$0x3FB2];
	_ =	sdelay $0x3  }
0x33: {  	p0 =	seq.s32 s10, $0x1;
	s10 =	sld [smem:$0x3FB4];
	_ =	sdelay $0x3  }
0x34: {  	[smem:$0x3FB4] =	sst s10  }
0x35: {  	s10 =	sld [smem:$0x3FB3];
	_ =	sdelay $0x3  }
0x36: {  	p1 =	seq.s32 s10, $0x1;
	s10 =	sld [smem:$0x3FB4];
	_ =	sdelay $0x3  }
0x37: {  	[smem:$0x3FB4] =	sst s10  }
0x38: {  	s10 =	sld [smem:$0x3FB5]  }
0x39: {  	_ = 	snop;
	(pc) =	sbr.ind lr, $3  }
0x3a: {  	_ = 	snop  }
0x3b: {  	_ = 	snop  }
0x3c: {  	p2 =	seq.s32 s10, $0x1;
	s10 =	sld [smem:$0x3FB4]  }
0x3d: {  	_ =	shalt  }
0x3e: {  	_ =	shalt  }
0x3f: {  	_ =	shalt  }
0x40: {  	_ =	shalt  }
0x41: {  	_ =	shalt  }
0x42: {  	_ =	shalt  }
0x43: {  	_ =	shalt  }
0x44: {  	_ =	shalt  }
0x45: {  	_ =	shalt  }
0x46: {  	_ =	shalt  }
0x47: {  	_ =	shalt  }
0x48: {  	_ =	shalt  }
0x49: {  	_ =	shalt  }
0x4a: {  	_ =	shalt  }
0x4b: {  	_ =	shalt  }
0x4c: {  	_ =	shalt  }
0x4d: {  	_ =	shalt  }
0x4e: {  	_ =	shalt  }
0x4f: {  	_ =	shalt  }
0x50: {  	_ =	shalt  }
0x51: {  	_ =	shalt  }
0x52: {  	_ =	shalt  }
0x53: {  	_ =	shalt  }
0x54: {  	_ =	shalt  }
0x55: {  	_ =	shalt  }
0x56: {  	_ =	shalt  }
0x57: {  	_ =	shalt  }
0x58: {  	_ =	shalt  }
0x59: {  	_ =	shalt  }
0x5a: {  	_ =	shalt  }
0x5b: {  	_ =	shalt  }
0x5c: {  	_ =	shalt  }
0x5d: {  	_ =	shalt  }
0x5e: {  	_ =	shalt  }
0x5f: {  	_ =	shalt  }
0x60: {  	_ =	shalt  }
0x61: {  	_ =	shalt  }
0x62: {  	_ =	shalt  }
0x63: {  	_ =	shalt  }
0x64: {  	_ =	shalt  }
0x65: {  	_ =	shalt  }
0x66: {  	_ =	shalt  }
0x67: {  	_ =	shalt  }
0x68: {  	_ =	shalt  }
0x69: {  	_ =	shalt  }
0x6a: {  	_ =	shalt  }
0x6b: {  	_ =	shalt  }
0x6c: {  	_ =	shalt  }
0x6d: {  	_ =	shalt  }
0x6e: {  	_ =	shalt  }
0x6f: {  	_ =	shalt  }
0x70: {  	_ =	shalt  }
0x71: {  	_ =	shalt  }
0x72: {  	_ =	shalt  }
0x73: {  	_ =	shalt  }
0x74: {  	_ =	shalt  }
0x75: {  	_ =	shalt  }
0x76: {  	_ =	shalt  }
0x77: {  	_ =	shalt  }
0x78: {  	_ =	shalt  }
0x79: {  	_ =	shalt  }
0x7a: {  	_ =	shalt  }
0x7b: {  	_ =	shalt  }
0x7c: {  	_ =	shalt  }
0x7d: {  	_ =	shalt  }
0x7e: {  	_ =	shalt  }
0x7f: {  	_ =	shalt  }
0x80: {  	_ =	shalt  }
0x81: {  	_ =	shalt  }
0x82: {  	_ =	shalt  }
0x83: {  	_ =	shalt  }
0x84: {  	_ =	shalt  }
0x85: {  	_ =	shalt  }
0x86: {  	_ =	shalt  }
0x87: {  	_ =	shalt  }
.Lfunc_end0:
.L_simem_size_0:
called_computation.2_lowered:
.L_overlay_start_0:
0x88: {  	s2 =	sld [smem:$0x3FD9]  }
0x89: {  	s3 =	sld [smem:$0x3FFE];
	_ =	sdelay $0x1  }
0x8a: {  	s1 =	srdreg.scid  }
0x8b: {  	s0 =	sand.u32 $0x1, s1  }
0x8c: {  	s17 =	sshll.u32 s0, $0xA;
	s2 =	sadd.s32 s3, s2  }
0x8d: {  	s2 =	sadd.s32 s2, s17  }
0x8e: {  	[smem:$0x3FC0] =	sst s2  }
0x8f: {  	_ = 	snop  }
0x90: {  	s2 =	sld [smem:$0x3FD0];
	(tm) =	ssettm $0x1  }
0x91: {  	s18 =	sld [smem:$0x3FFB];
	_ =	sdelay $0x3  }
0x92: {  	_ =	strace s18  }
0x93: {  	s3 =	sld [smem:$0x3FFC];
	_ =	sdelay $0x3  }
0x94: {  	_ =	strace s3  }
0x95: {  	s3 =	sld [smem:$0x3FFD];
	_ =	sdelay $0x3  }
0x96: {  	_ =	strace s3  }
0x97: {  	_ =	strace $0x8FFFFFFF  }
0x98: {  	s19 =	sld [smem:$0x3FDB];
	_ =	sdelay $0x1  }
0x99: {  	s4 =	simm.s32 $_scs_section_size  }
0x9a: {  	s5 =	simm.s32 $_size__tile_overlayer_lowered;
	s6 =	simm.s32 $_tile_overlayer_lowered  }
0x9b: {  	s22 =	simm.s32 $0x1BFF;
	s21 =	sshll.u32 s6, $0x1;
	s3 =	sadd.s32 s4, s19  }
0x9c: {  	s7 =	simm.s32 $0x0;
	s20 =	sshll.u32 s5, $0x1;
	s5 =	sadd.s32 s21, s3  }
0x9d: {  	[timem:s7], [sflag:s22] =	dma.local [hbm:s5], s20  }
0x9e: {  	_ =	swait.ge [sflag:s22], s20  }
0x9f: {  	s4 =	ssub.s32 $0x0, s20;
	[sflag:s22] =	ssyncset.done $0x0  }
0xa0: {  	[sflag:s22] =	ssyncadd.s32 s4;
	_ =	sdelay $0x1  }
0xa1: {  	s23 =	simm.s32 $0x1B8B  }
0xa2: {  	_ =	swait.ge [sflag:s23], $0x1  }
0xa3: {  	[sflag:s23] =	ssyncset.done $0x0  }
0xa4: {  	s25 =	simm.s32 $0x1B8E;
	s24 =	sld [smem:$0x3FFE];
	[sflag:s23] =	ssyncadd.s32 $0xFFFFFFFF  }
0xa5: {  	s26 =	simm.s32 $execute0_lowered;
	[smem:$0x3FD2] =	sst s25  }
0xa6: {  	s5 =	sshll.u32 s26, $0x1;
	_ =	strace $0x8000004C;
	[dreg:$0x1] =	wrdreg $0xFFFFFFFF  }
0xa7: {  	s28 =	simm.s32 $_size_execute0_lowered;
	s3 =	sadd.s32 s3, s5;
	[dreg:$0x0] =	wrdreg $0x0  }
0xa8: {  	s5 =	sshll.u32 s28, $0x1;
	[dreg:$0x2] =	wrdreg s3  }
0xa9: {  	[dreg:$0x3] =	wrdreg s5  }
0xaa: {  	[dreg:$0x4] =	wrdreg $0xC0  }
0xab: {  	_ =	task [dreg:s7], $0x5FFFF  }
0xac: {  	[dreg:$0x1] =	wrdreg $0xFFFFFFFF  }
0xad: {  	[dreg:$0x0] =	wrdreg $0x60  }
0xae: {  	[dreg:$0x2] =	wrdreg s2  }
0xaf: {  	[dreg:$0x3] =	wrdreg s24  }
0xb0: {  	[dreg:$0x4] =	wrdreg $0xC0000  }
0xb1: {  	[dreg:$0x5] =	wrdreg $0x110000  }
0xb2: {  	[dreg:$0x6] =	wrdreg $0x9  }
0xb3: {  	_ =	task.clear_ibuf [dreg:s7], $0x7FFFF;
	_ =	strace $0x9000004C  }
0xb4: {  	s29 =	simm.s32 $0x9;
	_ =	strace $0x8000004E  }
0xb5: {  	_ =	swait.ge [sflag:s29], $0x1  }
0xb6: {  	[sflag:s29] =	ssyncadd.s32 $0xFFFFFFFF  }
0xb7: {  	_ =	strace $0x9000004E  }
0xb8: {  	_ =	sfence  }
0xb9: {  	s30 =	sld [smem:$0x0];
	_ =	sdelay $0x2  }
0xba: {  	s31 =	sshll.u32 s1, $0xD;
	s1 =	sshrl.u32 s1, $0x2  }
0xbb: {  	s3 =	sand.u32 $0x4000, s31;
	s1 =	sadd.s32 s1, s30  }
0xbc: {  	s0 =	sor.u32 s3, s0;
	s1 =	sshll.u32 s1, $0x11  }
0xbd: {  	s0 =	sor.u32 s1, s0  }
0xbe: {  	s0 =	sadd.s32 $0x8F2B, s0  }
0xbf: {  	[sflag:s0] =	ssyncadd.remote.s32 $0x1  }
0xc0: {  	_ =	sfence.sel $0xFFFF  }
0xc1: {  	[dreg:$0x0] =	wrdreg $0xFFFFFFFF;
	(pc) =	sbr.abs _section_cstart, $3  }
0xc2: {  	[dreg:$0x1] =	wrdreg $0xFFFFFFFF  }
0xc3: {  	_ =	task.clear_ibuf [dreg:s7], $0x2FFFF;
	_ =	strace $0x9FFFFFFF  }
0xc4: {  	(tm) =	ssettm $0x7FFFFFFF  }
0xc5: {  	_ =	shalt  }
tec
execute0_lowered:
.L_overlay_start_1:
0x0: {  	(tag) =	ssettag $0x1  }
0x1: {  	s0 =	rddreg [dreg:$0x0]  }
0x2: {  	s1 =	rddreg [dreg:$0x1]  }
0x3: {  	s2 =	rddreg [dreg:$0x2];
	s8 =	stileid.u32  }
0x4: {  	s4 =	srdreg.scid;
	s3 =	rddreg [dreg:$0x3]  }
0x5: {  	s22 =	simm.s32 $0xA000;
	s28 =	simm.s32 $0x2;
	s31 =	simm.s32 $0x9F80  }
0x6: {  	s5 =	smul.u32 $0xA00, s8;
	s6 =	sand.u32 $0x1, s4;
	s4 =	simm.s32 $0x0  }
0x7: {  	s11 =	smul.u32 $0x5000, s8;
	s24 =	sshll.u32 s8, $0x6;
	[smem:$0x7FF] =	sst s4  }
0x8: {  	s16 =	smul.u32 $0x50000, s6;
	s23 =	ssub.s32 $0x2, s6;
	_ =	strace $0x8000004D  }
0x9: {  	s13 =	sadd.s32 s5, s1;
	s1 =	sadd.s32 $0x17200, s1;
	s6 =	sshrl.u32 s23, $0x1  }
0xa: {  	s20 =	sadd.s32 s11, s2;
	s25 =	sadd.s32 $0x1000, s11;
	s17 =	sadd.s32 $0x2000, s11  }
0xb: {  	s18 =	sadd.s32 $0x3000, s11;
	s21 =	sadd.s32 $0x4000, s11;
	s7 =	sadd.s32 s11, s16  }
0xc: {  	s19 =	ssub.s32 s23, s6;
	s6 =	sor.u32 $0x1C03, s24;
	s8 =	sadd.s32 s25, s3  }
0xd: {  	s9 =	sadd.s32 s17, s3;
	s10 =	sadd.s32 s18, s3;
	s12 =	sadd.s32 $0xD200, s13  }
0xe: {  	s13 =	sadd.s32 $0x3200, s13;
	s26 =	sadd.s32 s16, s17;
	s29 =	sadd.s32 s16, s18  }
0xf: {  	s20 =	sshrl.u32 s20, $0x3;
	s24 =	simm.s32 $0x80;
	s14 =	sshrl.u32 s7, $0x3  }
0x10: {  	s7 =	sadd.s32 s11, s3;
	s11 =	sadd.s32 s21, s3;
	s17 =	sshrl.u32 s29, $0x3  }
0x11: {  	s19 =	smax.u32 s19, $0x1;
	s5 =	sadd.s32 s0, s14;
	s0 =	sadd.s32 s16, s25  }
0x12: {  	s14 =	sadd.s32 s1, s14;
	s16 =	sadd.s32 s16, s21;
	s17 =	sadd.s32 s1, s17  }
0x13: {  	s21 =	simm.s32 $0x3;
	s25 =	simm.s32 $0xB000;
	s0 =	sshrl.u32 s0, $0x3  }
0x14: {  	s30 =	sshrl.u32 s16, $0x3;
	s15 =	sadd.s32 s1, s0;
	s0 =	sshrl.u32 s26, $0x3  }
0x15: {  	v0 =	vimm.f32 $0.0e+00;
	s18 =	sadd.s32 s1, s30;
	s26 =	simm.s32 $0x1;
	s16 =	sadd.s32 s1, s0  }
.LBB2_1:
0x16: {  	s1 =	simm.s32 $0x80;
	s0 =	simm.s32 $0x0  }
.LBB2_2:
0x17: {  	p0 =	sne.s32 s1, $0x3F80;
	[tilespmem:s0+$0xA000] =	vst v0;
	s23 =	smov.u32 s1;
	s1 =	sadd.s32 $0x80, s1  }
.Ltmp0:
0x18: {  	[tilespmem:s0+$0xA010] =	vst v0;
	(pc) =	sbr.rel @p0 .LBB2_2-.Ltmp0, $2  }
0x19: {  	_ =	sdelay $0x2  }
0x1a: {  	s0 =	sshra.s32 s23, $0x2  }
0x1b: {  	[tilespmem:s0+$0xA000] =	vst v0  }
0x1c: {  	[tilespmem:s0+$0xA010] =	vst v0  }
0x1d: {  	[spmem:s20], [sflag:s6] =	dma.local [hbm:s5], $0xA00  }
0x1e: {  	_ =	swait.ge [sflag:s21], $0xA00  }
0x1f: {  	[sflag:s21] =	ssyncset.done $0x0  }
0x20: {  	[sflag:s21] =	ssyncadd.s32 $0xFFFFF600  }
0x21: {  	[spmem:s7] =	stream.linear.scatter [tilespmem:s22], [sflag:$0x3], $0x1000, $0x38;
	[tilespmem:$0x16000] =	vst v63  }
0x22: {  	_ =	swait.ge [sflag:s21], $0x1000  }
0x23: {  	[sflag:s21] =	ssyncset.done $0x0  }
0x24: {  	[sflag:s21] =	ssyncadd.s32 $0xFFFFF000  }
0x25: {  	[spmem:s8] =	stream.linear.scatter [tilespmem:s22], [sflag:$0x3], $0x1000, $0x38;
	[tilespmem:$0x16000] =	vst v63  }
0x26: {  	_ =	swait.ge [sflag:s21], $0x1000  }
0x27: {  	[sflag:s21] =	ssyncset.done $0x0  }
0x28: {  	[sflag:s21] =	ssyncadd.s32 $0xFFFFF000  }
0x29: {  	[spmem:s9] =	stream.linear.scatter [tilespmem:s22], [sflag:$0x3], $0x1000, $0x38;
	[tilespmem:$0x16000] =	vst v63  }
0x2a: {  	_ =	swait.ge [sflag:s21], $0x1000  }
0x2b: {  	[sflag:s21] =	ssyncset.done $0x0  }
0x2c: {  	[sflag:s21] =	ssyncadd.s32 $0xFFFFF000  }
0x2d: {  	[spmem:s10] =	stream.linear.scatter [tilespmem:s22], [sflag:$0x3], $0x1000, $0x38;
	[tilespmem:$0x16000] =	vst v63  }
0x2e: {  	_ =	swait.ge [sflag:s21], $0x1000  }
0x2f: {  	[sflag:s21] =	ssyncset.done $0x0  }
0x30: {  	[sflag:s21] =	ssyncadd.s32 $0xFFFFF000  }
0x31: {  	[spmem:s11] =	stream.linear.scatter [tilespmem:s22], [sflag:$0x3], $0x1000, $0x38;
	[tilespmem:$0x16000] =	vst v63  }
0x32: {  	_ =	swait.ge [sflag:s21], $0x1000  }
0x33: {  	[sflag:s21] =	ssyncset.done $0x0  }
0x34: {  	[sflag:s21] =	ssyncadd.s32 $0xFFFFF000  }
0x35: {  	s30 =	simm.s32 $0x0;
	[bflag:$0x0] =	sbarrier.arrive $0xFFFF  }
0x36: {  	[tilespmem:s30], [sflag:$0x3] =	stream.linear.gather [hbm4b:s12+s30], $0x5000, $0x38;
	[tilespmem:$0x16000] =	vst v63  }
0x37: {  	_ =	swait.ge [sflag:s21], $0x5000  }
0x38: {  	[sflag:s21] =	ssyncset.done $0x0  }
0x39: {  	s1 =	simm.s32 $0x5000;
	[sflag:s21] =	ssyncadd.s32 $0xFFFFB000  }
0x3a: {  	[tilespmem:s1], [sflag:$0x3] =	stream.linear.gather [hbm4b:s13+s30], $0x5000, $0x38;
	[tilespmem:$0x16000] =	vst v63  }
0x3b: {  	_ =	swait.ge [sflag:s21], $0x5000  }
0x3c: {  	[sflag:s21] =	ssyncset.done $0x0  }
0x3d: {  	[sflag:s21] =	ssyncadd.s32 $0xFFFFB000  }
0x3e: {  	[tilespmem:s22], [sflag:$0x1] =	stream.indirect.gather [spmem:s2], $0x20, s30, s24, $0xb8;
	[tilespmem:$0x16000] =	vst v63  }
0x3f: {  	s1 =	simm.s32 $0x80  }
0x40: {  	[tilespmem:s25], [sflag:$0x2] =	stream.indirect.gather [spmem:s2], $0x20, s1, s24, $0xb8;
	[tilespmem:$0x16000] =	vst v63  }
0x41: {  	_ =	swait.ge [sflag:s26], $0x1000  }
0x42: {  	[sflag:s26] =	ssyncset.done $0x0  }
0x43: {  	s23 =	simm.s32 $0x5000;
	[sflag:s26] =	ssyncadd.s32 $0xFFFFF000  }
0x44: {  	[spmem:s3] =	stream.indirect.scatter.add.f32 [tilespmem:s22], [sflag:$0x3], $0x20, s23, s24, $0xb8;
	[tilespmem:$0x16000] =	vst v63  }
0x45: {  	_ =	swait.ge [sflag:s21], $0x1000  }
0x46: {  	[sflag:s21] =	ssyncset.done $0x0  }
0x47: {  	s29 =	simm.s32 $0x100;
	[sflag:s21] =	ssyncadd.s32 $0xFFFFF000  }
0x48: {  	[tilespmem:s22], [sflag:$0x1] =	stream.indirect.gather [spmem:s2], $0x20, s29, s24, $0xb8;
	[tilespmem:$0x16000] =	vst v63  }
0x49: {  	_ =	swait.ge [sflag:s28], $0x1000  }
0x4a: {  	[sflag:s28] =	ssyncset.done $0x0  }
0x4b: {  	s30 =	simm.s32 $0x5080;
	[sflag:s28] =	ssyncadd.s32 $0xFFFFF000  }
0x4c: {  	[spmem:s3] =	stream.indirect.scatter.add.f32 [tilespmem:s25], [sflag:$0x3], $0x20, s30, s24, $0xb8;
	[tilespmem:$0x16000] =	vst v63  }
0x4d: {  	_ =	swait.ge [sflag:s21], $0x1000  }
0x4e: {  	s0 =	simm.s32 $0x800;
	s1 =	simm.s32 $0x100;
	[sflag:s21] =	ssyncset.done $0x0  }
.LBB2_4:
0x4f: {  	s23 =	sadd.s32 $0x80, s1  }
0x50: {  	[sflag:s21] =	ssyncadd.s32 $0xFFFFF000;
	s29 =	smov.u32 s0;
	s30 =	sadd.s32 $0x400, s0  }
0x51: {  	[tilespmem:s25], [sflag:$0x2] =	stream.indirect.gather [spmem:s2], $0x20, s23, s24, $0xb8;
	[tilespmem:$0x16000] =	vst v63  }
0x52: {  	p0 =	sne.s32 s0, $0x13800;
	_ =	swait.ge [sflag:s26], $0x1000  }
0x53: {  	[sflag:s26] =	ssyncset.done $0x0  }
0x54: {  	s0 =	sadd.s32 $0x5000, s1;
	[sflag:s26] =	ssyncadd.s32 $0xFFFFF000  }
0x55: {  	[spmem:s3] =	stream.indirect.scatter.add.f32 [tilespmem:s22], [sflag:$0x3], $0x20, s0, s24, $0xb8;
	[tilespmem:$0x16000] =	vst v63  }
0x56: {  	_ =	swait.ge [sflag:s21], $0x1000  }
0x57: {  	[sflag:s21] =	ssyncset.done $0x0  }
0x58: {  	s0 =	sadd.s32 $0x100, s1;
	[sflag:s21] =	ssyncadd.s32 $0xFFFFF000  }
0x59: {  	[tilespmem:s22], [sflag:$0x1] =	stream.indirect.gather [spmem:s2], $0x20, s0, s24, $0xb8;
	[tilespmem:$0x16000] =	vst v63  }
0x5a: {  	_ =	swait.ge [sflag:s28], $0x1000  }
.Ltmp1:
0x5b: {  	[sflag:s28] =	ssyncset.done $0x0;
	(pc) =	sbr.rel @p0 .LBB2_4-.Ltmp1, $4  }
0x5c: {  	s0 =	sadd.s32 $0x5080, s1;
	[sflag:s28] =	ssyncadd.s32 $0xFFFFF000  }
0x5d: {  	[spmem:s3] =	stream.indirect.scatter.add.f32 [tilespmem:s25], [sflag:$0x3], $0x20, s0, s24, $0xb8;
	[tilespmem:$0x16000] =	vst v63  }
0x5e: {  	_ =	swait.ge [sflag:s21], $0x1000  }
0x5f: {  	s1 =	sshra.s32 s29, $0x2;
	s0 =	smov.u32 s30;
	[sflag:s21] =	ssyncset.done $0x0  }
0x60: {  	s0 =	sadd.s32 $0x80, s1;
	[sflag:s21] =	ssyncadd.s32 $0xFFFFF000  }
0x61: {  	[tilespmem:s25], [sflag:$0x2] =	stream.indirect.gather [spmem:s2], $0x20, s0, s24, $0xb8;
	[tilespmem:$0x16000] =	vst v63  }
0x62: {  	_ =	swait.ge [sflag:s26], $0x1000  }
0x63: {  	[sflag:s26] =	ssyncset.done $0x0  }
0x64: {  	s29 =	sadd.s32 $0x5000, s1;
	[sflag:s26] =	ssyncadd.s32 $0xFFFFF000  }
0x65: {  	[spmem:s3] =	stream.indirect.scatter.add.f32 [tilespmem:s22], [sflag:$0x3], $0x20, s29, s24, $0xb8;
	[tilespmem:$0x16000] =	vst v63  }
0x66: {  	_ =	swait.ge [sflag:s21], $0x1000  }
0x67: {  	[sflag:s21] =	ssyncset.done $0x0  }
0x68: {  	s30 =	sadd.s32 $0x100, s1;
	[sflag:s21] =	ssyncadd.s32 $0xFFFFF000  }
0x69: {  	[tilespmem:s22], [sflag:$0x1] =	stream.indirect.gather [spmem:s2], $0x20, s30, s24, $0xb8;
	[tilespmem:$0x16000] =	vst v63  }
0x6a: {  	_ =	swait.ge [sflag:s28], $0x1000  }
0x6b: {  	[sflag:s28] =	ssyncset.done $0x0  }
0x6c: {  	s1 =	sadd.s32 $0x5080, s1;
	[sflag:s28] =	ssyncadd.s32 $0xFFFFF000  }
0x6d: {  	[spmem:s3] =	stream.indirect.scatter.add.f32 [tilespmem:s25], [sflag:$0x3], $0x20, s1, s24, $0xb8;
	[tilespmem:$0x16000] =	vst v63  }
0x6e: {  	_ =	swait.ge [sflag:s21], $0x1000  }
0x6f: {  	[sflag:s21] =	ssyncset.done $0x0  }
0x70: {  	s23 =	simm.s32 $0x4F80;
	[sflag:s21] =	ssyncadd.s32 $0xFFFFF000  }
0x71: {  	[tilespmem:s25], [sflag:$0x2] =	stream.indirect.gather [spmem:s2], $0x20, s23, s24, $0xb8;
	[tilespmem:$0x16000] =	vst v63  }
0x72: {  	_ =	swait.ge [sflag:s26], $0x1000  }
0x73: {  	[sflag:s26] =	ssyncset.done $0x0  }
0x74: {  	s29 =	simm.s32 $0x9F00;
	[sflag:s26] =	ssyncadd.s32 $0xFFFFF000  }
0x75: {  	[spmem:s3] =	stream.indirect.scatter.add.f32 [tilespmem:s22], [sflag:$0x3], $0x20, s29, s24, $0xb8;
	[tilespmem:$0x16000] =	vst v63  }
0x76: {  	_ =	swait.ge [sflag:s21], $0x1000  }
0x77: {  	[sflag:s21] =	ssyncset.done $0x0  }
0x78: {  	[sflag:s21] =	ssyncadd.s32 $0xFFFFF000  }
0x79: {  	_ =	swait.ge [sflag:s28], $0x1000  }
0x7a: {  	[sflag:s28] =	ssyncset.done $0x0  }
0x7b: {  	[sflag:s28] =	ssyncadd.s32 $0xFFFFF000  }
0x7c: {  	[spmem:s3] =	stream.indirect.scatter.add.f32 [tilespmem:s25], [sflag:$0x3], $0x20, s31, s24, $0xb8;
	[tilespmem:$0x16000] =	vst v63  }
0x7d: {  	_ =	swait.ge [sflag:s21], $0x1000  }
0x7e: {  	[sflag:s21] =	ssyncset.done $0x0  }
0x7f: {  	[sflag:s21] =	ssyncadd.s32 $0xFFFFF000  }
0x80: {  	s30 =	sshrl.u32 s7, $0x3;
	[bflag:$0x0] =	sbarrier.arrive $0xFFFF  }
0x81: {  	[hbm:s14], [sflag:s6] =	dma.local [spmem:s30], $0x200  }
0x82: {  	_ =	swait.ge [sflag:s21], $0x200  }
0x83: {  	[sflag:s21] =	ssyncset.done $0x0  }
0x84: {  	s1 =	sshrl.u32 s8, $0x3;
	[sflag:s21] =	ssyncadd.s32 $0xFFFFFE00  }
0x85: {  	[hbm:s15], [sflag:s6] =	dma.local [spmem:s1], $0x200  }
0x86: {  	_ =	swait.ge [sflag:s21], $0x200  }
0x87: {  	[sflag:s21] =	ssyncset.done $0x0  }
0x88: {  	s23 =	sshrl.u32 s9, $0x3;
	[sflag:s21] =	ssyncadd.s32 $0xFFFFFE00  }
0x89: {  	[hbm:s16], [sflag:s6] =	dma.local [spmem:s23], $0x200  }
0x8a: {  	_ =	swait.ge [sflag:s21], $0x200  }
0x8b: {  	[sflag:s21] =	ssyncset.done $0x0  }
0x8c: {  	s29 =	sshrl.u32 s10, $0x3;
	[sflag:s21] =	ssyncadd.s32 $0xFFFFFE00  }
0x8d: {  	[hbm:s17], [sflag:s6] =	dma.local [spmem:s29], $0x200  }
0x8e: {  	s4 =	sadd.s32 $0x1, s4;
	_ =	swait.ge [sflag:s21], $0x200  }
0x8f: {  	p0 =	sne.s32 s4, s19;
	[sflag:s21] =	ssyncset.done $0x0  }
.Ltmp2:
0x90: {  	s30 =	sshrl.u32 s11, $0x3;
	[sflag:s21] =	ssyncadd.s32 $0xFFFFFE00;
	(pc) =	sbr.rel @p0 .LBB2_1-.Ltmp2, $4  }
0x91: {  	[hbm:s18], [sflag:s6] =	dma.local [spmem:s30], $0x200  }
0x92: {  	_ =	swait.ge [sflag:s21], $0x200  }
0x93: {  	[sflag:s21] =	ssyncset.done $0x0  }
0x94: {  	[sflag:s21] =	ssyncadd.s32 $0xFFFFFE00  }
0x95: {  	_ =	sfence.sel $0x180000  }
0x96: {  	[bflag:$0x0] =	sbarrier.arrive $0xFFFF  }
0x97: {  	_ =	strace $0x9000004D  }
0x98: {  	s0 =	stileid.u32;
	[bflag:$0x2] =	sbarrier.arrive $0xFFFF  }
0x99: {  	p0 =	sne.s32 s0, $0x0;
	s0 =	rddreg [dreg:$0x4]  }
0x9a: {  	s0 =	sadd.s32 @!p0 $0x100000, s0  }
0x9b: {  	[sflag:s0] =	ssyncadd.tile.s32 @!p0 $0x1;
	_ =	shalt  }
.Lfunc_end2:
_tile_overlayer_lowered:
.L_overlay_start_2:
0x9c: {  	(tag) =	ssettag $0x2  }
0x9d: {  	s0 =	rddreg [dreg:$0x0];
	s2 =	stileid.u32  }
0x9e: {  	s1 =	rddreg [dreg:$0x1];
	p0 =	sne.s32 s2, $0x0  }
0x9f: {  	s3 =	rddreg [dreg:$0x2];
	[bflag:$0x3] =	sbarrier.arrive $0xFFFF;
	s2 =	simm.s32 @!p0 $0x1C03  }
0xa0: {  	[timem:s3], [sflag:s2] =	dma.local @!p0 [hbm:s0], s1  }
0xa1: {  	s0 =	simm.s32 @!p0 $0x3  }
0xa2: {  	_ =	swait.ge @!p0 [sflag:s0], s1  }
0xa3: {  	s1 =	ssub.s32 @!p0 $0x0, s1;
	[sflag:s0] =	ssyncset.done @!p0 $0x0  }
0xa4: {  	[sflag:s0] =	ssyncadd.s32 @!p0 s1  }
0xa5: {  	[bflag:$0x3] =	sbarrier.arrive $0xFFFF  }
0xa6: {  	_ =	shalt  }

// kernel: kernel.20.cloned.1.call-start
scs
__scs_entry_jumppad:
0x0: {  	(pc) =	sbr.rel $0x88, $3  }
0x1: {  	(tag) =	ssettag $0x0;
	lr =	simm.s32 $0x1  }
0x2: {  	[smem:$0x3F99] =	sst lr;
	_ =	strace $0xD0000000  }
0x3: {  	_ = 	snop  }
0x4: {  	_ = 	snop  }
0x5: {  	_ = 	snop  }
0x6: {  	_ = 	snop  }
0x7: {  	_ = 	snop  }
__scs_overlays_trampoline_lowered:
0x8: {  	[smem:$0x3FA8] =	sst s0  }
0x9: {  	[smem:$0x3FA9] =	sst s1  }
0xa: {  	[smem:$0x3FAA] =	sst s2  }
0xb: {  	[smem:$0x3FAB] =	sst s3  }
0xc: {  	[smem:$0x3FAC] =	sst s4  }
0xd: {  	[smem:$0x3FAD] =	sst s5  }
0xe: {  	[smem:$0x3FAE] =	sst s6  }
0xf: {  	[smem:$0x3FAF] =	sst s7  }
0x10: {  	[smem:$0x3FB0] =	sst s8  }
0x11: {  	[smem:$0x3FB1] =	sst s9;
	s0 =	simm.s32 @!p0 $0x0  }
0x12: {  	s1 =	sld [smem:$0x3F97];
	s0 =	simm.s32 @p0 $0x1  }
0x13: {  	[smem:$0x3FB2] =	sst s0;
	s0 =	simm.s32 @!p1 $0x0  }
0x14: {  	s2 =	sld [smem:$0x3F96];
	s0 =	simm.s32 @p1 $0x1  }
0x15: {  	[smem:$0x3FB3] =	sst s0;
	s0 =	simm.s32 @!p2 $0x0  }
0x16: {  	s3 =	sld [smem:$0x3FDB];
	s0 =	simm.s32 @p2 $0x1  }
0x17: {  	s4 =	simm.s32 $0x1BF5;
	[smem:$0x3FB5] =	sst s0  }
0x18: {  	s0 =	sld [smem:$0x3F98];
	_ =	swait.ge [sflag:s4], $0x0  }
0x19: {  	s7 =	sld [smem:$0x3F99]  }
0x1a: {  	s8 =	sadd.s32 $0xFFFFE003, lr  }
0x1b: {  	s9 =	sadd.s32 $0xFFFFFEF7, lr;
	s5 =	simm.s32 $0xFFFFFFFF;
	p2 =	slt.u32 s8, $0xFFFFF086  }
0x1c: {  	p1 =	slt.u32 s9, $0xF7A;
	s5 =	simm.s32 @!p2 $0x0  }
0x1d: {  	s5 =	simm.s32 @p1 $0x1;
	p0 =	seq.s32 s7, s2  }
0x1e: {  	s7 =	smul.u32 @!p0 $0xF7A, s2;
	p2 =	seq.s32 @!p0 s5, $0x0  }
0x1f: {  	s9 =	smul.u32 $0xF7A, s1;
	s8 =	simm.s32 @!p0 $0x1BF5;
	p2 =	por !p2, p0  }
0x20: {  	[sflag:s8] =	ssyncset.s32 @!p0 $0xFFFFF086;
	s6 =	sadd.s32 @!p0 s3, s7;
	s7 =	simm.s32 @!p0 $0x108  }
0x21: {  	s3 =	sadd.s32 s3, s9;
	s6 =	sadd.s32 @!p0 $0x88, s6;
	s7 =	simm.s32 @p2 $0x1082  }
0x22: {  	[simem:s7], [sflag:s8] =	dma.local @!p0 [hbm:s6], $0xF7A  }
0x23: {  	s9 =	sor.u32 $0xD0000000, s2;
	s6 =	simm.s32 $0x108;
	_ =	swait.ge @!p0 [sflag:s8], $0x0  }
0x24: {  	s3 =	sadd.s32 $0x88, s3;
	s6 =	simm.s32 @!p1 $0x1082;
	[sflag:s4] =	ssyncset.s32 $0xFFFFF086  }
0x25: {  	[simem:s6], [sflag:s4] =	dma.local [hbm:s3], $0xF7A  }
0x26: {  	[smem:$0x3F99] =	sst s1;
	(tag) =	ssettag s2;
	_ =	strace s9  }
0x27: {  	s1 =	sld [smem:$0x3FA9]  }
0x28: {  	s2 =	sld [smem:$0x3FAA]  }
0x29: {  	s4 =	sld [smem:$0x3FAC]  }
0x2a: {  	p0 =	seq.s32 s5, $0x0;
	s5 =	sld [smem:$0x3FAD]  }
0x2b: {  	s6 =	sld [smem:$0x3FAE]  }
0x2c: {  	s7 =	sld [smem:$0x3FAF]  }
0x2d: {  	s3 =	simm.s32 $0x108;
	s8 =	sld [smem:$0x3FB0]  }
0x2e: {  	s3 =	simm.s32 @!p0 $0x1082;
	s9 =	sld [smem:$0x3FB1]  }
0x2f: {  	lr =	sadd.s32 s0, s3;
	s0 =	sld [smem:$0x3FA8]  }
0x30: {  	s3 =	sld [smem:$0x3FAB]  }
0x31: {  	[smem:$0x3FB4] =	sst s10  }
0x32: {  	s10 =	sld [smem:$0x3FB2];
	_ =	sdelay $0x3  }
0x33: {  	p0 =	seq.s32 s10, $0x1;
	s10 =	sld [smem:$0x3FB4];
	_ =	sdelay $0x3  }
0x34: {  	[smem:$0x3FB4] =	sst s10  }
0x35: {  	s10 =	sld [smem:$0x3FB3];
	_ =	sdelay $0x3  }
0x36: {  	p1 =	seq.s32 s10, $0x1;
	s10 =	sld [smem:$0x3FB4];
	_ =	sdelay $0x3  }
0x37: {  	[smem:$0x3FB4] =	sst s10  }
0x38: {  	s10 =	sld [smem:$0x3FB5]  }
0x39: {  	_ = 	snop;
	(pc) =	sbr.ind lr, $3  }
0x3a: {  	_ = 	snop  }
0x3b: {  	_ = 	snop  }
0x3c: {  	p2 =	seq.s32 s10, $0x1;
	s10 =	sld [smem:$0x3FB4]  }
0x3d: {  	_ =	shalt  }
0x3e: {  	_ =	shalt  }
0x3f: {  	_ =	shalt  }
0x40: {  	_ =	shalt  }
0x41: {  	_ =	shalt  }
0x42: {  	_ =	shalt  }
0x43: {  	_ =	shalt  }
0x44: {  	_ =	shalt  }
0x45: {  	_ =	shalt  }
0x46: {  	_ =	shalt  }
0x47: {  	_ =	shalt  }
0x48: {  	_ =	shalt  }
0x49: {  	_ =	shalt  }
0x4a: {  	_ =	shalt  }
0x4b: {  	_ =	shalt  }
0x4c: {  	_ =	shalt  }
0x4d: {  	_ =	shalt  }
0x4e: {  	_ =	shalt  }
0x4f: {  	_ =	shalt  }
0x50: {  	_ =	shalt  }
0x51: {  	_ =	shalt  }
0x52: {  	_ =	shalt  }
0x53: {  	_ =	shalt  }
0x54: {  	_ =	shalt  }
0x55: {  	_ =	shalt  }
0x56: {  	_ =	shalt  }
0x57: {  	_ =	shalt  }
0x58: {  	_ =	shalt  }
0x59: {  	_ =	shalt  }
0x5a: {  	_ =	shalt  }
0x5b: {  	_ =	shalt  }
0x5c: {  	_ =	shalt  }
0x5d: {  	_ =	shalt  }
0x5e: {  	_ =	shalt  }
0x5f: {  	_ =	shalt  }
0x60: {  	_ =	shalt  }
0x61: {  	_ =	shalt  }
0x62: {  	_ =	shalt  }
0x63: {  	_ =	shalt  }
0x64: {  	_ =	shalt  }
0x65: {  	_ =	shalt  }
0x66: {  	_ =	shalt  }
0x67: {  	_ =	shalt  }
0x68: {  	_ =	shalt  }
0x69: {  	_ =	shalt  }
0x6a: {  	_ =	shalt  }
0x6b: {  	_ =	shalt  }
0x6c: {  	_ =	shalt  }
0x6d: {  	_ =	shalt  }
0x6e: {  	_ =	shalt  }
0x6f: {  	_ =	shalt  }
0x70: {  	_ =	shalt  }
0x71: {  	_ =	shalt  }
0x72: {  	_ =	shalt  }
0x73: {  	_ =	shalt  }
0x74: {  	_ =	shalt  }
0x75: {  	_ =	shalt  }
0x76: {  	_ =	shalt  }
0x77: {  	_ =	shalt  }
0x78: {  	_ =	shalt  }
0x79: {  	_ =	shalt  }
0x7a: {  	_ =	shalt  }
0x7b: {  	_ =	shalt  }
0x7c: {  	_ =	shalt  }
0x7d: {  	_ =	shalt  }
0x7e: {  	_ =	shalt  }
0x7f: {  	_ =	shalt  }
0x80: {  	_ =	shalt  }
0x81: {  	_ =	shalt  }
0x82: {  	_ =	shalt  }
0x83: {  	_ =	shalt  }
0x84: {  	_ =	shalt  }
0x85: {  	_ =	shalt  }
0x86: {  	_ =	shalt  }
0x87: {  	_ =	shalt  }
.Lfunc_end0:
.L_simem_size_0:
called_computation.3_lowered:
.L_overlay_start_0:
0x88: {  	s2 =	sld [smem:$0x3FD9]  }
0x89: {  	s3 =	sld [smem:$0x3FFE];
	_ =	sdelay $0x1  }
0x8a: {  	s1 =	srdreg.scid  }
0x8b: {  	s0 =	sand.u32 $0x1, s1  }
0x8c: {  	s17 =	sshll.u32 s0, $0xA;
	s2 =	sadd.s32 s3, s2  }
0x8d: {  	s2 =	sadd.s32 s2, s17  }
0x8e: {  	[smem:$0x3FC0] =	sst s2  }
0x8f: {  	_ = 	snop  }
0x90: {  	s2 =	sld [smem:$0x3FD0];
	(tm) =	ssettm $0x1  }
0x91: {  	s18 =	sld [smem:$0x3FFB];
	_ =	sdelay $0x3  }
0x92: {  	_ =	strace s18  }
0x93: {  	s3 =	sld [smem:$0x3FFC];
	_ =	sdelay $0x3  }
0x94: {  	_ =	strace s3  }
0x95: {  	s3 =	sld [smem:$0x3FFD];
	_ =	sdelay $0x3  }
0x96: {  	_ =	strace s3  }
0x97: {  	_ =	strace $0x8FFFFFFF  }
0x98: {  	s19 =	sld [smem:$0x3FDB];
	_ =	sdelay $0x1  }
0x99: {  	s4 =	simm.s32 $_scs_section_size  }
0x9a: {  	s5 =	simm.s32 $_size__tile_overlayer_lowered;
	s6 =	simm.s32 $_tile_overlayer_lowered  }
0x9b: {  	s22 =	simm.s32 $0x1BFF;
	s21 =	sshll.u32 s6, $0x1;
	s3 =	sadd.s32 s4, s19  }
0x9c: {  	s7 =	simm.s32 $0x0;
	s20 =	sshll.u32 s5, $0x1;
	s5 =	sadd.s32 s21, s3  }
0x9d: {  	[timem:s7], [sflag:s22] =	dma.local [hbm:s5], s20  }
0x9e: {  	_ =	swait.ge [sflag:s22], s20  }
0x9f: {  	s4 =	ssub.s32 $0x0, s20;
	[sflag:s22] =	ssyncset.done $0x0  }
0xa0: {  	[sflag:s22] =	ssyncadd.s32 s4;
	_ =	sdelay $0x1  }
0xa1: {  	s23 =	simm.s32 $0x1B8B  }
0xa2: {  	_ =	swait.ge [sflag:s23], $0x1  }
0xa3: {  	[sflag:s23] =	ssyncset.done $0x0  }
0xa4: {  	s25 =	simm.s32 $0x1B8E;
	s24 =	sld [smem:$0x3FFE];
	[sflag:s23] =	ssyncadd.s32 $0xFFFFFFFF  }
0xa5: {  	s26 =	simm.s32 $execute0_lowered;
	[smem:$0x3FD2] =	sst s25  }
0xa6: {  	s5 =	sshll.u32 s26, $0x1;
	_ =	strace $0x8000004F;
	[dreg:$0x1] =	wrdreg $0xFFFFFFFF  }
0xa7: {  	s28 =	simm.s32 $_size_execute0_lowered;
	s3 =	sadd.s32 s3, s5;
	[dreg:$0x0] =	wrdreg $0x0  }
0xa8: {  	s5 =	sshll.u32 s28, $0x1;
	[dreg:$0x2] =	wrdreg s3  }
0xa9: {  	[dreg:$0x3] =	wrdreg s5  }
0xaa: {  	[dreg:$0x4] =	wrdreg $0xC0  }
0xab: {  	_ =	task [dreg:s7], $0x5FFFF  }
0xac: {  	[dreg:$0x1] =	wrdreg $0xFFFFFFFF  }
0xad: {  	[dreg:$0x0] =	wrdreg $0x60  }
0xae: {  	[dreg:$0x2] =	wrdreg s2  }
0xaf: {  	[dreg:$0x3] =	wrdreg s24  }
0xb0: {  	[dreg:$0x4] =	wrdreg $0xC0000  }
0xb1: {  	[dreg:$0x5] =	wrdreg $0x110000  }
0xb2: {  	[dreg:$0x6] =	wrdreg $0x9  }
0xb3: {  	_ =	task.clear_ibuf [dreg:s7], $0x7FFFF;
	_ =	strace $0x9000004F  }
0xb4: {  	s29 =	simm.s32 $0x9;
	_ =	strace $0x80000051  }
0xb5: {  	_ =	swait.ge [sflag:s29], $0x1  }
0xb6: {  	[sflag:s29] =	ssyncadd.s32 $0xFFFFFFFF  }
0xb7: {  	_ =	strace $0x90000051  }
0xb8: {  	_ =	sfence  }
0xb9: {  	s30 =	sld [smem:$0x0];
	_ =	sdelay $0x2  }
0xba: {  	s31 =	sshll.u32 s1, $0xD;
	s1 =	sshrl.u32 s1, $0x2  }
0xbb: {  	s3 =	sand.u32 $0x4000, s31;
	s1 =	sadd.s32 s1, s30  }
0xbc: {  	s0 =	sor.u32 s3, s0;
	s1 =	sshll.u32 s1, $0x11  }
0xbd: {  	s0 =	sor.u32 s1, s0  }
0xbe: {  	s0 =	sadd.s32 $0x8F2B, s0  }
0xbf: {  	[sflag:s0] =	ssyncadd.remote.s32 $0x1  }
0xc0: {  	_ =	sfence.sel $0xFFFF  }
0xc1: {  	[dreg:$0x0] =	wrdreg $0xFFFFFFFF;
	(pc) =	sbr.abs _section_cstart, $3  }
0xc2: {  	[dreg:$0x1] =	wrdreg $0xFFFFFFFF  }
0xc3: {  	_ =	task.clear_ibuf [dreg:s7], $0x2FFFF;
	_ =	strace $0x9FFFFFFF  }
0xc4: {  	(tm) =	ssettm $0x7FFFFFFF  }
0xc5: {  	_ =	shalt  }
tec
execute0_lowered:
.L_overlay_start_1:
0x0: {  	(tag) =	ssettag $0x1  }
0x1: {  	s0 =	rddreg [dreg:$0x0]  }
0x2: {  	s1 =	rddreg [dreg:$0x1]  }
0x3: {  	s2 =	rddreg [dreg:$0x2];
	s8 =	stileid.u32  }
0x4: {  	s4 =	srdreg.scid;
	s3 =	rddreg [dreg:$0x3]  }
0x5: {  	s22 =	simm.s32 $0xA000;
	s28 =	simm.s32 $0x2;
	s31 =	simm.s32 $0x9F80  }
0x6: {  	s5 =	smul.u32 $0xA00, s8;
	s6 =	sand.u32 $0x1, s4;
	s4 =	simm.s32 $0x0  }
0x7: {  	s11 =	smul.u32 $0x5000, s8;
	s24 =	sshll.u32 s8, $0x6;
	[smem:$0x7FF] =	sst s4  }
0x8: {  	s16 =	smul.u32 $0x50000, s6;
	s23 =	ssub.s32 $0x2, s6;
	_ =	strace $0x80000050  }
0x9: {  	s13 =	sadd.s32 s5, s1;
	s1 =	sadd.s32 $0x17200, s1;
	s6 =	sshrl.u32 s23, $0x1  }
0xa: {  	s20 =	sadd.s32 s11, s2;
	s25 =	sadd.s32 $0x1000, s11;
	s17 =	sadd.s32 $0x2000, s11  }
0xb: {  	s18 =	sadd.s32 $0x3000, s11;
	s21 =	sadd.s32 $0x4000, s11;
	s7 =	sadd.s32 s11, s16  }
0xc: {  	s19 =	ssub.s32 s23, s6;
	s6 =	sor.u32 $0x1C03, s24;
	s8 =	sadd.s32 s25, s3  }
0xd: {  	s9 =	sadd.s32 s17, s3;
	s10 =	sadd.s32 s18, s3;
	s12 =	sadd.s32 $0xD200, s13  }
0xe: {  	s13 =	sadd.s32 $0x3200, s13;
	s26 =	sadd.s32 s16, s17;
	s29 =	sadd.s32 s16, s18  }
0xf: {  	s20 =	sshrl.u32 s20, $0x3;
	s24 =	simm.s32 $0x80;
	s14 =	sshrl.u32 s7, $0x3  }
0x10: {  	s7 =	sadd.s32 s11, s3;
	s11 =	sadd.s32 s21, s3;
	s17 =	sshrl.u32 s29, $0x3  }
0x11: {  	s19 =	smax.u32 s19, $0x1;
	s5 =	sadd.s32 s0, s14;
	s0 =	sadd.s32 s16, s25  }
0x12: {  	s14 =	sadd.s32 s1, s14;
	s16 =	sadd.s32 s16, s21;
	s17 =	sadd.s32 s1, s17  }
0x13: {  	s21 =	simm.s32 $0x3;
	s25 =	simm.s32 $0xB000;
	s0 =	sshrl.u32 s0, $0x3  }
0x14: {  	s30 =	sshrl.u32 s16, $0x3;
	s15 =	sadd.s32 s1, s0;
	s0 =	sshrl.u32 s26, $0x3  }
0x15: {  	v0 =	vimm.f32 $0.0e+00;
	s18 =	sadd.s32 s1, s30;
	s26 =	simm.s32 $0x1;
	s16 =	sadd.s32 s1, s0  }
.LBB2_1:
0x16: {  	s1 =	simm.s32 $0x80;
	s0 =	simm.s32 $0x0  }
.LBB2_2:
0x17: {  	p0 =	sne.s32 s1, $0x3F80;
	[tilespmem:s0+$0xA000] =	vst v0;
	s23 =	smov.u32 s1;
	s1 =	sadd.s32 $0x80, s1  }
.Ltmp0:
0x18: {  	[tilespmem:s0+$0xA010] =	vst v0;
	(pc) =	sbr.rel @p0 .LBB2_2-.Ltmp0, $2  }
0x19: {  	_ =	sdelay $0x2  }
0x1a: {  	s0 =	sshra.s32 s23, $0x2  }
0x1b: {  	[tilespmem:s0+$0xA000] =	vst v0  }
0x1c: {  	[tilespmem:s0+$0xA010] =	vst v0  }
0x1d: {  	[spmem:s20], [sflag:s6] =	dma.local [hbm:s5], $0xA00  }
0x1e: {  	_ =	swait.ge [sflag:s21], $0xA00  }
0x1f: {  	[sflag:s21] =	ssyncset.done $0x0  }
0x20: {  	[sflag:s21] =	ssyncadd.s32 $0xFFFFF600  }
0x21: {  	[spmem:s7] =	stream.linear.scatter [tilespmem:s22], [sflag:$0x3], $0x1000, $0x38;
	[tilespmem:$0x16000] =	vst v63  }
0x22: {  	_ =	swait.ge [sflag:s21], $0x1000  }
0x23: {  	[sflag:s21] =	ssyncset.done $0x0  }
0x24: {  	[sflag:s21] =	ssyncadd.s32 $0xFFFFF000  }
0x25: {  	[spmem:s8] =	stream.linear.scatter [tilespmem:s22], [sflag:$0x3], $0x1000, $0x38;
	[tilespmem:$0x16000] =	vst v63  }
0x26: {  	_ =	swait.ge [sflag:s21], $0x1000  }
0x27: {  	[sflag:s21] =	ssyncset.done $0x0  }
0x28: {  	[sflag:s21] =	ssyncadd.s32 $0xFFFFF000  }
0x29: {  	[spmem:s9] =	stream.linear.scatter [tilespmem:s22], [sflag:$0x3], $0x1000, $0x38;
	[tilespmem:$0x16000] =	vst v63  }
0x2a: {  	_ =	swait.ge [sflag:s21], $0x1000  }
0x2b: {  	[sflag:s21] =	ssyncset.done $0x0  }
0x2c: {  	[sflag:s21] =	ssyncadd.s32 $0xFFFFF000  }
0x2d: {  	[spmem:s10] =	stream.linear.scatter [tilespmem:s22], [sflag:$0x3], $0x1000, $0x38;
	[tilespmem:$0x16000] =	vst v63  }
0x2e: {  	_ =	swait.ge [sflag:s21], $0x1000  }
0x2f: {  	[sflag:s21] =	ssyncset.done $0x0  }
0x30: {  	[sflag:s21] =	ssyncadd.s32 $0xFFFFF000  }
0x31: {  	[spmem:s11] =	stream.linear.scatter [tilespmem:s22], [sflag:$0x3], $0x1000, $0x38;
	[tilespmem:$0x16000] =	vst v63  }
0x32: {  	_ =	swait.ge [sflag:s21], $0x1000  }
0x33: {  	[sflag:s21] =	ssyncset.done $0x0  }
0x34: {  	[sflag:s21] =	ssyncadd.s32 $0xFFFFF000  }
0x35: {  	s30 =	simm.s32 $0x0;
	[bflag:$0x0] =	sbarrier.arrive $0xFFFF  }
0x36: {  	[tilespmem:s30], [sflag:$0x3] =	stream.linear.gather [hbm4b:s12+s30], $0x5000, $0x38;
	[tilespmem:$0x16000] =	vst v63  }
0x37: {  	_ =	swait.ge [sflag:s21], $0x5000  }
0x38: {  	[sflag:s21] =	ssyncset.done $0x0  }
0x39: {  	s1 =	simm.s32 $0x5000;
	[sflag:s21] =	ssyncadd.s32 $0xFFFFB000  }
0x3a: {  	[tilespmem:s1], [sflag:$0x3] =	stream.linear.gather [hbm4b:s13+s30], $0x5000, $0x38;
	[tilespmem:$0x16000] =	vst v63  }
0x3b: {  	_ =	swait.ge [sflag:s21], $0x5000  }
0x3c: {  	[sflag:s21] =	ssyncset.done $0x0  }
0x3d: {  	[sflag:s21] =	ssyncadd.s32 $0xFFFFB000  }
0x3e: {  	[tilespmem:s22], [sflag:$0x1] =	stream.indirect.gather [spmem:s2], $0x20, s30, s24, $0xb8;
	[tilespmem:$0x16000] =	vst v63  }
0x3f: {  	s1 =	simm.s32 $0x80  }
0x40: {  	[tilespmem:s25], [sflag:$0x2] =	stream.indirect.gather [spmem:s2], $0x20, s1, s24, $0xb8;
	[tilespmem:$0x16000] =	vst v63  }
0x41: {  	_ =	swait.ge [sflag:s26], $0x1000  }
0x42: {  	[sflag:s26] =	ssyncset.done $0x0  }
0x43: {  	s23 =	simm.s32 $0x5000;
	[sflag:s26] =	ssyncadd.s32 $0xFFFFF000  }
0x44: {  	[spmem:s3] =	stream.indirect.scatter.add.f32 [tilespmem:s22], [sflag:$0x3], $0x20, s23, s24, $0xb8;
	[tilespmem:$0x16000] =	vst v63  }
0x45: {  	_ =	swait.ge [sflag:s21], $0x1000  }
0x46: {  	[sflag:s21] =	ssyncset.done $0x0  }
0x47: {  	s29 =	simm.s32 $0x100;
	[sflag:s21] =	ssyncadd.s32 $0xFFFFF000  }
0x48: {  	[tilespmem:s22], [sflag:$0x1] =	stream.indirect.gather [spmem:s2], $0x20, s29, s24, $0xb8;
	[tilespmem:$0x16000] =	vst v63  }
0x49: {  	_ =	swait.ge [sflag:s28], $0x1000  }
0x4a: {  	[sflag:s28] =	ssyncset.done $0x0  }
0x4b: {  	s30 =	simm.s32 $0x5080;
	[sflag:s28] =	ssyncadd.s32 $0xFFFFF000  }
0x4c: {  	[spmem:s3] =	stream.indirect.scatter.add.f32 [tilespmem:s25], [sflag:$0x3], $0x20, s30, s24, $0xb8;
	[tilespmem:$0x16000] =	vst v63  }
0x4d: {  	_ =	swait.ge [sflag:s21], $0x1000  }
0x4e: {  	s0 =	simm.s32 $0x800;
	s1 =	simm.s32 $0x100;
	[sflag:s21] =	ssyncset.done $0x0  }
.LBB2_4:
0x4f: {  	s23 =	sadd.s32 $0x80, s1  }
0x50: {  	[sflag:s21] =	ssyncadd.s32 $0xFFFFF000;
	s29 =	smov.u32 s0;
	s30 =	sadd.s32 $0x400, s0  }
0x51: {  	[tilespmem:s25], [sflag:$0x2] =	stream.indirect.gather [spmem:s2], $0x20, s23, s24, $0xb8;
	[tilespmem:$0x16000] =	vst v63  }
0x52: {  	p0 =	sne.s32 s0, $0x13800;
	_ =	swait.ge [sflag:s26], $0x1000  }
0x53: {  	[sflag:s26] =	ssyncset.done $0x0  }
0x54: {  	s0 =	sadd.s32 $0x5000, s1;
	[sflag:s26] =	ssyncadd.s32 $0xFFFFF000  }
0x55: {  	[spmem:s3] =	stream.indirect.scatter.add.f32 [tilespmem:s22], [sflag:$0x3], $0x20, s0, s24, $0xb8;
	[tilespmem:$0x16000] =	vst v63  }
0x56: {  	_ =	swait.ge [sflag:s21], $0x1000  }
0x57: {  	[sflag:s21] =	ssyncset.done $0x0  }
0x58: {  	s0 =	sadd.s32 $0x100, s1;
	[sflag:s21] =	ssyncadd.s32 $0xFFFFF000  }
0x59: {  	[tilespmem:s22], [sflag:$0x1] =	stream.indirect.gather [spmem:s2], $0x20, s0, s24, $0xb8;
	[tilespmem:$0x16000] =	vst v63  }
0x5a: {  	_ =	swait.ge [sflag:s28], $0x1000  }
.Ltmp1:
0x5b: {  	[sflag:s28] =	ssyncset.done $0x0;
	(pc) =	sbr.rel @p0 .LBB2_4-.Ltmp1, $4  }
0x5c: {  	s0 =	sadd.s32 $0x5080, s1;
	[sflag:s28] =	ssyncadd.s32 $0xFFFFF000  }
0x5d: {  	[spmem:s3] =	stream.indirect.scatter.add.f32 [tilespmem:s25], [sflag:$0x3], $0x20, s0, s24, $0xb8;
	[tilespmem:$0x16000] =	vst v63  }
0x5e: {  	_ =	swait.ge [sflag:s21], $0x1000  }
0x5f: {  	s1 =	sshra.s32 s29, $0x2;
	s0 =	smov.u32 s30;
	[sflag:s21] =	ssyncset.done $0x0  }
0x60: {  	s0 =	sadd.s32 $0x80, s1;
	[sflag:s21] =	ssyncadd.s32 $0xFFFFF000  }
0x61: {  	[tilespmem:s25], [sflag:$0x2] =	stream.indirect.gather [spmem:s2], $0x20, s0, s24, $0xb8;
	[tilespmem:$0x16000] =	vst v63  }
0x62: {  	_ =	swait.ge [sflag:s26], $0x1000  }
0x63: {  	[sflag:s26] =	ssyncset.done $0x0  }
0x64: {  	s29 =	sadd.s32 $0x5000, s1;
	[sflag:s26] =	ssyncadd.s32 $0xFFFFF000  }
0x65: {  	[spmem:s3] =	stream.indirect.scatter.add.f32 [tilespmem:s22], [sflag:$0x3], $0x20, s29, s24, $0xb8;
	[tilespmem:$0x16000] =	vst v63  }
0x66: {  	_ =	swait.ge [sflag:s21], $0x1000  }
0x67: {  	[sflag:s21] =	ssyncset.done $0x0  }
0x68: {  	s30 =	sadd.s32 $0x100, s1;
	[sflag:s21] =	ssyncadd.s32 $0xFFFFF000  }
0x69: {  	[tilespmem:s22], [sflag:$0x1] =	stream.indirect.gather [spmem:s2], $0x20, s30, s24, $0xb8;
	[tilespmem:$0x16000] =	vst v63  }
0x6a: {  	_ =	swait.ge [sflag:s28], $0x1000  }
0x6b: {  	[sflag:s28] =	ssyncset.done $0x0  }
0x6c: {  	s1 =	sadd.s32 $0x5080, s1;
	[sflag:s28] =	ssyncadd.s32 $0xFFFFF000  }
0x6d: {  	[spmem:s3] =	stream.indirect.scatter.add.f32 [tilespmem:s25], [sflag:$0x3], $0x20, s1, s24, $0xb8;
	[tilespmem:$0x16000] =	vst v63  }
0x6e: {  	_ =	swait.ge [sflag:s21], $0x1000  }
0x6f: {  	[sflag:s21] =	ssyncset.done $0x0  }
0x70: {  	s23 =	simm.s32 $0x4F80;
	[sflag:s21] =	ssyncadd.s32 $0xFFFFF000  }
0x71: {  	[tilespmem:s25], [sflag:$0x2] =	stream.indirect.gather [spmem:s2], $0x20, s23, s24, $0xb8;
	[tilespmem:$0x16000] =	vst v63  }
0x72: {  	_ =	swait.ge [sflag:s26], $0x1000  }
0x73: {  	[sflag:s26] =	ssyncset.done $0x0  }
0x74: {  	s29 =	simm.s32 $0x9F00;
	[sflag:s26] =	ssyncadd.s32 $0xFFFFF000  }
0x75: {  	[spmem:s3] =	stream.indirect.scatter.add.f32 [tilespmem:s22], [sflag:$0x3], $0x20, s29, s24, $0xb8;
	[tilespmem:$0x16000] =	vst v63  }
0x76: {  	_ =	swait.ge [sflag:s21], $0x1000  }
0x77: {  	[sflag:s21] =	ssyncset.done $0x0  }
0x78: {  	[sflag:s21] =	ssyncadd.s32 $0xFFFFF000  }
0x79: {  	_ =	swait.ge [sflag:s28], $0x1000  }
0x7a: {  	[sflag:s28] =	ssyncset.done $0x0  }
0x7b: {  	[sflag:s28] =	ssyncadd.s32 $0xFFFFF000  }
0x7c: {  	[spmem:s3] =	stream.indirect.scatter.add.f32 [tilespmem:s25], [sflag:$0x3], $0x20, s31, s24, $0xb8;
	[tilespmem:$0x16000] =	vst v63  }
0x7d: {  	_ =	swait.ge [sflag:s21], $0x1000  }
0x7e: {  	[sflag:s21] =	ssyncset.done $0x0  }
0x7f: {  	[sflag:s21] =	ssyncadd.s32 $0xFFFFF000  }
0x80: {  	s30 =	sshrl.u32 s7, $0x3;
	[bflag:$0x0] =	sbarrier.arrive $0xFFFF  }
0x81: {  	[hbm:s14], [sflag:s6] =	dma.local [spmem:s30], $0x200  }
0x82: {  	_ =	swait.ge [sflag:s21], $0x200  }
0x83: {  	[sflag:s21] =	ssyncset.done $0x0  }
0x84: {  	s1 =	sshrl.u32 s8, $0x3;
	[sflag:s21] =	ssyncadd.s32 $0xFFFFFE00  }
0x85: {  	[hbm:s15], [sflag:s6] =	dma.local [spmem:s1], $0x200  }
0x86: {  	_ =	swait.ge [sflag:s21], $0x200  }
0x87: {  	[sflag:s21] =	ssyncset.done $0x0  }
0x88: {  	s23 =	sshrl.u32 s9, $0x3;
	[sflag:s21] =	ssyncadd.s32 $0xFFFFFE00  }
0x89: {  	[hbm:s16], [sflag:s6] =	dma.local [spmem:s23], $0x200  }
0x8a: {  	_ =	swait.ge [sflag:s21], $0x200  }
0x8b: {  	[sflag:s21] =	ssyncset.done $0x0  }
0x8c: {  	s29 =	sshrl.u32 s10, $0x3;
	[sflag:s21] =	ssyncadd.s32 $0xFFFFFE00  }
0x8d: {  	[hbm:s17], [sflag:s6] =	dma.local [spmem:s29], $0x200  }
0x8e: {  	s4 =	sadd.s32 $0x1, s4;
	_ =	swait.ge [sflag:s21], $0x200  }
0x8f: {  	p0 =	sne.s32 s4, s19;
	[sflag:s21] =	ssyncset.done $0x0  }
.Ltmp2:
0x90: {  	s30 =	sshrl.u32 s11, $0x3;
	[sflag:s21] =	ssyncadd.s32 $0xFFFFFE00;
	(pc) =	sbr.rel @p0 .LBB2_1-.Ltmp2, $4  }
0x91: {  	[hbm:s18], [sflag:s6] =	dma.local [spmem:s30], $0x200  }
0x92: {  	_ =	swait.ge [sflag:s21], $0x200  }
0x93: {  	[sflag:s21] =	ssyncset.done $0x0  }
0x94: {  	[sflag:s21] =	ssyncadd.s32 $0xFFFFFE00  }
0x95: {  	_ =	sfence.sel $0x180000  }
0x96: {  	[bflag:$0x0] =	sbarrier.arrive $0xFFFF  }
0x97: {  	_ =	strace $0x90000050  }
0x98: {  	s0 =	stileid.u32;
	[bflag:$0x2] =	sbarrier.arrive $0xFFFF  }
0x99: {  	p0 =	sne.s32 s0, $0x0;
	s0 =	rddreg [dreg:$0x4]  }
0x9a: {  	s0 =	sadd.s32 @!p0 $0x100000, s0  }
0x9b: {  	[sflag:s0] =	ssyncadd.tile.s32 @!p0 $0x1;
	_ =	shalt  }
.Lfunc_end2:
_tile_overlayer_lowered:
.L_overlay_start_2:
0x9c: {  	(tag) =	ssettag $0x2  }
0x9d: {  	s0 =	rddreg [dreg:$0x0];
	s2 =	stileid.u32  }
0x9e: {  	s1 =	rddreg [dreg:$0x1];
	p0 =	sne.s32 s2, $0x0  }
0x9f: {  	s3 =	rddreg [dreg:$0x2];
	[bflag:$0x3] =	sbarrier.arrive $0xFFFF;
	s2 =	simm.s32 @!p0 $0x1C03  }
0xa0: {  	[timem:s3], [sflag:s2] =	dma.local @!p0 [hbm:s0], s1  }
0xa1: {  	s0 =	simm.s32 @!p0 $0x3  }
0xa2: {  	_ =	swait.ge @!p0 [sflag:s0], s1  }
0xa3: {  	s1 =	ssub.s32 @!p0 $0x0, s1;
	[sflag:s0] =	ssyncset.done @!p0 $0x0  }
0xa4: {  	[sflag:s0] =	ssyncadd.s32 @!p0 s1  }
0xa5: {  	[bflag:$0x3] =	sbarrier.arrive $0xFFFF  }
0xa6: {  	_ =	shalt  }

// kernel: kernel.23.cloned.1.call-start
scs
__scs_entry_jumppad:
0x0: {  	(pc) =	sbr.rel $0x88, $3  }
0x1: {  	(tag) =	ssettag $0x0;
	lr =	simm.s32 $0x1  }
0x2: {  	[smem:$0x3F99] =	sst lr;
	_ =	strace $0xD0000000  }
0x3: {  	_ = 	snop  }
0x4: {  	_ = 	snop  }
0x5: {  	_ = 	snop  }
0x6: {  	_ = 	snop  }
0x7: {  	_ = 	snop  }
__scs_overlays_trampoline_lowered:
0x8: {  	[smem:$0x3FA8] =	sst s0  }
0x9: {  	[smem:$0x3FA9] =	sst s1  }
0xa: {  	[smem:$0x3FAA] =	sst s2  }
0xb: {  	[smem:$0x3FAB] =	sst s3  }
0xc: {  	[smem:$0x3FAC] =	sst s4  }
0xd: {  	[smem:$0x3FAD] =	sst s5  }
0xe: {  	[smem:$0x3FAE] =	sst s6  }
0xf: {  	[smem:$0x3FAF] =	sst s7  }
0x10: {  	[smem:$0x3FB0] =	sst s8  }
0x11: {  	[smem:$0x3FB1] =	sst s9;
	s0 =	simm.s32 @!p0 $0x0  }
0x12: {  	s1 =	sld [smem:$0x3F97];
	s0 =	simm.s32 @p0 $0x1  }
0x13: {  	[smem:$0x3FB2] =	sst s0;
	s0 =	simm.s32 @!p1 $0x0  }
0x14: {  	s2 =	sld [smem:$0x3F96];
	s0 =	simm.s32 @p1 $0x1  }
0x15: {  	[smem:$0x3FB3] =	sst s0;
	s0 =	simm.s32 @!p2 $0x0  }
0x16: {  	s3 =	sld [smem:$0x3FDB];
	s0 =	simm.s32 @p2 $0x1  }
0x17: {  	s4 =	simm.s32 $0x1BF5;
	[smem:$0x3FB5] =	sst s0  }
0x18: {  	s0 =	sld [smem:$0x3F98];
	_ =	swait.ge [sflag:s4], $0x0  }
0x19: {  	s7 =	sld [smem:$0x3F99]  }
0x1a: {  	s8 =	sadd.s32 $0xFFFFE003, lr  }
0x1b: {  	s9 =	sadd.s32 $0xFFFFFEF7, lr;
	s5 =	simm.s32 $0xFFFFFFFF;
	p2 =	slt.u32 s8, $0xFFFFF086  }
0x1c: {  	p1 =	slt.u32 s9, $0xF7A;
	s5 =	simm.s32 @!p2 $0x0  }
0x1d: {  	s5 =	simm.s32 @p1 $0x1;
	p0 =	seq.s32 s7, s2  }
0x1e: {  	s7 =	smul.u32 @!p0 $0xF7A, s2;
	p2 =	seq.s32 @!p0 s5, $0x0  }
0x1f: {  	s9 =	smul.u32 $0xF7A, s1;
	s8 =	simm.s32 @!p0 $0x1BF5;
	p2 =	por !p2, p0  }
0x20: {  	[sflag:s8] =	ssyncset.s32 @!p0 $0xFFFFF086;
	s6 =	sadd.s32 @!p0 s3, s7;
	s7 =	simm.s32 @!p0 $0x108  }
0x21: {  	s3 =	sadd.s32 s3, s9;
	s6 =	sadd.s32 @!p0 $0x88, s6;
	s7 =	simm.s32 @p2 $0x1082  }
0x22: {  	[simem:s7], [sflag:s8] =	dma.local @!p0 [hbm:s6], $0xF7A  }
0x23: {  	s9 =	sor.u32 $0xD0000000, s2;
	s6 =	simm.s32 $0x108;
	_ =	swait.ge @!p0 [sflag:s8], $0x0  }
0x24: {  	s3 =	sadd.s32 $0x88, s3;
	s6 =	simm.s32 @!p1 $0x1082;
	[sflag:s4] =	ssyncset.s32 $0xFFFFF086  }
0x25: {  	[simem:s6], [sflag:s4] =	dma.local [hbm:s3], $0xF7A  }
0x26: {  	[smem:$0x3F99] =	sst s1;
	(tag) =	ssettag s2;
	_ =	strace s9  }
0x27: {  	s1 =	sld [smem:$0x3FA9]  }
0x28: {  	s2 =	sld [smem:$0x3FAA]  }
0x29: {  	s4 =	sld [smem:$0x3FAC]  }
0x2a: {  	p0 =	seq.s32 s5, $0x0;
	s5 =	sld [smem:$0x3FAD]  }
0x2b: {  	s6 =	sld [smem:$0x3FAE]  }
0x2c: {  	s7 =	sld [smem:$0x3FAF]  }
0x2d: {  	s3 =	simm.s32 $0x108;
	s8 =	sld [smem:$0x3FB0]  }
0x2e: {  	s3 =	simm.s32 @!p0 $0x1082;
	s9 =	sld [smem:$0x3FB1]  }
0x2f: {  	lr =	sadd.s32 s0, s3;
	s0 =	sld [smem:$0x3FA8]  }
0x30: {  	s3 =	sld [smem:$0x3FAB]  }
0x31: {  	[smem:$0x3FB4] =	sst s10  }
0x32: {  	s10 =	sld [smem:$0x3FB2];
	_ =	sdelay $0x3  }
0x33: {  	p0 =	seq.s32 s10, $0x1;
	s10 =	sld [smem:$0x3FB4];
	_ =	sdelay $0x3  }
0x34: {  	[smem:$0x3FB4] =	sst s10  }
0x35: {  	s10 =	sld [smem:$0x3FB3];
	_ =	sdelay $0x3  }
0x36: {  	p1 =	seq.s32 s10, $0x1;
	s10 =	sld [smem:$0x3FB4];
	_ =	sdelay $0x3  }
0x37: {  	[smem:$0x3FB4] =	sst s10  }
0x38: {  	s10 =	sld [smem:$0x3FB5]  }
0x39: {  	_ = 	snop;
	(pc) =	sbr.ind lr, $3  }
0x3a: {  	_ = 	snop  }
0x3b: {  	_ = 	snop  }
0x3c: {  	p2 =	seq.s32 s10, $0x1;
	s10 =	sld [smem:$0x3FB4]  }
0x3d: {  	_ =	shalt  }
0x3e: {  	_ =	shalt  }
0x3f: {  	_ =	shalt  }
0x40: {  	_ =	shalt  }
0x41: {  	_ =	shalt  }
0x42: {  	_ =	shalt  }
0x43: {  	_ =	shalt  }
0x44: {  	_ =	shalt  }
0x45: {  	_ =	shalt  }
0x46: {  	_ =	shalt  }
0x47: {  	_ =	shalt  }
0x48: {  	_ =	shalt  }
0x49: {  	_ =	shalt  }
0x4a: {  	_ =	shalt  }
0x4b: {  	_ =	shalt  }
0x4c: {  	_ =	shalt  }
0x4d: {  	_ =	shalt  }
0x4e: {  	_ =	shalt  }
0x4f: {  	_ =	shalt  }
0x50: {  	_ =	shalt  }
0x51: {  	_ =	shalt  }
0x52: {  	_ =	shalt  }
0x53: {  	_ =	shalt  }
0x54: {  	_ =	shalt  }
0x55: {  	_ =	shalt  }
0x56: {  	_ =	shalt  }
0x57: {  	_ =	shalt  }
0x58: {  	_ =	shalt  }
0x59: {  	_ =	shalt  }
0x5a: {  	_ =	shalt  }
0x5b: {  	_ =	shalt  }
0x5c: {  	_ =	shalt  }
0x5d: {  	_ =	shalt  }
0x5e: {  	_ =	shalt  }
0x5f: {  	_ =	shalt  }
0x60: {  	_ =	shalt  }
0x61: {  	_ =	shalt  }
0x62: {  	_ =	shalt  }
0x63: {  	_ =	shalt  }
0x64: {  	_ =	shalt  }
0x65: {  	_ =	shalt  }
0x66: {  	_ =	shalt  }
0x67: {  	_ =	shalt  }
0x68: {  	_ =	shalt  }
0x69: {  	_ =	shalt  }
0x6a: {  	_ =	shalt  }
0x6b: {  	_ =	shalt  }
0x6c: {  	_ =	shalt  }
0x6d: {  	_ =	shalt  }
0x6e: {  	_ =	shalt  }
0x6f: {  	_ =	shalt  }
0x70: {  	_ =	shalt  }
0x71: {  	_ =	shalt  }
0x72: {  	_ =	shalt  }
0x73: {  	_ =	shalt  }
0x74: {  	_ =	shalt  }
0x75: {  	_ =	shalt  }
0x76: {  	_ =	shalt  }
0x77: {  	_ =	shalt  }
0x78: {  	_ =	shalt  }
0x79: {  	_ =	shalt  }
0x7a: {  	_ =	shalt  }
0x7b: {  	_ =	shalt  }
0x7c: {  	_ =	shalt  }
0x7d: {  	_ =	shalt  }
0x7e: {  	_ =	shalt  }
0x7f: {  	_ =	shalt  }
0x80: {  	_ =	shalt  }
0x81: {  	_ =	shalt  }
0x82: {  	_ =	shalt  }
0x83: {  	_ =	shalt  }
0x84: {  	_ =	shalt  }
0x85: {  	_ =	shalt  }
0x86: {  	_ =	shalt  }
0x87: {  	_ =	shalt  }
.Lfunc_end0:
.L_simem_size_0:
called_computation.4_lowered:
.L_overlay_start_0:
0x88: {  	s2 =	sld [smem:$0x3FD9]  }
0x89: {  	s3 =	sld [smem:$0x3FFE];
	_ =	sdelay $0x1  }
0x8a: {  	s1 =	srdreg.scid  }
0x8b: {  	s0 =	sand.u32 $0x1, s1  }
0x8c: {  	s17 =	sshll.u32 s0, $0xA;
	s2 =	sadd.s32 s3, s2  }
0x8d: {  	s2 =	sadd.s32 s2, s17  }
0x8e: {  	[smem:$0x3FC0] =	sst s2  }
0x8f: {  	_ = 	snop  }
0x90: {  	(tm) =	ssettm $0x1  }
0x91: {  	s18 =	sld [smem:$0x3FFB];
	_ =	sdelay $0x3  }
0x92: {  	_ =	strace s18  }
0x93: {  	s2 =	sld [smem:$0x3FFC];
	_ =	sdelay $0x3  }
0x94: {  	_ =	strace s2  }
0x95: {  	s2 =	sld [smem:$0x3FFD];
	_ =	sdelay $0x3  }
0x96: {  	_ =	strace s2  }
0x97: {  	_ =	strace $0x8FFFFFFF  }
0x98: {  	s19 =	sld [smem:$0x3FDB];
	_ =	sdelay $0x1  }
0x99: {  	s20 =	simm.s32 $_scs_section_size  }
0x9a: {  	s4 =	simm.s32 $_size__tile_overlayer_lowered;
	s5 =	simm.s32 $_tile_overlayer_lowered  }
0x9b: {  	s6 =	simm.s32 $0x1BFF;
	s21 =	sshll.u32 s5, $0x1;
	s3 =	sadd.s32 s20, s19  }
0x9c: {  	s22 =	simm.s32 $0x0;
	s4 =	sshll.u32 s4, $0x1;
	s5 =	sadd.s32 s21, s3  }
0x9d: {  	[timem:s22], [sflag:s6] =	dma.local [hbm:s5], s4  }
0x9e: {  	_ =	swait.ge [sflag:s6], s4  }
0x9f: {  	s4 =	ssub.s32 $0x0, s4;
	[sflag:s6] =	ssyncset.done $0x0  }
0xa0: {  	[sflag:s6] =	ssyncadd.s32 s4;
	_ =	sdelay $0x1  }
0xa1: {  	s23 =	simm.s32 $0x1B8B  }
0xa2: {  	_ =	swait.ge [sflag:s23], $0x1  }
0xa3: {  	[sflag:s23] =	ssyncset.done $0x0  }
0xa4: {  	[sflag:s23] =	ssyncadd.s32 $0xFFFFFFFF  }
0xa5: {  	s4 =	sld [smem:$0x0]  }
0xa6: {  	s5 =	sand.u32 $0xFFFFFFFE, s1  }
0xa7: {  	p0 =	sne.s32 s1, s5  }
0xa8: {  	s5 =	sshll.u32 @p0 s5, $0xE  }
0xa9: {  	s5 =	sadd.s32 @p0 $0x11B8D, s5;
	s6 =	sshll.u32 @p0 s4, $0x11  }
0xaa: {  	s5 =	sor.u32 @p0 s6, s5  }
0xab: {  	[sflag:s5] =	ssyncadd.remote.s32 @p0 $0x1;
	_ =	sdelay $0x1  }
0xac: {  	s5 =	simm.s32 @p0 $0x1B8D  }
0xad: {  	_ =	swait.eq @p0 [sflag:s5], $0x1  }
0xae: {  	[sflag:s5] =	ssyncadd.s32 @p0 $0xFFFFFFFF  }
0xaf: {  	s6 =	sshll.u32 @!p0 s1, $0xE  }
0xb0: {  	s6 =	sor.u32 @!p0 $0x4000, s6;
	s5 =	simm.s32 @!p0 $0x1B8D  }
0xb1: {  	s4 =	sshll.u32 @!p0 s4, $0x11;
	s6 =	sadd.s32 @!p0 $0x11B8D, s6;
	_ =	swait.eq @!p0 [sflag:s5], $0x1  }
0xb2: {  	s4 =	sor.u32 @!p0 s4, s6;
	[sflag:s5] =	ssyncadd.s32 @!p0 $0xFFFFFFFF  }
0xb3: {  	s25 =	simm.s32 $0x1B8E;
	s24 =	sld [smem:$0x3FFE];
	[sflag:s4] =	ssyncadd.remote.s32 @!p0 $0x1  }
0xb4: {  	s26 =	simm.s32 $execute0_lowered;
	[smem:$0x3FD2] =	sst s25  }
0xb5: {  	s5 =	sshll.u32 s26, $0x1;
	_ =	strace $0x80000052;
	[dreg:$0x1] =	wrdreg $0xFFFFFFFF  }
0xb6: {  	s28 =	simm.s32 $_size_execute0_lowered;
	s3 =	sadd.s32 s3, s5;
	[dreg:$0x0] =	wrdreg $0x0  }
0xb7: {  	s5 =	sshll.u32 s28, $0x1;
	[dreg:$0x2] =	wrdreg s3  }
0xb8: {  	[dreg:$0x3] =	wrdreg s5  }
0xb9: {  	[dreg:$0x4] =	wrdreg $0xC0  }
0xba: {  	_ =	task [dreg:s22], $0x5FFFF  }
0xbb: {  	[dreg:$0x1] =	wrdreg $0xFFFFFFFF  }
0xbc: {  	[dreg:$0x0] =	wrdreg $0x60  }
0xbd: {  	[dreg:$0x2] =	wrdreg s24  }
0xbe: {  	[dreg:$0x3] =	wrdreg $0xC0000  }
0xbf: {  	[dreg:$0x4] =	wrdreg $0x110000  }
0xc0: {  	[dreg:$0x5] =	wrdreg $0xA  }
0xc1: {  	_ =	task.clear_ibuf [dreg:s22], $0x6FFFF;
	_ =	strace $0x90000052  }
0xc2: {  	s29 =	simm.s32 $0xA;
	_ =	strace $0x80000054  }
0xc3: {  	_ =	swait.ge [sflag:s29], $0x1  }
0xc4: {  	[sflag:s29] =	ssyncadd.s32 $0xFFFFFFFF  }
0xc5: {  	_ =	strace $0x90000054  }
0xc6: {  	_ =	sfence  }
0xc7: {  	s30 =	sld [smem:$0x0];
	_ =	sdelay $0x2  }
0xc8: {  	s31 =	sshll.u32 s1, $0xD;
	s1 =	sshrl.u32 s1, $0x2  }
0xc9: {  	s4 =	sand.u32 $0x4000, s31;
	s1 =	sadd.s32 s1, s30  }
0xca: {  	s0 =	sor.u32 s4, s0;
	s1 =	sshll.u32 s1, $0x11  }
0xcb: {  	s0 =	sor.u32 s1, s0  }
0xcc: {  	s0 =	sadd.s32 $0x8F2B, s0  }
0xcd: {  	[sflag:s0] =	ssyncadd.remote.s32 $0x1  }
0xce: {  	_ =	sfence.sel $0xFFFF  }
0xcf: {  	[dreg:$0x0] =	wrdreg $0xFFFFFFFF;
	(pc) =	sbr.abs _section_cstart, $3  }
0xd0: {  	[dreg:$0x1] =	wrdreg $0xFFFFFFFF  }
0xd1: {  	_ =	task.clear_ibuf [dreg:s22], $0x2FFFF;
	_ =	strace $0x9FFFFFFF  }
0xd2: {  	(tm) =	ssettm $0x7FFFFFFF  }
0xd3: {  	_ =	shalt  }
tec
execute0_lowered:
.L_overlay_start_1:
0x0: {  	(tag) =	ssettag $0x1  }
0x1: {  	s0 =	rddreg [dreg:$0x0]  }
0x2: {  	s1 =	srdreg.scid;
	s2 =	rddreg [dreg:$0x1]  }
0x3: {  	s7 =	stileid.u32;
	s3 =	rddreg [dreg:$0x2];
	s4 =	simm.s32 $0x0  }
0x4: {  	s21 =	simm.s32 $0x3;
	s22 =	simm.s32 $0xA000;
	s24 =	simm.s32 $0x80  }
0x5: {  	s25 =	simm.s32 $0xB000;
	s26 =	simm.s32 $0x1;
	s28 =	simm.s32 $0x2  }
0x6: {  	s31 =	simm.s32 $0x9F80;
	s1 =	sand.u32 $0x1, s1;
	s11 =	smul.u32 $0x5000, s7  }
0x7: {  	[smem:$0x7FF] =	sst s4;
	s6 =	smul.u32 $0xA00, s7;
	s30 =	sshll.u32 s7, $0x6  }
0x8: {  	s16 =	smul.u32 $0x50000, s1;
	_ =	strace $0x80000053;
	s1 =	ssub.s32 $0x2, s1  }
0x9: {  	s13 =	sadd.s32 s6, s0;
	s29 =	sshrl.u32 s1, $0x1;
	s20 =	sadd.s32 s11, s2  }
0xa: {  	s6 =	sor.u32 $0x1C03, s30;
	s7 =	sadd.s32 s11, s3;
	s12 =	sadd.s32 $0x1000, s11  }
0xb: {  	s17 =	sadd.s32 $0x2000, s11;
	s18 =	sadd.s32 $0x3000, s11;
	s19 =	sadd.s32 $0x4000, s11  }
0xc: {  	s5 =	sadd.s32 s11, s16;
	s1 =	ssub.s32 s1, s29;
	s8 =	sadd.s32 s12, s3  }
0xd: {  	s9 =	sadd.s32 s17, s3;
	s10 =	sadd.s32 s18, s3;
	s15 =	sadd.s32 s16, s12  }
0xe: {  	s11 =	sadd.s32 s19, s3;
	s12 =	sadd.s32 $0xD200, s13;
	s13 =	sadd.s32 $0x3200, s13  }
0xf: {  	s17 =	sadd.s32 s16, s17;
	s18 =	sadd.s32 s16, s18;
	s16 =	sadd.s32 s16, s19  }
0x10: {  	s20 =	sshrl.u32 s20, $0x3;
	s14 =	sshrl.u32 s5, $0x3;
	s15 =	sshrl.u32 s15, $0x3  }
0x11: {  	s17 =	sshrl.u32 s17, $0x3;
	s18 =	sshrl.u32 s18, $0x3;
	s5 =	sadd.s32 s14, s0  }
0x12: {  	s19 =	sshrl.u32 s16, $0x3;
	s0 =	sadd.s32 $0x3F200, s0;
	s5 =	sadd.s32 $0x2B200, s5  }
0x13: {  	s14 =	sadd.s32 s0, s14;
	s15 =	sadd.s32 s0, s15;
	s16 =	sadd.s32 s0, s17  }
0x14: {  	v0 =	vimm.f32 $0.0e+00;
	s17 =	sadd.s32 s0, s18;
	s18 =	sadd.s32 s0, s19;
	s19 =	smax.u32 s1, $0x1  }
.LBB2_1:
0x15: {  	s1 =	simm.s32 $0x80;
	s0 =	simm.s32 $0x0  }
.LBB2_2:
0x16: {  	p0 =	sne.s32 s1, $0x3F80;
	[tilespmem:s0+$0xA000] =	vst v0;
	s23 =	smov.u32 s1;
	s1 =	sadd.s32 $0x80, s1  }
.Ltmp0:
0x17: {  	[tilespmem:s0+$0xA010] =	vst v0;
	(pc) =	sbr.rel @p0 .LBB2_2-.Ltmp0, $2  }
0x18: {  	_ =	sdelay $0x2  }
0x19: {  	s0 =	sshra.s32 s23, $0x2  }
0x1a: {  	[tilespmem:s0+$0xA000] =	vst v0  }
0x1b: {  	[tilespmem:s0+$0xA010] =	vst v0  }
0x1c: {  	[spmem:s20], [sflag:s6] =	dma.local [hbm:s5], $0xA00  }
0x1d: {  	_ =	swait.ge [sflag:s21], $0xA00  }
0x1e: {  	[sflag:s21] =	ssyncset.done $0x0  }
0x1f: {  	[sflag:s21] =	ssyncadd.s32 $0xFFFFF600  }
0x20: {  	[spmem:s7] =	stream.linear.scatter [tilespmem:s22], [sflag:$0x3], $0x1000, $0x38;
	[tilespmem:$0x16000] =	vst v63  }
0x21: {  	_ =	swait.ge [sflag:s21], $0x1000  }
0x22: {  	[sflag:s21] =	ssyncset.done $0x0  }
0x23: {  	[sflag:s21] =	ssyncadd.s32 $0xFFFFF000  }
0x24: {  	[spmem:s8] =	stream.linear.scatter [tilespmem:s22], [sflag:$0x3], $0x1000, $0x38;
	[tilespmem:$0x16000] =	vst v63  }
0x25: {  	_ =	swait.ge [sflag:s21], $0x1000  }
0x26: {  	[sflag:s21] =	ssyncset.done $0x0  }
0x27: {  	[sflag:s21] =	ssyncadd.s32 $0xFFFFF000  }
0x28: {  	[spmem:s9] =	stream.linear.scatter [tilespmem:s22], [sflag:$0x3], $0x1000, $0x38;
	[tilespmem:$0x16000] =	vst v63  }
0x29: {  	_ =	swait.ge [sflag:s21], $0x1000  }
0x2a: {  	[sflag:s21] =	ssyncset.done $0x0  }
0x2b: {  	[sflag:s21] =	ssyncadd.s32 $0xFFFFF000  }
0x2c: {  	[spmem:s10] =	stream.linear.scatter [tilespmem:s22], [sflag:$0x3], $0x1000, $0x38;
	[tilespmem:$0x16000] =	vst v63  }
0x2d: {  	_ =	swait.ge [sflag:s21], $0x1000  }
0x2e: {  	[sflag:s21] =	ssyncset.done $0x0  }
0x2f: {  	[sflag:s21] =	ssyncadd.s32 $0xFFFFF000  }
0x30: {  	[spmem:s11] =	stream.linear.scatter [tilespmem:s22], [sflag:$0x3], $0x1000, $0x38;
	[tilespmem:$0x16000] =	vst v63  }
0x31: {  	_ =	swait.ge [sflag:s21], $0x1000  }
0x32: {  	[sflag:s21] =	ssyncset.done $0x0  }
0x33: {  	[sflag:s21] =	ssyncadd.s32 $0xFFFFF000  }
0x34: {  	s30 =	simm.s32 $0x0;
	[bflag:$0x0] =	sbarrier.arrive $0xFFFF  }
0x35: {  	[tilespmem:s30], [sflag:$0x3] =	stream.linear.gather [hbm4b:s12+s30], $0x5000, $0x38;
	[tilespmem:$0x16000] =	vst v63  }
0x36: {  	_ =	swait.ge [sflag:s21], $0x5000  }
0x37: {  	[sflag:s21] =	ssyncset.done $0x0  }
0x38: {  	s1 =	simm.s32 $0x5000;
	[sflag:s21] =	ssyncadd.s32 $0xFFFFB000  }
0x39: {  	[tilespmem:s1], [sflag:$0x3] =	stream.linear.gather [hbm4b:s13+s30], $0x5000, $0x38;
	[tilespmem:$0x16000] =	vst v63  }
0x3a: {  	_ =	swait.ge [sflag:s21], $0x5000  }
0x3b: {  	[sflag:s21] =	ssyncset.done $0x0  }
0x3c: {  	[sflag:s21] =	ssyncadd.s32 $0xFFFFB000  }
0x3d: {  	[tilespmem:s22], [sflag:$0x1] =	stream.indirect.gather [spmem:s2], $0x20, s30, s24, $0xb8;
	[tilespmem:$0x16000] =	vst v63  }
0x3e: {  	s1 =	simm.s32 $0x80  }
0x3f: {  	[tilespmem:s25], [sflag:$0x2] =	stream.indirect.gather [spmem:s2], $0x20, s1, s24, $0xb8;
	[tilespmem:$0x16000] =	vst v63  }
0x40: {  	_ =	swait.ge [sflag:s26], $0x1000  }
0x41: {  	[sflag:s26] =	ssyncset.done $0x0  }
0x42: {  	s23 =	simm.s32 $0x5000;
	[sflag:s26] =	ssyncadd.s32 $0xFFFFF000  }
0x43: {  	[spmem:s3] =	stream.indirect.scatter.add.f32 [tilespmem:s22], [sflag:$0x3], $0x20, s23, s24, $0xb8;
	[tilespmem:$0x16000] =	vst v63  }
0x44: {  	_ =	swait.ge [sflag:s21], $0x1000  }
0x45: {  	[sflag:s21] =	ssyncset.done $0x0  }
0x46: {  	s29 =	simm.s32 $0x100;
	[sflag:s21] =	ssyncadd.s32 $0xFFFFF000  }
0x47: {  	[tilespmem:s22], [sflag:$0x1] =	stream.indirect.gather [spmem:s2], $0x20, s29, s24, $0xb8;
	[tilespmem:$0x16000] =	vst v63  }
0x48: {  	_ =	swait.ge [sflag:s28], $0x1000  }
0x49: {  	[sflag:s28] =	ssyncset.done $0x0  }
0x4a: {  	s30 =	simm.s32 $0x5080;
	[sflag:s28] =	ssyncadd.s32 $0xFFFFF000  }
0x4b: {  	[spmem:s3] =	stream.indirect.scatter.add.f32 [tilespmem:s25], [sflag:$0x3], $0x20, s30, s24, $0xb8;
	[tilespmem:$0x16000] =	vst v63  }
0x4c: {  	_ =	swait.ge [sflag:s21], $0x1000  }
0x4d: {  	s0 =	simm.s32 $0x800;
	s1 =	simm.s32 $0x100;
	[sflag:s21] =	ssyncset.done $0x0  }
.LBB2_4:
0x4e: {  	s23 =	sadd.s32 $0x80, s1  }
0x4f: {  	[sflag:s21] =	ssyncadd.s32 $0xFFFFF000;
	s29 =	smov.u32 s0;
	s30 =	sadd.s32 $0x400, s0  }
0x50: {  	[tilespmem:s25], [sflag:$0x2] =	stream.indirect.gather [spmem:s2], $0x20, s23, s24, $0xb8;
	[tilespmem:$0x16000] =	vst v63  }
0x51: {  	p0 =	sne.s32 s0, $0x13800;
	_ =	swait.ge [sflag:s26], $0x1000  }
0x52: {  	[sflag:s26] =	ssyncset.done $0x0  }
0x53: {  	s0 =	sadd.s32 $0x5000, s1;
	[sflag:s26] =	ssyncadd.s32 $0xFFFFF000  }
0x54: {  	[spmem:s3] =	stream.indirect.scatter.add.f32 [tilespmem:s22], [sflag:$0x3], $0x20, s0, s24, $0xb8;
	[tilespmem:$0x16000] =	vst v63  }
0x55: {  	_ =	swait.ge [sflag:s21], $0x1000  }
0x56: {  	[sflag:s21] =	ssyncset.done $0x0  }
0x57: {  	s0 =	sadd.s32 $0x100, s1;
	[sflag:s21] =	ssyncadd.s32 $0xFFFFF000  }
0x58: {  	[tilespmem:s22], [sflag:$0x1] =	stream.indirect.gather [spmem:s2], $0x20, s0, s24, $0xb8;
	[tilespmem:$0x16000] =	vst v63  }
0x59: {  	_ =	swait.ge [sflag:s28], $0x1000  }
.Ltmp1:
0x5a: {  	[sflag:s28] =	ssyncset.done $0x0;
	(pc) =	sbr.rel @p0 .LBB2_4-.Ltmp1, $4  }
0x5b: {  	s0 =	sadd.s32 $0x5080, s1;
	[sflag:s28] =	ssyncadd.s32 $0xFFFFF000  }
0x5c: {  	[spmem:s3] =	stream.indirect.scatter.add.f32 [tilespmem:s25], [sflag:$0x3], $0x20, s0, s24, $0xb8;
	[tilespmem:$0x16000] =	vst v63  }
0x5d: {  	_ =	swait.ge [sflag:s21], $0x1000  }
0x5e: {  	s1 =	sshra.s32 s29, $0x2;
	s0 =	smov.u32 s30;
	[sflag:s21] =	ssyncset.done $0x0  }
0x5f: {  	s0 =	sadd.s32 $0x80, s1;
	[sflag:s21] =	ssyncadd.s32 $0xFFFFF000  }
0x60: {  	[tilespmem:s25], [sflag:$0x2] =	stream.indirect.gather [spmem:s2], $0x20, s0, s24, $0xb8;
	[tilespmem:$0x16000] =	vst v63  }
0x61: {  	_ =	swait.ge [sflag:s26], $0x1000  }
0x62: {  	[sflag:s26] =	ssyncset.done $0x0  }
0x63: {  	s29 =	sadd.s32 $0x5000, s1;
	[sflag:s26] =	ssyncadd.s32 $0xFFFFF000  }
0x64: {  	[spmem:s3] =	stream.indirect.scatter.add.f32 [tilespmem:s22], [sflag:$0x3], $0x20, s29, s24, $0xb8;
	[tilespmem:$0x16000] =	vst v63  }
0x65: {  	_ =	swait.ge [sflag:s21], $0x1000  }
0x66: {  	[sflag:s21] =	ssyncset.done $0x0  }
0x67: {  	s30 =	sadd.s32 $0x100, s1;
	[sflag:s21] =	ssyncadd.s32 $0xFFFFF000  }
0x68: {  	[tilespmem:s22], [sflag:$0x1] =	stream.indirect.gather [spmem:s2], $0x20, s30, s24, $0xb8;
	[tilespmem:$0x16000] =	vst v63  }
0x69: {  	_ =	swait.ge [sflag:s28], $0x1000  }
0x6a: {  	[sflag:s28] =	ssyncset.done $0x0  }
0x6b: {  	s1 =	sadd.s32 $0x5080, s1;
	[sflag:s28] =	ssyncadd.s32 $0xFFFFF000  }
0x6c: {  	[spmem:s3] =	stream.indirect.scatter.add.f32 [tilespmem:s25], [sflag:$0x3], $0x20, s1, s24, $0xb8;
	[tilespmem:$0x16000] =	vst v63  }
0x6d: {  	_ =	swait.ge [sflag:s21], $0x1000  }
0x6e: {  	[sflag:s21] =	ssyncset.done $0x0  }
0x6f: {  	s23 =	simm.s32 $0x4F80;
	[sflag:s21] =	ssyncadd.s32 $0xFFFFF000  }
0x70: {  	[tilespmem:s25], [sflag:$0x2] =	stream.indirect.gather [spmem:s2], $0x20, s23, s24, $0xb8;
	[tilespmem:$0x16000] =	vst v63  }
0x71: {  	_ =	swait.ge [sflag:s26], $0x1000  }
0x72: {  	[sflag:s26] =	ssyncset.done $0x0  }
0x73: {  	s29 =	simm.s32 $0x9F00;
	[sflag:s26] =	ssyncadd.s32 $0xFFFFF000  }
0x74: {  	[spmem:s3] =	stream.indirect.scatter.add.f32 [tilespmem:s22], [sflag:$0x3], $0x20, s29, s24, $0xb8;
	[tilespmem:$0x16000] =	vst v63  }
0x75: {  	_ =	swait.ge [sflag:s21], $0x1000  }
0x76: {  	[sflag:s21] =	ssyncset.done $0x0  }
0x77: {  	[sflag:s21] =	ssyncadd.s32 $0xFFFFF000  }
0x78: {  	_ =	swait.ge [sflag:s28], $0x1000  }
0x79: {  	[sflag:s28] =	ssyncset.done $0x0  }
0x7a: {  	[sflag:s28] =	ssyncadd.s32 $0xFFFFF000  }
0x7b: {  	[spmem:s3] =	stream.indirect.scatter.add.f32 [tilespmem:s25], [sflag:$0x3], $0x20, s31, s24, $0xb8;
	[tilespmem:$0x16000] =	vst v63  }
0x7c: {  	_ =	swait.ge [sflag:s21], $0x1000  }
0x7d: {  	[sflag:s21] =	ssyncset.done $0x0  }
0x7e: {  	[sflag:s21] =	ssyncadd.s32 $0xFFFFF000  }
0x7f: {  	s30 =	sshrl.u32 s7, $0x3;
	[bflag:$0x0] =	sbarrier.arrive $0xFFFF  }
0x80: {  	[hbm:s14], [sflag:s6] =	dma.local [spmem:s30], $0x200  }
0x81: {  	_ =	swait.ge [sflag:s21], $0x200  }
0x82: {  	[sflag:s21] =	ssyncset.done $0x0  }
0x83: {  	s1 =	sshrl.u32 s8, $0x3;
	[sflag:s21] =	ssyncadd.s32 $0xFFFFFE00  }
0x84: {  	[hbm:s15], [sflag:s6] =	dma.local [spmem:s1], $0x200  }
0x85: {  	_ =	swait.ge [sflag:s21], $0x200  }
0x86: {  	[sflag:s21] =	ssyncset.done $0x0  }
0x87: {  	s23 =	sshrl.u32 s9, $0x3;
	[sflag:s21] =	ssyncadd.s32 $0xFFFFFE00  }
0x88: {  	[hbm:s16], [sflag:s6] =	dma.local [spmem:s23], $0x200  }
0x89: {  	_ =	swait.ge [sflag:s21], $0x200  }
0x8a: {  	[sflag:s21] =	ssyncset.done $0x0  }
0x8b: {  	s29 =	sshrl.u32 s10, $0x3;
	[sflag:s21] =	ssyncadd.s32 $0xFFFFFE00  }
0x8c: {  	[hbm:s17], [sflag:s6] =	dma.local [spmem:s29], $0x200  }
0x8d: {  	s4 =	sadd.s32 $0x1, s4;
	_ =	swait.ge [sflag:s21], $0x200  }
0x8e: {  	p0 =	sne.s32 s4, s19;
	[sflag:s21] =	ssyncset.done $0x0  }
.Ltmp2:
0x8f: {  	s30 =	sshrl.u32 s11, $0x3;
	[sflag:s21] =	ssyncadd.s32 $0xFFFFFE00;
	(pc) =	sbr.rel @p0 .LBB2_1-.Ltmp2, $4  }
0x90: {  	[hbm:s18], [sflag:s6] =	dma.local [spmem:s30], $0x200  }
0x91: {  	_ =	swait.ge [sflag:s21], $0x200  }
0x92: {  	[sflag:s21] =	ssyncset.done $0x0  }
0x93: {  	[sflag:s21] =	ssyncadd.s32 $0xFFFFFE00  }
0x94: {  	_ =	sfence.sel $0x180000  }
0x95: {  	[bflag:$0x0] =	sbarrier.arrive $0xFFFF  }
0x96: {  	_ =	strace $0x90000053  }
0x97: {  	s0 =	stileid.u32;
	[bflag:$0x2] =	sbarrier.arrive $0xFFFF  }
0x98: {  	p0 =	sne.s32 s0, $0x0;
	s0 =	rddreg [dreg:$0x3]  }
0x99: {  	s0 =	sadd.s32 @!p0 $0x100000, s0  }
0x9a: {  	[sflag:s0] =	ssyncadd.tile.s32 @!p0 $0x1;
	_ =	shalt  }
.Lfunc_end2:
_tile_overlayer_lowered:
.L_overlay_start_2:
0x9b: {  	(tag) =	ssettag $0x2  }
0x9c: {  	s0 =	rddreg [dreg:$0x0];
	s2 =	stileid.u32  }
0x9d: {  	s1 =	rddreg [dreg:$0x1];
	p0 =	sne.s32 s2, $0x0  }
0x9e: {  	s3 =	rddreg [dreg:$0x2];
	[bflag:$0x3] =	sbarrier.arrive $0xFFFF;
	s2 =	simm.s32 @!p0 $0x1C03  }
0x9f: {  	[timem:s3], [sflag:s2] =	dma.local @!p0 [hbm:s0], s1  }
0xa0: {  	s0 =	simm.s32 @!p0 $0x3  }
0xa1: {  	_ =	swait.ge @!p0 [sflag:s0], s1  }
0xa2: {  	s1 =	ssub.s32 @!p0 $0x0, s1;
	[sflag:s0] =	ssyncset.done @!p0 $0x0  }
0xa3: {  	[sflag:s0] =	ssyncadd.s32 @!p0 s1  }
0xa4: {  	[bflag:$0x3] =	sbarrier.arrive $0xFFFF  }
0xa5: {  	_ =	shalt  }

</sc_bundles>
